<compile_context>
chip_gen: v7x
topology: tpu7x:2x2x1
jax: 0.10.2.dev20260603
libtpu: 0.0.44.dev20260713+nightly
codegen_flags: <defaults>
</compile_context>

<pallas_src>
import jax
import jax.numpy as jnp
from jax import lax
from jax.experimental import pallas as pl
from jax.experimental.pallas import tpu as pltpu
from jax.experimental.pallas import tpu_sc as plsc

N = 10000
E = 320000
D = 128
H = 2
NEG = 0.2
EPS = 1e-5

NP = 10240
NT = 16
CHUNK = 64
EPT = 20480
NCH = EPT // CHUNK
EPAD = NT * EPT
ROWS_PT = NP // NT
DB = 1280
BLK = 1024
GRID = NP // BLK


def _proj_body(x_ref, wl_ref, wr_ref, xl_ref, xr_ref):
    x = x_ref[...]
    xl = jnp.dot(x, wl_ref[...], preferred_element_type=jnp.float32)
    xr = jnp.dot(x, wr_ref[...], preferred_element_type=jnp.float32)
    xl_ref[0] = xl[:, :D]
    xl_ref[1] = xl[:, D:]
    xr_ref[0] = xr[:, :D]
    xr_ref[1] = xr[:, D:]


def _proj(xp, W_l, W_r):
    return pl.pallas_call(
        _proj_body,
        grid=(GRID,),
        in_specs=[
            pl.BlockSpec((BLK, D), lambda i: (i, 0)),
            pl.BlockSpec((D, H * D), lambda i: (0, 0)),
            pl.BlockSpec((D, H * D), lambda i: (0, 0)),
        ],
        out_specs=[
            pl.BlockSpec((H, BLK, D), lambda i: (0, i, 0)),
            pl.BlockSpec((H, BLK, D), lambda i: (0, i, 0)),
        ],
        out_shape=[
            jax.ShapeDtypeStruct((H, NP, D), jnp.float32),
            jax.ShapeDtypeStruct((H, NP, D), jnp.float32),
        ],
    )(xp, W_l, W_r)


def _edge_body(idx_hbm, xls_hbm, xrs_hbm, att_hbm,
               accum_hbm, denom_hbm,
               idx_v, off_v, xlr, xrr, exc_v, att_v, denom_v,
               accum_sp, semg):
    SB = 8
    lane0 = lax.iota(jnp.int32, 16) == 0
    cid = lax.axis_index("c")
    sid = lax.axis_index("s")
    off = (cid * NP).astype(jnp.int32)
    ebase = sid * EPT

    pltpu.sync_copy(att_hbm.at[cid], att_v)

    def _zd(i, _):
        denom_v[i // 80, pl.ds((i % 80) * 16, 16)] = jnp.zeros((16,), jnp.float32)
        return 0
    lax.fori_loop(0, 8 * (DB // 16), _zd, 0)

    def _zx(i, _):
        xlr[0, i // 8, pl.ds((i % 8) * 16, 16)] = jnp.zeros((16,), jnp.float32)
        return 0
    lax.fori_loop(0, CHUNK * 8, _zx, 0)
    base = sid * ROWS_PT
    for k in range(ROWS_PT // CHUNK):
        pltpu.sync_copy(xlr.at[0], accum_sp.at[pl.ds(base + k * CHUNK, CHUNK)])
    plsc.subcore_barrier()

    def _stage(sj, qs):
        pltpu.sync_copy(idx_hbm.at[sid, sj], idx_v.at[qs])

    def _start(j, q):
        qs = (j // SB) % 2
        c = j % SB
        for k in range(CHUNK // 16):
            sl = pl.ds(k * 16, 16)
            off_v[q, 0, sl] = idx_v[qs, c, 0, sl] + off
            off_v[q, 1, sl] = idx_v[qs, c, 1, sl] + off
        pltpu.async_copy(xls_hbm.at[off_v.at[q, 0]], xlr.at[q], semg.at[q])
        pltpu.async_copy(xrs_hbm.at[off_v.at[q, 1]], xrr.at[q], semg.at[q])

    _stage(0, 0)
    _start(0, 0)

    def _chunk(j, _):
        q = j % 2
        qn = 1 - q
        @pl.when(j % SB == 0)
        def _():
            @pl.when(j + SB < NCH)
            def _():
                _stage(j // SB + 1, (j // SB + 1) % 2)
        @pl.when(j + 1 < NCH)
        def _():
            _start(j + 1, qn)

        pltpu.make_async_copy(xls_hbm.at[off_v.at[q, 0]], xlr.at[q],
                              semg.at[q]).wait()
        pltpu.make_async_copy(xrs_hbm.at[off_v.at[q, 1]], xrr.at[q],
                              semg.at[q]).wait()

        att_regs = tuple(att_v[pl.ds(g * 16, 16)] for g in range(8))

        def _edge(i, ats):
            e0 = i * 2
            e1 = e0 + 1
            acc0 = jnp.zeros((16,), jnp.float32)
            acc1 = jnp.zeros((16,), jnp.float32)
            for g in range(8):
                sl = pl.ds(g * 16, 16)
                u0 = xlr[q, e0, sl] + xrr[q, e0, sl]
                u1 = xlr[q, e1, sl] + xrr[q, e1, sl]
                u0 = jnp.where(u0 >= 0.0, u0, NEG * u0)
                u1 = jnp.where(u1 >= 0.0, u1, NEG * u1)
                acc0 = acc0 + u0 * ats[g]
                acc1 = acc1 + u1 * ats[g]
            logit0 = jnp.sum(acc0)
            logit1 = jnp.sum(acc1)
            v0 = jnp.where(ebase + j * CHUNK + e0 < E, 1.0, 0.0)
            v1 = jnp.where(ebase + j * CHUNK + e1 < E, 1.0, 0.0)
            ex0 = jnp.exp(jnp.full((16,), logit0)) * v0
            ex1 = jnp.exp(jnp.full((16,), logit1)) * v1
            for g in range(8):
                sl = pl.ds(g * 16, 16)
                xlr[q, e0, sl] = xlr[q, e0, sl] * ex0
                xlr[q, e1, sl] = xlr[q, e1, sl] * ex1
            plsc.store_compressed(exc_v.at[pl.ds(e0, 16)], ex0, mask=lane0)
            plsc.store_compressed(exc_v.at[pl.ds(e1, 16)], ex1, mask=lane0)
            return ats
        lax.fori_loop(0, CHUNK // 2, _edge, att_regs)

        qs = (j // SB) % 2
        c = j % SB
        for k in range(CHUNK // 16):
            didx = idx_v[qs, c, 1, pl.ds(k * 16, 16)]
            exv = exc_v[pl.ds(k * 16, 16)]
            plsc.addupdate_scatter(denom_v, [didx // DB, didx % DB], exv)

        pltpu.sync_copy(xlr.at[q], accum_sp.at[idx_v.at[qs, c, 1]], add=True)
        return 0
    lax.fori_loop(0, NCH, _chunk, 0)

    plsc.subcore_barrier()

    pltpu.sync_copy(accum_sp.at[pl.ds(base, ROWS_PT)],
                    accum_hbm.at[cid, pl.ds(base, ROWS_PT)])
    pltpu.sync_copy(denom_v, denom_hbm.at[cid, sid])


def _edges(idx4d, xls2, xrs2, att):
    mesh = plsc.VectorSubcoreMesh(core_axis_name="c", subcore_axis_name="s")
    return pl.kernel(
        _edge_body,
        out_type=[
            jax.ShapeDtypeStruct((H, NP, D), jnp.float32),
            jax.ShapeDtypeStruct((H, NT, 8, DB), jnp.float32),
        ],
        mesh=mesh,
        compiler_params=pltpu.CompilerParams(needs_layout_passes=False),
        scratch_types=[
            pltpu.VMEM((2, 8, 2, CHUNK), jnp.int32),
            pltpu.VMEM((2, 2, CHUNK), jnp.int32),
            pltpu.VMEM((2, CHUNK, D), jnp.float32),
            pltpu.VMEM((2, CHUNK, D), jnp.float32),
            pltpu.VMEM((CHUNK + 16,), jnp.float32),
            pltpu.VMEM((D,), jnp.float32),
            pltpu.VMEM((8, DB), jnp.float32),
            pltpu.VMEM_SHARED((NP, D), jnp.float32),
            pltpu.SemaphoreType.DMA((2,)),
        ],
    )(idx4d, xls2, xrs2, att)


def _comb_body(xl_ref, xr_ref, acc_ref, den_ref, att_ref,
               out_ref, ps_ref, pss_ref):
    pid = pl.program_id(0)
    out = jnp.zeros((BLK, D), jnp.float32)
    for h in range(H):
        xlh = xl_ref[h]
        u = xlh + xr_ref[h]
        u = jnp.where(u >= 0.0, u, NEG * u)
        slex = jnp.exp(jnp.sum(u * att_ref[h][None, :], axis=-1))
        num = acc_ref[h] + slex[:, None] * xlh
        den = jnp.sum(den_ref[h, :, pl.ds(pid * BLK, BLK)], axis=0) + slex
        out = out + num / den[:, None]
    out = 0.5 * out
    out_ref[...] = out
    ps_ref[...] = jnp.pad(jnp.sum(out, axis=0, keepdims=True), ((0, 7), (0, 0)))
    pss_ref[...] = jnp.pad(jnp.sum(out * out, axis=0, keepdims=True),
                           ((0, 7), (0, 0)))


def _combine(xls, xrs, accum, denom, att):
    return pl.pallas_call(
        _comb_body,
        grid=(GRID,),
        in_specs=[
            pl.BlockSpec((H, BLK, D), lambda i: (0, i, 0)),
            pl.BlockSpec((H, BLK, D), lambda i: (0, i, 0)),
            pl.BlockSpec((H, BLK, D), lambda i: (0, i, 0)),
            pl.BlockSpec((H, NT, NP), lambda i: (0, 0, 0)),
            pl.BlockSpec((H, D), lambda i: (0, 0)),
        ],
        out_specs=[
            pl.BlockSpec((BLK, D), lambda i: (i, 0)),
            pl.BlockSpec((8, D), lambda i: (i, 0)),
            pl.BlockSpec((8, D), lambda i: (i, 0)),
        ],
        out_shape=[
            jax.ShapeDtypeStruct((NP, D), jnp.float32),
            jax.ShapeDtypeStruct((GRID * 8, D), jnp.float32),
            jax.ShapeDtypeStruct((GRID * 8, D), jnp.float32),
        ],
    )(xls, xrs, accum, denom, att)


def _bn_body(x_ref, ps_ref, pss_ref, g_ref, b_ref, out_ref):
    mu = jnp.sum(ps_ref[...], axis=0, keepdims=True) / N
    ms = jnp.sum(pss_ref[...], axis=0, keepdims=True) / N
    var = ms - mu * mu
    y = g_ref[...] * (x_ref[...] - mu) * lax.rsqrt(var + EPS) + b_ref[...]
    out_ref[...] = jnp.where(y >= 0.0, y, NEG * y)


def _bn(out_pre, psum, psumsq, gamma, beta):
    return pl.pallas_call(
        _bn_body,
        grid=(GRID,),
        in_specs=[
            pl.BlockSpec((BLK, D), lambda i: (i, 0)),
            pl.BlockSpec((GRID * 8, D), lambda i: (0, 0)),
            pl.BlockSpec((GRID * 8, D), lambda i: (0, 0)),
            pl.BlockSpec((1, D), lambda i: (0, 0)),
            pl.BlockSpec((1, D), lambda i: (0, 0)),
        ],
        out_specs=pl.BlockSpec((BLK, D), lambda i: (i, 0)),
        out_shape=jax.ShapeDtypeStruct((NP, D), jnp.float32),
    )(out_pre, psum, psumsq, gamma, beta)


def kernel(x, edge_index, W_l, W_r, att, gamma, beta):
    xp = jnp.pad(x, ((0, NP - N), (0, 0)))
    xls, xrs = _proj(xp, W_l, W_r)
    xls2 = xls.reshape(H * NP, D)
    xrs2 = xrs.reshape(H * NP, D)

    pad = EPAD - E
    src3 = jnp.pad(edge_index[0], (0, pad)).reshape(NT, NCH, 1, CHUNK)
    dst3 = jnp.pad(edge_index[1], (0, pad)).reshape(NT, NCH, 1, CHUNK)
    idx4d = jnp.concatenate([src3, dst3], axis=2).reshape(NT, NCH // 8, 8, 2, CHUNK)

    accum, denom = _edges(idx4d, xls2, xrs2, att)
    denom3 = denom.reshape(H, NT, NP)
    out_pre, psum, psumsq = _combine(xls, xrs, accum, denom3, att)
    y = _bn(out_pre, psum, psumsq, gamma.reshape(1, D), beta.reshape(1, D))
    return y[:N]

# --- scband reference (transcript-rebuilt; emitter-appended) ---
"""Pipeline reference for scband-gcnblock-33440615366871 (READ-ONLY COPY).

The authoritative reference and input builder live on the scoring server;
editing this copy changes nothing except your own understanding.
"""

import jax, jax.numpy as jnp
import numpy as np

N = 10000
E = 320000
D = 128
H = 2
NEG_SLOPE = 0.2
EPS = 1e-5


def _leaky(v, slope=NEG_SLOPE):
    return jnp.where(v >= 0, v, slope * v)


def setup_inputs(seed: int = 0) -> dict:
    key = jax.random.key(seed)
    ks = jax.random.split(key, 8)
    x = jax.random.normal(ks[0], (N, D), dtype=jnp.float32)
    edge_index = jax.random.randint(ks[1], (2, E), 0, N, dtype=jnp.int32)
    # GATv2Conv params: lin_l / lin_r map in_channels -> heads*out_channels, att: [H, out]
    s = 1.0 / np.sqrt(D)
    W_l = jax.random.normal(ks[2], (D, H * D), dtype=jnp.float32) * s
    W_r = jax.random.normal(ks[3], (D, H * D), dtype=jnp.float32) * s
    att = jax.random.normal(ks[4], (H, D), dtype=jnp.float32) * s
    gamma = jnp.ones((D,), dtype=jnp.float32)
    beta = jnp.zeros((D,), dtype=jnp.float32)
    return {"x": x, "edge_index": edge_index, "W_l": W_l, "W_r": W_r, "att": att, "gamma": gamma, "beta": beta}


def reference(x, edge_index, W_l, W_r, att, gamma, beta):
    # GATv2Conv(in=128, out=128, heads=2, concat=False, bias=False, add_self_loops=True)
    loop = jnp.arange(N, dtype=edge_index.dtype)
    src = jnp.concatenate([edge_index[0], loop])
    dst = jnp.concatenate([edge_index[1], loop])
    x_l = (x @ W_l).reshape(N, H, D)  # source transform
    x_r = (x @ W_r).reshape(N, H, D)  # target transform
    head_outs = []
    for h in range(H):
        xl_h = x_l[:, h, :]                                # [N, D]
        xr_h = x_r[:, h, :]                                # [N, D]
        e_h = _leaky(xl_h[src] + xr_h[dst])                # [Etot, D]
        logits_h = jnp.sum(e_h * att[h][None, :], axis=-1)  # [Etot]
        # softmax over incoming edges per destination node
        m_h = jax.ops.segment_max(logits_h, dst, num_segments=N)  # [N]
        logits_h = logits_h - jax.lax.stop_gradient(m_h)[dst]
        ex_h = jnp.exp(logits_h)
        denom_h = jax.ops.segment_sum(ex_h, dst, num_segments=N)  # [N]
        alpha_h = ex_h / denom_h[dst]
        msg_h = alpha_h[:, None] * xl_h[src]               # [Etot, D]
        head_outs.append(jax.ops.segment_sum(msg_h, dst, num_segments=N))  # [N, D]
    out = jnp.stack(head_outs, axis=1)                     # [N, H, D]
    out = jnp.mean(out, axis=1)                            # concat=False -> mean heads
    # BatchNorm1d (training mode, batch statistics)
    mu = jnp.mean(out, axis=0)
    var = jnp.mean((out - mu) ** 2, axis=0)
    xn = (out - mu) / jnp.sqrt(var + EPS)
    y = gamma * xn + beta
    # LeakyReLU(negative_slope=0.2)
    return _leaky(y, 0.2)

if __name__ == "__main__":
    import jax
    _d = setup_inputs()
    print(jax.jit(kernel)(*tuple(_d.values())))

</pallas_src>

<mosaic_0001>
#map = affine_map<(d0, d1) -> (0, 0, 0, 0, 0)>
#map1 = affine_map<(d0, d1) -> (0, 0)>
#map2 = affine_map<(d0, d1) -> (0, 0, 0)>
#map3 = affine_map<(d0, d1) -> (0, 0, 0, 0)>
module attributes {stable_mosaic.version = 14 : i64} {
  func.func @_edge_body(%arg0: i32, %arg1: i32, %arg2: memref<16x40x8x2x64xi32, #tpu.memory_space<hbm>>, %arg3: memref<20480x128xf32, #tpu.memory_space<hbm>>, %arg4: memref<20480x128xf32, #tpu.memory_space<hbm>>, %arg5: memref<2x128xf32, #tpu.memory_space<hbm>>, %arg6: memref<2x10240x128xf32, #tpu.memory_space<hbm>>, %arg7: memref<2x16x8x1280xf32, #tpu.memory_space<hbm>>, %arg8: memref<2x8x2x64xi32, #tpu.memory_space<vmem>>, %arg9: memref<2x2x64xi32, #tpu.memory_space<vmem>>, %arg10: memref<2x64x128xf32, #tpu.memory_space<vmem>>, %arg11: memref<2x64x128xf32, #tpu.memory_space<vmem>>, %arg12: memref<80xf32, #tpu.memory_space<vmem>>, %arg13: memref<128xf32, #tpu.memory_space<vmem>>, %arg14: memref<8x1280xf32, #tpu.memory_space<vmem>>, %arg15: memref<10240x128xf32, #tpu.memory_space<vmem_shared>>, %arg16: memref<2x!tpu.dma_semaphore, #tpu.memory_space<semaphore_mem>>) attributes {dimension_semantics = [#tpu.dimension_semantics<core_parallel>, #tpu.dimension_semantics<subcore_parallel>], iteration_bounds = array<i64: 2, 16>, scalar_prefetch = 0 : i64, scratch_operands = 9 : i64, tpu.core_type = #tpu.core_type<sc_vector_subcore>, window_params = [{transform_indices = #map}, {transform_indices = #map1}, {transform_indices = #map1}, {transform_indices = #map1}, {transform_indices = #map2}, {transform_indices = #map3}]} {
    %iota3A = tpu.iota {dimensions = array<i32: 0>} : vector<16xi32>
    %eq3A = arith.constant 0 : i32
    %eq3A_0 = vector.broadcast %eq3A : i32 to vector<16xi32>
    %eq3A_1 = arith.cmpi eq, %iota3A, %eq3A_0 : vector<16xi32>
    %mul3A = arith.constant 10240 : i32
    %mul3A_2 = arith.muli %arg0, %mul3A : i32
    %mul3A_3 = arith.constant 20480 : i32
    %mul3A_4 = arith.muli %arg1, %mul3A_3 : i32
    "tpu.region"() ({
      %run_scoped3A_215 = tpu.sem_alloc : memref<!tpu.dma_semaphore, #tpu.memory_space<semaphore_mem>>
      %dma_start3A_216 = arith.constant 0 : i32
      %dma_start3A_217 = tpu.memref_slice %arg5[%arg0, %dma_start3A_216] : memref<2x128xf32, #tpu.memory_space<hbm>> -> memref<1x128xf32, #tpu.memory_space<hbm>>
      %dma_start3A_218 = tpu.memref_squeeze %dma_start3A_217 : memref<1x128xf32, #tpu.memory_space<hbm>> -> memref<128xf32, #tpu.memory_space<hbm>>
      %dma_start3A_219 = arith.constant 0 : i32
      %dma_start3A_220 = tpu.memref_slice %arg5[%arg0, %dma_start3A_219] : memref<2x128xf32, #tpu.memory_space<hbm>> -> memref<1x128xf32, #tpu.memory_space<hbm>>
      %dma_start3A_221 = tpu.memref_squeeze %dma_start3A_220 : memref<1x128xf32, #tpu.memory_space<hbm>> -> memref<128xf32, #tpu.memory_space<hbm>>
      tpu.enqueue_dma source(%dma_start3A_221 : memref<128xf32, #tpu.memory_space<hbm>>) target(%arg13 : memref<128xf32, #tpu.memory_space<vmem>>) target_semaphore(%run_scoped3A_215 : memref<!tpu.dma_semaphore, #tpu.memory_space<semaphore_mem>>)
      %dma_wait3A = arith.constant 0 : i32
      %dma_wait3A_222 = tpu.memref_slice %arg5[%arg0, %dma_wait3A] : memref<2x128xf32, #tpu.memory_space<hbm>> -> memref<1x128xf32, #tpu.memory_space<hbm>>
      %dma_wait3A_223 = tpu.memref_squeeze %dma_wait3A_222 : memref<1x128xf32, #tpu.memory_space<hbm>> -> memref<128xf32, #tpu.memory_space<hbm>>
      %dma_wait3A_224 = arith.constant 0 : i32
      %dma_wait3A_225 = tpu.memref_slice %arg5[%arg0, %dma_wait3A_224] : memref<2x128xf32, #tpu.memory_space<hbm>> -> memref<1x128xf32, #tpu.memory_space<hbm>>
      %dma_wait3A_226 = tpu.memref_squeeze %dma_wait3A_225 : memref<1x128xf32, #tpu.memory_space<hbm>> -> memref<128xf32, #tpu.memory_space<hbm>>
      tpu.wait_dma2 semaphore(%run_scoped3A_215 : memref<!tpu.dma_semaphore, #tpu.memory_space<semaphore_mem>>) src(%dma_wait3A_226 : memref<128xf32, #tpu.memory_space<hbm>>) dst(%arg13 : memref<128xf32, #tpu.memory_space<vmem>>)
      tpu.yield
    }) : () -> ()
    %scan3A = arith.constant 0 : i32
    %scan3A_5 = arith.constant 0 : i32
    %scan3A_6 = arith.constant 640 : i32
    %scan3A_7 = arith.addi %scan3A_5, %scan3A_6 : i32
    %scan3A_8 = arith.constant 1 : i32
    %scan3A_9 = scf.for %scan3A_215 = %scan3A_5 to %scan3A_7 step %scan3A_8 iter_args(%scan3A_216 = %scan3A) -> (i32)  : i32 {
      %broadcast_in_dim3A = arith.constant 0.000000e+00 : f32
      %broadcast_in_dim3A_217 = vector.broadcast %broadcast_in_dim3A : f32 to vector<16xf32>
      %jit3A = arith.constant 80 : i32
      %div3A = arith.divsi %scan3A_215, %jit3A : i32
      %sign3A = arith.constant 0 : i32
      %sign3A_218 = arith.cmpi sgt, %scan3A_215, %sign3A : i32
      %sign3A_219 = arith.extui %sign3A_218 : i1 to i32
      %sign3A_220 = arith.constant 0 : i32
      %sign3A_221 = arith.cmpi slt, %scan3A_215, %sign3A_220 : i32
      %sign3A_222 = arith.extui %sign3A_221 : i1 to i32
      %sign3A_223 = arith.subi %sign3A_219, %sign3A_222 : i32
      %sign3A_224 = arith.constant 0 : i32
      %sign3A_225 = arith.cmpi sgt, %jit3A, %sign3A_224 : i32
      %sign3A_226 = arith.extui %sign3A_225 : i1 to i32
      %sign3A_227 = arith.constant 0 : i32
      %sign3A_228 = arith.cmpi slt, %jit3A, %sign3A_227 : i32
      %sign3A_229 = arith.extui %sign3A_228 : i1 to i32
      %sign3A_230 = arith.subi %sign3A_226, %sign3A_229 : i32
      %ne3A = arith.cmpi ne, %sign3A_223, %sign3A_230 : i32
      %rem3A = arith.remsi %scan3A_215, %jit3A : i32
      %ne3A_231 = arith.constant 0 : i32
      %ne3A_232 = arith.cmpi ne, %rem3A, %ne3A_231 : i32
      %and3A = arith.andi %ne3A, %ne3A_232 : i1
      %sub3A = arith.constant 1 : i32
      %sub3A_233 = arith.subi %div3A, %sub3A : i32
      %select_n3A = arith.select %and3A, %sub3A_233, %div3A : i32
      %jit3A_234 = arith.constant 80 : i32
      %eq3A_235 = arith.constant 0 : i32
      %eq3A_236 = arith.cmpi eq, %jit3A_234, %eq3A_235 : i32
      %jit3A_237 = arith.constant 1 : i32
      %select_n3A_238 = arith.select %eq3A_236, %jit3A_237, %jit3A_234 : i32
      %rem3A_239 = arith.remsi %scan3A_215, %select_n3A_238 : i32
      %ne3A_240 = arith.constant 0 : i32
      %ne3A_241 = arith.cmpi ne, %rem3A_239, %ne3A_240 : i32
      %lt3A = arith.constant 0 : i32
      %lt3A_242 = arith.cmpi slt, %rem3A_239, %lt3A : i32
      %lt3A_243 = arith.constant 0 : i32
      %lt3A_244 = arith.cmpi slt, %select_n3A_238, %lt3A_243 : i32
      %ne3A_245 = arith.xori %lt3A_242, %lt3A_244 : i1
      %and3A_246 = arith.andi %ne3A_245, %ne3A_241 : i1
      %add3A_247 = arith.addi %rem3A_239, %select_n3A_238 : i32
      %select_n3A_248 = arith.select %and3A_246, %add3A_247, %rem3A_239 : i32
      %mul3A_249 = arith.constant 16 : i32
      %mul3A_250 = arith.muli %select_n3A_248, %mul3A_249 : i32
      %swap3A_251 = arith.index_cast %select_n3A : i32 to index
      %swap3A_252 = arith.index_cast %mul3A_250 : i32 to index
      %swap3A_253 = tpu.vector_load %arg14[%swap3A_251, %swap3A_252] {strides = array<i32>} : memref<8x1280xf32, #tpu.memory_space<vmem>>, vector<16xf32>,
      tpu.vector_store %arg14[%swap3A_251, %swap3A_252], %broadcast_in_dim3A_217 {strides = array<i32>} : memref<8x1280xf32, #tpu.memory_space<vmem>>, vector<16xf32>,
      %scan3A_254 = arith.constant 0 : i32
      scf.yield %scan3A_254 : i32
    }
    %scan3A_10 = arith.constant 640 : i32
    %scan3A_11 = arith.constant 0 : i32
    %scan3A_12 = arith.constant 0 : i32
    %scan3A_13 = arith.constant 512 : i32
    %scan3A_14 = arith.addi %scan3A_12, %scan3A_13 : i32
    %scan3A_15 = arith.constant 1 : i32
    %scan3A_16 = scf.for %scan3A_215 = %scan3A_12 to %scan3A_14 step %scan3A_15 iter_args(%scan3A_216 = %scan3A_11) -> (i32)  : i32 {
      %broadcast_in_dim3A = arith.constant 0.000000e+00 : f32
      %broadcast_in_dim3A_217 = vector.broadcast %broadcast_in_dim3A : f32 to vector<16xf32>
      %jit3A = arith.constant 8 : i32
      %div3A = arith.divsi %scan3A_215, %jit3A : i32
      %sign3A = arith.constant 0 : i32
      %sign3A_218 = arith.cmpi sgt, %scan3A_215, %sign3A : i32
      %sign3A_219 = arith.extui %sign3A_218 : i1 to i32
      %sign3A_220 = arith.constant 0 : i32
      %sign3A_221 = arith.cmpi slt, %scan3A_215, %sign3A_220 : i32
      %sign3A_222 = arith.extui %sign3A_221 : i1 to i32
      %sign3A_223 = arith.subi %sign3A_219, %sign3A_222 : i32
      %sign3A_224 = arith.constant 0 : i32
      %sign3A_225 = arith.cmpi sgt, %jit3A, %sign3A_224 : i32
      %sign3A_226 = arith.extui %sign3A_225 : i1 to i32
      %sign3A_227 = arith.constant 0 : i32
      %sign3A_228 = arith.cmpi slt, %jit3A, %sign3A_227 : i32
      %sign3A_229 = arith.extui %sign3A_228 : i1 to i32
      %sign3A_230 = arith.subi %sign3A_226, %sign3A_229 : i32
      %ne3A = arith.cmpi ne, %sign3A_223, %sign3A_230 : i32
      %rem3A = arith.remsi %scan3A_215, %jit3A : i32
      %ne3A_231 = arith.constant 0 : i32
      %ne3A_232 = arith.cmpi ne, %rem3A, %ne3A_231 : i32
      %and3A = arith.andi %ne3A, %ne3A_232 : i1
      %sub3A = arith.constant 1 : i32
      %sub3A_233 = arith.subi %div3A, %sub3A : i32
      %select_n3A = arith.select %and3A, %sub3A_233, %div3A : i32
      %jit3A_234 = arith.constant 8 : i32
      %eq3A_235 = arith.constant 0 : i32
      %eq3A_236 = arith.cmpi eq, %jit3A_234, %eq3A_235 : i32
      %jit3A_237 = arith.constant 1 : i32
      %select_n3A_238 = arith.select %eq3A_236, %jit3A_237, %jit3A_234 : i32
      %rem3A_239 = arith.remsi %scan3A_215, %select_n3A_238 : i32
      %ne3A_240 = arith.constant 0 : i32
      %ne3A_241 = arith.cmpi ne, %rem3A_239, %ne3A_240 : i32
      %lt3A = arith.constant 0 : i32
      %lt3A_242 = arith.cmpi slt, %rem3A_239, %lt3A : i32
      %lt3A_243 = arith.constant 0 : i32
      %lt3A_244 = arith.cmpi slt, %select_n3A_238, %lt3A_243 : i32
      %ne3A_245 = arith.xori %lt3A_242, %lt3A_244 : i1
      %and3A_246 = arith.andi %ne3A_245, %ne3A_241 : i1
      %add3A_247 = arith.addi %rem3A_239, %select_n3A_238 : i32
      %select_n3A_248 = arith.select %and3A_246, %add3A_247, %rem3A_239 : i32
      %mul3A_249 = arith.constant 16 : i32
      %mul3A_250 = arith.muli %select_n3A_248, %mul3A_249 : i32
      %swap3A_251 = arith.constant 0 : i32
      %swap3A_252 = arith.index_cast %swap3A_251 : i32 to index
      %swap3A_253 = arith.index_cast %select_n3A : i32 to index
      %swap3A_254 = arith.index_cast %mul3A_250 : i32 to index
      %swap3A_255 = tpu.vector_load %arg10[%swap3A_252, %swap3A_253, %swap3A_254] {strides = array<i32>} : memref<2x64x128xf32, #tpu.memory_space<vmem>>, vector<16xf32>,
      tpu.vector_store %arg10[%swap3A_252, %swap3A_253, %swap3A_254], %broadcast_in_dim3A_217 {strides = array<i32>} : memref<2x64x128xf32, #tpu.memory_space<vmem>>, vector<16xf32>,
      %scan3A_256 = arith.constant 0 : i32
      scf.yield %scan3A_256 : i32
    }
    %scan3A_17 = arith.constant 512 : i32
    %mul3A_18 = arith.constant 640 : i32
    %mul3A_19 = arith.muli %arg1, %mul3A_18 : i32
    %add3A = arith.constant 0 : i32
    %add3A_20 = arith.addi %mul3A_19, %add3A : i32
    %run_scoped3A = arith.constant 0 : i32
    "tpu.region"() ({
      %run_scoped3A_215 = tpu.sem_alloc : memref<!tpu.dma_semaphore, #tpu.memory_space<semaphore_mem>>
      %dma_start3A_216 = arith.constant 0 : i32
      %dma_start3A_217 = arith.constant 0 : i32
      %dma_start3A_218 = tpu.memref_slice %arg10[%run_scoped3A, %dma_start3A_216, %dma_start3A_217] : memref<2x64x128xf32, #tpu.memory_space<vmem>> -> memref<1x64x128xf32, #tpu.memory_space<vmem>>
      %dma_start3A_219 = tpu.memref_squeeze %dma_start3A_218 : memref<1x64x128xf32, #tpu.memory_space<vmem>> -> memref<64x128xf32, #tpu.memory_space<vmem>>
      %dma_start3A_220 = arith.constant 0 : i32
      %dma_start3A_221 = tpu.memref_slice %arg15[%add3A_20, %dma_start3A_220] : memref<10240x128xf32, #tpu.memory_space<vmem_shared>> -> memref<64x128xf32, #tpu.memory_space<vmem_shared>>
      %dma_start3A_222 = arith.constant 0 : i32
      %dma_start3A_223 = tpu.memref_slice %arg15[%add3A_20, %dma_start3A_222] : memref<10240x128xf32, #tpu.memory_space<vmem_shared>> -> memref<64x128xf32, #tpu.memory_space<vmem_shared>>
      %dma_start3A_224 = arith.constant 0 : i32
      %dma_start3A_225 = arith.constant 0 : i32
      %dma_start3A_226 = tpu.memref_slice %arg10[%run_scoped3A, %dma_start3A_224, %dma_start3A_225] : memref<2x64x128xf32, #tpu.memory_space<vmem>> -> memref<1x64x128xf32, #tpu.memory_space<vmem>>
      %dma_start3A_227 = tpu.memref_squeeze %dma_start3A_226 : memref<1x64x128xf32, #tpu.memory_space<vmem>> -> memref<64x128xf32, #tpu.memory_space<vmem>>
      tpu.enqueue_dma source(%dma_start3A_227 : memref<64x128xf32, #tpu.memory_space<vmem>>) target(%dma_start3A_223 : memref<64x128xf32, #tpu.memory_space<vmem_shared>>) target_semaphore(%run_scoped3A_215 : memref<!tpu.dma_semaphore, #tpu.memory_space<semaphore_mem>>)
      %dma_wait3A = arith.constant 0 : i32
      %dma_wait3A_228 = arith.constant 0 : i32
      %dma_wait3A_229 = tpu.memref_slice %arg10[%run_scoped3A, %dma_wait3A, %dma_wait3A_228] : memref<2x64x128xf32, #tpu.memory_space<vmem>> -> memref<1x64x128xf32, #tpu.memory_space<vmem>>
      %dma_wait3A_230 = tpu.memref_squeeze %dma_wait3A_229 : memref<1x64x128xf32, #tpu.memory_space<vmem>> -> memref<64x128xf32, #tpu.memory_space<vmem>>
      %dma_wait3A_231 = arith.constant 0 : i32
      %dma_wait3A_232 = tpu.memref_slice %arg15[%add3A_20, %dma_wait3A_231] : memref<10240x128xf32, #tpu.memory_space<vmem_shared>> -> memref<64x128xf32, #tpu.memory_space<vmem_shared>>
      %dma_wait3A_233 = arith.constant 0 : i32
      %dma_wait3A_234 = tpu.memref_slice %arg15[%add3A_20, %dma_wait3A_233] : memref<10240x128xf32, #tpu.memory_space<vmem_shared>> -> memref<64x128xf32, #tpu.memory_space<vmem_shared>>
      %dma_wait3A_235 = arith.constant 0 : i32
      %dma_wait3A_236 = arith.constant 0 : i32
      %dma_wait3A_237 = tpu.memref_slice %arg10[%run_scoped3A, %dma_wait3A_235, %dma_wait3A_236] : memref<2x64x128xf32, #tpu.memory_space<vmem>> -> memref<1x64x128xf32, #tpu.memory_space<vmem>>
      %dma_wait3A_238 = tpu.memref_squeeze %dma_wait3A_237 : memref<1x64x128xf32, #tpu.memory_space<vmem>> -> memref<64x128xf32, #tpu.memory_space<vmem>>
      tpu.wait_dma2 semaphore(%run_scoped3A_215 : memref<!tpu.dma_semaphore, #tpu.memory_space<semaphore_mem>>) src(%dma_wait3A_238 : memref<64x128xf32, #tpu.memory_space<vmem>>) dst(%dma_wait3A_234 : memref<64x128xf32, #tpu.memory_space<vmem_shared>>)
      tpu.yield
    }) : () -> ()
    %add3A_21 = arith.constant 64 : i32
    %add3A_22 = arith.addi %mul3A_19, %add3A_21 : i32
    %run_scoped3A_23 = arith.constant 0 : i32
    "tpu.region"() ({
      %run_scoped3A_215 = tpu.sem_alloc : memref<!tpu.dma_semaphore, #tpu.memory_space<semaphore_mem>>
      %dma_start3A_216 = arith.constant 0 : i32
      %dma_start3A_217 = arith.constant 0 : i32
      %dma_start3A_218 = tpu.memref_slice %arg10[%run_scoped3A_23, %dma_start3A_216, %dma_start3A_217] : memref<2x64x128xf32, #tpu.memory_space<vmem>> -> memref<1x64x128xf32, #tpu.memory_space<vmem>>
      %dma_start3A_219 = tpu.memref_squeeze %dma_start3A_218 : memref<1x64x128xf32, #tpu.memory_space<vmem>> -> memref<64x128xf32, #tpu.memory_space<vmem>>
      %dma_start3A_220 = arith.constant 0 : i32
      %dma_start3A_221 = tpu.memref_slice %arg15[%add3A_22, %dma_start3A_220] : memref<10240x128xf32, #tpu.memory_space<vmem_shared>> -> memref<64x128xf32, #tpu.memory_space<vmem_shared>>
      %dma_start3A_222 = arith.constant 0 : i32
      %dma_start3A_223 = tpu.memref_slice %arg15[%add3A_22, %dma_start3A_222] : memref<10240x128xf32, #tpu.memory_space<vmem_shared>> -> memref<64x128xf32, #tpu.memory_space<vmem_shared>>
      %dma_start3A_224 = arith.constant 0 : i32
      %dma_start3A_225 = arith.constant 0 : i32
      %dma_start3A_226 = tpu.memref_slice %arg10[%run_scoped3A_23, %dma_start3A_224, %dma_start3A_225] : memref<2x64x128xf32, #tpu.memory_space<vmem>> -> memref<1x64x128xf32, #tpu.memory_space<vmem>>
      %dma_start3A_227 = tpu.memref_squeeze %dma_start3A_226 : memref<1x64x128xf32, #tpu.memory_space<vmem>> -> memref<64x128xf32, #tpu.memory_space<vmem>>
      tpu.enqueue_dma source(%dma_start3A_227 : memref<64x128xf32, #tpu.memory_space<vmem>>) target(%dma_start3A_223 : memref<64x128xf32, #tpu.memory_space<vmem_shared>>) target_semaphore(%run_scoped3A_215 : memref<!tpu.dma_semaphore, #tpu.memory_space<semaphore_mem>>)
      %dma_wait3A = arith.constant 0 : i32
      %dma_wait3A_228 = arith.constant 0 : i32
      %dma_wait3A_229 = tpu.memref_slice %arg10[%run_scoped3A_23, %dma_wait3A, %dma_wait3A_228] : memref<2x64x128xf32, #tpu.memory_space<vmem>> -> memref<1x64x128xf32, #tpu.memory_space<vmem>>
      %dma_wait3A_230 = tpu.memref_squeeze %dma_wait3A_229 : memref<1x64x128xf32, #tpu.memory_space<vmem>> -> memref<64x128xf32, #tpu.memory_space<vmem>>
      %dma_wait3A_231 = arith.constant 0 : i32
      %dma_wait3A_232 = tpu.memref_slice %arg15[%add3A_22, %dma_wait3A_231] : memref<10240x128xf32, #tpu.memory_space<vmem_shared>> -> memref<64x128xf32, #tpu.memory_space<vmem_shared>>
      %dma_wait3A_233 = arith.constant 0 : i32
      %dma_wait3A_234 = tpu.memref_slice %arg15[%add3A_22, %dma_wait3A_233] : memref<10240x128xf32, #tpu.memory_space<vmem_shared>> -> memref<64x128xf32, #tpu.memory_space<vmem_shared>>
      %dma_wait3A_235 = arith.constant 0 : i32
      %dma_wait3A_236 = arith.constant 0 : i32
      %dma_wait3A_237 = tpu.memref_slice %arg10[%run_scoped3A_23, %dma_wait3A_235, %dma_wait3A_236] : memref<2x64x128xf32, #tpu.memory_space<vmem>> -> memref<1x64x128xf32, #tpu.memory_space<vmem>>
      %dma_wait3A_238 = tpu.memref_squeeze %dma_wait3A_237 : memref<1x64x128xf32, #tpu.memory_space<vmem>> -> memref<64x128xf32, #tpu.memory_space<vmem>>
      tpu.wait_dma2 semaphore(%run_scoped3A_215 : memref<!tpu.dma_semaphore, #tpu.memory_space<semaphore_mem>>) src(%dma_wait3A_238 : memref<64x128xf32, #tpu.memory_space<vmem>>) dst(%dma_wait3A_234 : memref<64x128xf32, #tpu.memory_space<vmem_shared>>)
      tpu.yield
    }) : () -> ()
    %add3A_24 = arith.constant 128 : i32
    %add3A_25 = arith.addi %mul3A_19, %add3A_24 : i32
    %run_scoped3A_26 = arith.constant 0 : i32
    "tpu.region"() ({
      %run_scoped3A_215 = tpu.sem_alloc : memref<!tpu.dma_semaphore, #tpu.memory_space<semaphore_mem>>
      %dma_start3A_216 = arith.constant 0 : i32
      %dma_start3A_217 = arith.constant 0 : i32
      %dma_start3A_218 = tpu.memref_slice %arg10[%run_scoped3A_26, %dma_start3A_216, %dma_start3A_217] : memref<2x64x128xf32, #tpu.memory_space<vmem>> -> memref<1x64x128xf32, #tpu.memory_space<vmem>>
      %dma_start3A_219 = tpu.memref_squeeze %dma_start3A_218 : memref<1x64x128xf32, #tpu.memory_space<vmem>> -> memref<64x128xf32, #tpu.memory_space<vmem>>
      %dma_start3A_220 = arith.constant 0 : i32
      %dma_start3A_221 = tpu.memref_slice %arg15[%add3A_25, %dma_start3A_220] : memref<10240x128xf32, #tpu.memory_space<vmem_shared>> -> memref<64x128xf32, #tpu.memory_space<vmem_shared>>
      %dma_start3A_222 = arith.constant 0 : i32
      %dma_start3A_223 = tpu.memref_slice %arg15[%add3A_25, %dma_start3A_222] : memref<10240x128xf32, #tpu.memory_space<vmem_shared>> -> memref<64x128xf32, #tpu.memory_space<vmem_shared>>
      %dma_start3A_224 = arith.constant 0 : i32
      %dma_start3A_225 = arith.constant 0 : i32
      %dma_start3A_226 = tpu.memref_slice %arg10[%run_scoped3A_26, %dma_start3A_224, %dma_start3A_225] : memref<2x64x128xf32, #tpu.memory_space<vmem>> -> memref<1x64x128xf32, #tpu.memory_space<vmem>>
      %dma_start3A_227 = tpu.memref_squeeze %dma_start3A_226 : memref<1x64x128xf32, #tpu.memory_space<vmem>> -> memref<64x128xf32, #tpu.memory_space<vmem>>
      tpu.enqueue_dma source(%dma_start3A_227 : memref<64x128xf32, #tpu.memory_space<vmem>>) target(%dma_start3A_223 : memref<64x128xf32, #tpu.memory_space<vmem_shared>>) target_semaphore(%run_scoped3A_215 : memref<!tpu.dma_semaphore, #tpu.memory_space<semaphore_mem>>)
      %dma_wait3A = arith.constant 0 : i32
      %dma_wait3A_228 = arith.constant 0 : i32
      %dma_wait3A_229 = tpu.memref_slice %arg10[%run_scoped3A_26, %dma_wait3A, %dma_wait3A_228] : memref<2x64x128xf32, #tpu.memory_space<vmem>> -> memref<1x64x128xf32, #tpu.memory_space<vmem>>
      %dma_wait3A_230 = tpu.memref_squeeze %dma_wait3A_229 : memref<1x64x128xf32, #tpu.memory_space<vmem>> -> memref<64x128xf32, #tpu.memory_space<vmem>>
      %dma_wait3A_231 = arith.constant 0 : i32
      %dma_wait3A_232 = tpu.memref_slice %arg15[%add3A_25, %dma_wait3A_231] : memref<10240x128xf32, #tpu.memory_space<vmem_shared>> -> memref<64x128xf32, #tpu.memory_space<vmem_shared>>
      %dma_wait3A_233 = arith.constant 0 : i32
      %dma_wait3A_234 = tpu.memref_slice %arg15[%add3A_25, %dma_wait3A_233] : memref<10240x128xf32, #tpu.memory_space<vmem_shared>> -> memref<64x128xf32, #tpu.memory_space<vmem_shared>>
      %dma_wait3A_235 = arith.constant 0 : i32
      %dma_wait3A_236 = arith.constant 0 : i32
      %dma_wait3A_237 = tpu.memref_slice %arg10[%run_scoped3A_26, %dma_wait3A_235, %dma_wait3A_236] : memref<2x64x128xf32, #tpu.memory_space<vmem>> -> memref<1x64x128xf32, #tpu.memory_space<vmem>>
      %dma_wait3A_238 = tpu.memref_squeeze %dma_wait3A_237 : memref<1x64x128xf32, #tpu.memory_space<vmem>> -> memref<64x128xf32, #tpu.memory_space<vmem>>
      tpu.wait_dma2 semaphore(%run_scoped3A_215 : memref<!tpu.dma_semaphore, #tpu.memory_space<semaphore_mem>>) src(%dma_wait3A_238 : memref<64x128xf32, #tpu.memory_space<vmem>>) dst(%dma_wait3A_234 : memref<64x128xf32, #tpu.memory_space<vmem_shared>>)
      tpu.yield
    }) : () -> ()
    %add3A_27 = arith.constant 192 : i32
    %add3A_28 = arith.addi %mul3A_19, %add3A_27 : i32
    %run_scoped3A_29 = arith.constant 0 : i32
    "tpu.region"() ({
      %run_scoped3A_215 = tpu.sem_alloc : memref<!tpu.dma_semaphore, #tpu.memory_space<semaphore_mem>>
      %dma_start3A_216 = arith.constant 0 : i32
      %dma_start3A_217 = arith.constant 0 : i32
      %dma_start3A_218 = tpu.memref_slice %arg10[%run_scoped3A_29, %dma_start3A_216, %dma_start3A_217] : memref<2x64x128xf32, #tpu.memory_space<vmem>> -> memref<1x64x128xf32, #tpu.memory_space<vmem>>
      %dma_start3A_219 = tpu.memref_squeeze %dma_start3A_218 : memref<1x64x128xf32, #tpu.memory_space<vmem>> -> memref<64x128xf32, #tpu.memory_space<vmem>>
      %dma_start3A_220 = arith.constant 0 : i32
      %dma_start3A_221 = tpu.memref_slice %arg15[%add3A_28, %dma_start3A_220] : memref<10240x128xf32, #tpu.memory_space<vmem_shared>> -> memref<64x128xf32, #tpu.memory_space<vmem_shared>>
      %dma_start3A_222 = arith.constant 0 : i32
      %dma_start3A_223 = tpu.memref_slice %arg15[%add3A_28, %dma_start3A_222] : memref<10240x128xf32, #tpu.memory_space<vmem_shared>> -> memref<64x128xf32, #tpu.memory_space<vmem_shared>>
      %dma_start3A_224 = arith.constant 0 : i32
      %dma_start3A_225 = arith.constant 0 : i32
      %dma_start3A_226 = tpu.memref_slice %arg10[%run_scoped3A_29, %dma_start3A_224, %dma_start3A_225] : memref<2x64x128xf32, #tpu.memory_space<vmem>> -> memref<1x64x128xf32, #tpu.memory_space<vmem>>
      %dma_start3A_227 = tpu.memref_squeeze %dma_start3A_226 : memref<1x64x128xf32, #tpu.memory_space<vmem>> -> memref<64x128xf32, #tpu.memory_space<vmem>>
      tpu.enqueue_dma source(%dma_start3A_227 : memref<64x128xf32, #tpu.memory_space<vmem>>) target(%dma_start3A_223 : memref<64x128xf32, #tpu.memory_space<vmem_shared>>) target_semaphore(%run_scoped3A_215 : memref<!tpu.dma_semaphore, #tpu.memory_space<semaphore_mem>>)
      %dma_wait3A = arith.constant 0 : i32
      %dma_wait3A_228 = arith.constant 0 : i32
      %dma_wait3A_229 = tpu.memref_slice %arg10[%run_scoped3A_29, %dma_wait3A, %dma_wait3A_228] : memref<2x64x128xf32, #tpu.memory_space<vmem>> -> memref<1x64x128xf32, #tpu.memory_space<vmem>>
      %dma_wait3A_230 = tpu.memref_squeeze %dma_wait3A_229 : memref<1x64x128xf32, #tpu.memory_space<vmem>> -> memref<64x128xf32, #tpu.memory_space<vmem>>
      %dma_wait3A_231 = arith.constant 0 : i32
      %dma_wait3A_232 = tpu.memref_slice %arg15[%add3A_28, %dma_wait3A_231] : memref<10240x128xf32, #tpu.memory_space<vmem_shared>> -> memref<64x128xf32, #tpu.memory_space<vmem_shared>>
      %dma_wait3A_233 = arith.constant 0 : i32
      %dma_wait3A_234 = tpu.memref_slice %arg15[%add3A_28, %dma_wait3A_233] : memref<10240x128xf32, #tpu.memory_space<vmem_shared>> -> memref<64x128xf32, #tpu.memory_space<vmem_shared>>
      %dma_wait3A_235 = arith.constant 0 : i32
      %dma_wait3A_236 = arith.constant 0 : i32
      %dma_wait3A_237 = tpu.memref_slice %arg10[%run_scoped3A_29, %dma_wait3A_235, %dma_wait3A_236] : memref<2x64x128xf32, #tpu.memory_space<vmem>> -> memref<1x64x128xf32, #tpu.memory_space<vmem>>
      %dma_wait3A_238 = tpu.memref_squeeze %dma_wait3A_237 : memref<1x64x128xf32, #tpu.memory_space<vmem>> -> memref<64x128xf32, #tpu.memory_space<vmem>>
      tpu.wait_dma2 semaphore(%run_scoped3A_215 : memref<!tpu.dma_semaphore, #tpu.memory_space<semaphore_mem>>) src(%dma_wait3A_238 : memref<64x128xf32, #tpu.memory_space<vmem>>) dst(%dma_wait3A_234 : memref<64x128xf32, #tpu.memory_space<vmem_shared>>)
      tpu.yield
    }) : () -> ()
    %add3A_30 = arith.constant 256 : i32
    %add3A_31 = arith.addi %mul3A_19, %add3A_30 : i32
    %run_scoped3A_32 = arith.constant 0 : i32
    "tpu.region"() ({
      %run_scoped3A_215 = tpu.sem_alloc : memref<!tpu.dma_semaphore, #tpu.memory_space<semaphore_mem>>
      %dma_start3A_216 = arith.constant 0 : i32
      %dma_start3A_217 = arith.constant 0 : i32
      %dma_start3A_218 = tpu.memref_slice %arg10[%run_scoped3A_32, %dma_start3A_216, %dma_start3A_217] : memref<2x64x128xf32, #tpu.memory_space<vmem>> -> memref<1x64x128xf32, #tpu.memory_space<vmem>>
      %dma_start3A_219 = tpu.memref_squeeze %dma_start3A_218 : memref<1x64x128xf32, #tpu.memory_space<vmem>> -> memref<64x128xf32, #tpu.memory_space<vmem>>
      %dma_start3A_220 = arith.constant 0 : i32
      %dma_start3A_221 = tpu.memref_slice %arg15[%add3A_31, %dma_start3A_220] : memref<10240x128xf32, #tpu.memory_space<vmem_shared>> -> memref<64x128xf32, #tpu.memory_space<vmem_shared>>
      %dma_start3A_222 = arith.constant 0 : i32
      %dma_start3A_223 = tpu.memref_slice %arg15[%add3A_31, %dma_start3A_222] : memref<10240x128xf32, #tpu.memory_space<vmem_shared>> -> memref<64x128xf32, #tpu.memory_space<vmem_shared>>
      %dma_start3A_224 = arith.constant 0 : i32
      %dma_start3A_225 = arith.constant 0 : i32
      %dma_start3A_226 = tpu.memref_slice %arg10[%run_scoped3A_32, %dma_start3A_224, %dma_start3A_225] : memref<2x64x128xf32, #tpu.memory_space<vmem>> -> memref<1x64x128xf32, #tpu.memory_space<vmem>>
      %dma_start3A_227 = tpu.memref_squeeze %dma_start3A_226 : memref<1x64x128xf32, #tpu.memory_space<vmem>> -> memref<64x128xf32, #tpu.memory_space<vmem>>
      tpu.enqueue_dma source(%dma_start3A_227 : memref<64x128xf32, #tpu.memory_space<vmem>>) target(%dma_start3A_223 : memref<64x128xf32, #tpu.memory_space<vmem_shared>>) target_semaphore(%run_scoped3A_215 : memref<!tpu.dma_semaphore, #tpu.memory_space<semaphore_mem>>)
      %dma_wait3A = arith.constant 0 : i32
      %dma_wait3A_228 = arith.constant 0 : i32
      %dma_wait3A_229 = tpu.memref_slice %arg10[%run_scoped3A_32, %dma_wait3A, %dma_wait3A_228] : memref<2x64x128xf32, #tpu.memory_space<vmem>> -> memref<1x64x128xf32, #tpu.memory_space<vmem>>
      %dma_wait3A_230 = tpu.memref_squeeze %dma_wait3A_229 : memref<1x64x128xf32, #tpu.memory_space<vmem>> -> memref<64x128xf32, #tpu.memory_space<vmem>>
      %dma_wait3A_231 = arith.constant 0 : i32
      %dma_wait3A_232 = tpu.memref_slice %arg15[%add3A_31, %dma_wait3A_231] : memref<10240x128xf32, #tpu.memory_space<vmem_shared>> -> memref<64x128xf32, #tpu.memory_space<vmem_shared>>
      %dma_wait3A_233 = arith.constant 0 : i32
      %dma_wait3A_234 = tpu.memref_slice %arg15[%add3A_31, %dma_wait3A_233] : memref<10240x128xf32, #tpu.memory_space<vmem_shared>> -> memref<64x128xf32, #tpu.memory_space<vmem_shared>>
      %dma_wait3A_235 = arith.constant 0 : i32
      %dma_wait3A_236 = arith.constant 0 : i32
      %dma_wait3A_237 = tpu.memref_slice %arg10[%run_scoped3A_32, %dma_wait3A_235, %dma_wait3A_236] : memref<2x64x128xf32, #tpu.memory_space<vmem>> -> memref<1x64x128xf32, #tpu.memory_space<vmem>>
      %dma_wait3A_238 = tpu.memref_squeeze %dma_wait3A_237 : memref<1x64x128xf32, #tpu.memory_space<vmem>> -> memref<64x128xf32, #tpu.memory_space<vmem>>
      tpu.wait_dma2 semaphore(%run_scoped3A_215 : memref<!tpu.dma_semaphore, #tpu.memory_space<semaphore_mem>>) src(%dma_wait3A_238 : memref<64x128xf32, #tpu.memory_space<vmem>>) dst(%dma_wait3A_234 : memref<64x128xf32, #tpu.memory_space<vmem_shared>>)
      tpu.yield
    }) : () -> ()
    %add3A_33 = arith.constant 320 : i32
    %add3A_34 = arith.addi %mul3A_19, %add3A_33 : i32
    %run_scoped3A_35 = arith.constant 0 : i32
    "tpu.region"() ({
      %run_scoped3A_215 = tpu.sem_alloc : memref<!tpu.dma_semaphore, #tpu.memory_space<semaphore_mem>>
      %dma_start3A_216 = arith.constant 0 : i32
      %dma_start3A_217 = arith.constant 0 : i32
      %dma_start3A_218 = tpu.memref_slice %arg10[%run_scoped3A_35, %dma_start3A_216, %dma_start3A_217] : memref<2x64x128xf32, #tpu.memory_space<vmem>> -> memref<1x64x128xf32, #tpu.memory_space<vmem>>
      %dma_start3A_219 = tpu.memref_squeeze %dma_start3A_218 : memref<1x64x128xf32, #tpu.memory_space<vmem>> -> memref<64x128xf32, #tpu.memory_space<vmem>>
      %dma_start3A_220 = arith.constant 0 : i32
      %dma_start3A_221 = tpu.memref_slice %arg15[%add3A_34, %dma_start3A_220] : memref<10240x128xf32, #tpu.memory_space<vmem_shared>> -> memref<64x128xf32, #tpu.memory_space<vmem_shared>>
      %dma_start3A_222 = arith.constant 0 : i32
      %dma_start3A_223 = tpu.memref_slice %arg15[%add3A_34, %dma_start3A_222] : memref<10240x128xf32, #tpu.memory_space<vmem_shared>> -> memref<64x128xf32, #tpu.memory_space<vmem_shared>>
      %dma_start3A_224 = arith.constant 0 : i32
      %dma_start3A_225 = arith.constant 0 : i32
      %dma_start3A_226 = tpu.memref_slice %arg10[%run_scoped3A_35, %dma_start3A_224, %dma_start3A_225] : memref<2x64x128xf32, #tpu.memory_space<vmem>> -> memref<1x64x128xf32, #tpu.memory_space<vmem>>
      %dma_start3A_227 = tpu.memref_squeeze %dma_start3A_226 : memref<1x64x128xf32, #tpu.memory_space<vmem>> -> memref<64x128xf32, #tpu.memory_space<vmem>>
      tpu.enqueue_dma source(%dma_start3A_227 : memref<64x128xf32, #tpu.memory_space<vmem>>) target(%dma_start3A_223 : memref<64x128xf32, #tpu.memory_space<vmem_shared>>) target_semaphore(%run_scoped3A_215 : memref<!tpu.dma_semaphore, #tpu.memory_space<semaphore_mem>>)
      %dma_wait3A = arith.constant 0 : i32
      %dma_wait3A_228 = arith.constant 0 : i32
      %dma_wait3A_229 = tpu.memref_slice %arg10[%run_scoped3A_35, %dma_wait3A, %dma_wait3A_228] : memref<2x64x128xf32, #tpu.memory_space<vmem>> -> memref<1x64x128xf32, #tpu.memory_space<vmem>>
      %dma_wait3A_230 = tpu.memref_squeeze %dma_wait3A_229 : memref<1x64x128xf32, #tpu.memory_space<vmem>> -> memref<64x128xf32, #tpu.memory_space<vmem>>
      %dma_wait3A_231 = arith.constant 0 : i32
      %dma_wait3A_232 = tpu.memref_slice %arg15[%add3A_34, %dma_wait3A_231] : memref<10240x128xf32, #tpu.memory_space<vmem_shared>> -> memref<64x128xf32, #tpu.memory_space<vmem_shared>>
      %dma_wait3A_233 = arith.constant 0 : i32
      %dma_wait3A_234 = tpu.memref_slice %arg15[%add3A_34, %dma_wait3A_233] : memref<10240x128xf32, #tpu.memory_space<vmem_shared>> -> memref<64x128xf32, #tpu.memory_space<vmem_shared>>
      %dma_wait3A_235 = arith.constant 0 : i32
      %dma_wait3A_236 = arith.constant 0 : i32
      %dma_wait3A_237 = tpu.memref_slice %arg10[%run_scoped3A_35, %dma_wait3A_235, %dma_wait3A_236] : memref<2x64x128xf32, #tpu.memory_space<vmem>> -> memref<1x64x128xf32, #tpu.memory_space<vmem>>
      %dma_wait3A_238 = tpu.memref_squeeze %dma_wait3A_237 : memref<1x64x128xf32, #tpu.memory_space<vmem>> -> memref<64x128xf32, #tpu.memory_space<vmem>>
      tpu.wait_dma2 semaphore(%run_scoped3A_215 : memref<!tpu.dma_semaphore, #tpu.memory_space<semaphore_mem>>) src(%dma_wait3A_238 : memref<64x128xf32, #tpu.memory_space<vmem>>) dst(%dma_wait3A_234 : memref<64x128xf32, #tpu.memory_space<vmem_shared>>)
      tpu.yield
    }) : () -> ()
    %add3A_36 = arith.constant 384 : i32
    %add3A_37 = arith.addi %mul3A_19, %add3A_36 : i32
    %run_scoped3A_38 = arith.constant 0 : i32
    "tpu.region"() ({
      %run_scoped3A_215 = tpu.sem_alloc : memref<!tpu.dma_semaphore, #tpu.memory_space<semaphore_mem>>
      %dma_start3A_216 = arith.constant 0 : i32
      %dma_start3A_217 = arith.constant 0 : i32
      %dma_start3A_218 = tpu.memref_slice %arg10[%run_scoped3A_38, %dma_start3A_216, %dma_start3A_217] : memref<2x64x128xf32, #tpu.memory_space<vmem>> -> memref<1x64x128xf32, #tpu.memory_space<vmem>>
      %dma_start3A_219 = tpu.memref_squeeze %dma_start3A_218 : memref<1x64x128xf32, #tpu.memory_space<vmem>> -> memref<64x128xf32, #tpu.memory_space<vmem>>
      %dma_start3A_220 = arith.constant 0 : i32
      %dma_start3A_221 = tpu.memref_slice %arg15[%add3A_37, %dma_start3A_220] : memref<10240x128xf32, #tpu.memory_space<vmem_shared>> -> memref<64x128xf32, #tpu.memory_space<vmem_shared>>
      %dma_start3A_222 = arith.constant 0 : i32
      %dma_start3A_223 = tpu.memref_slice %arg15[%add3A_37, %dma_start3A_222] : memref<10240x128xf32, #tpu.memory_space<vmem_shared>> -> memref<64x128xf32, #tpu.memory_space<vmem_shared>>
      %dma_start3A_224 = arith.constant 0 : i32
      %dma_start3A_225 = arith.constant 0 : i32
      %dma_start3A_226 = tpu.memref_slice %arg10[%run_scoped3A_38, %dma_start3A_224, %dma_start3A_225] : memref<2x64x128xf32, #tpu.memory_space<vmem>> -> memref<1x64x128xf32, #tpu.memory_space<vmem>>
      %dma_start3A_227 = tpu.memref_squeeze %dma_start3A_226 : memref<1x64x128xf32, #tpu.memory_space<vmem>> -> memref<64x128xf32, #tpu.memory_space<vmem>>
      tpu.enqueue_dma source(%dma_start3A_227 : memref<64x128xf32, #tpu.memory_space<vmem>>) target(%dma_start3A_223 : memref<64x128xf32, #tpu.memory_space<vmem_shared>>) target_semaphore(%run_scoped3A_215 : memref<!tpu.dma_semaphore, #tpu.memory_space<semaphore_mem>>)
      %dma_wait3A = arith.constant 0 : i32
      %dma_wait3A_228 = arith.constant 0 : i32
      %dma_wait3A_229 = tpu.memref_slice %arg10[%run_scoped3A_38, %dma_wait3A, %dma_wait3A_228] : memref<2x64x128xf32, #tpu.memory_space<vmem>> -> memref<1x64x128xf32, #tpu.memory_space<vmem>>
      %dma_wait3A_230 = tpu.memref_squeeze %dma_wait3A_229 : memref<1x64x128xf32, #tpu.memory_space<vmem>> -> memref<64x128xf32, #tpu.memory_space<vmem>>
      %dma_wait3A_231 = arith.constant 0 : i32
      %dma_wait3A_232 = tpu.memref_slice %arg15[%add3A_37, %dma_wait3A_231] : memref<10240x128xf32, #tpu.memory_space<vmem_shared>> -> memref<64x128xf32, #tpu.memory_space<vmem_shared>>
      %dma_wait3A_233 = arith.constant 0 : i32
      %dma_wait3A_234 = tpu.memref_slice %arg15[%add3A_37, %dma_wait3A_233] : memref<10240x128xf32, #tpu.memory_space<vmem_shared>> -> memref<64x128xf32, #tpu.memory_space<vmem_shared>>
      %dma_wait3A_235 = arith.constant 0 : i32
      %dma_wait3A_236 = arith.constant 0 : i32
      %dma_wait3A_237 = tpu.memref_slice %arg10[%run_scoped3A_38, %dma_wait3A_235, %dma_wait3A_236] : memref<2x64x128xf32, #tpu.memory_space<vmem>> -> memref<1x64x128xf32, #tpu.memory_space<vmem>>
      %dma_wait3A_238 = tpu.memref_squeeze %dma_wait3A_237 : memref<1x64x128xf32, #tpu.memory_space<vmem>> -> memref<64x128xf32, #tpu.memory_space<vmem>>
      tpu.wait_dma2 semaphore(%run_scoped3A_215 : memref<!tpu.dma_semaphore, #tpu.memory_space<semaphore_mem>>) src(%dma_wait3A_238 : memref<64x128xf32, #tpu.memory_space<vmem>>) dst(%dma_wait3A_234 : memref<64x128xf32, #tpu.memory_space<vmem_shared>>)
      tpu.yield
    }) : () -> ()
    %add3A_39 = arith.constant 448 : i32
    %add3A_40 = arith.addi %mul3A_19, %add3A_39 : i32
    %run_scoped3A_41 = arith.constant 0 : i32
    "tpu.region"() ({
      %run_scoped3A_215 = tpu.sem_alloc : memref<!tpu.dma_semaphore, #tpu.memory_space<semaphore_mem>>
      %dma_start3A_216 = arith.constant 0 : i32
      %dma_start3A_217 = arith.constant 0 : i32
      %dma_start3A_218 = tpu.memref_slice %arg10[%run_scoped3A_41, %dma_start3A_216, %dma_start3A_217] : memref<2x64x128xf32, #tpu.memory_space<vmem>> -> memref<1x64x128xf32, #tpu.memory_space<vmem>>
      %dma_start3A_219 = tpu.memref_squeeze %dma_start3A_218 : memref<1x64x128xf32, #tpu.memory_space<vmem>> -> memref<64x128xf32, #tpu.memory_space<vmem>>
      %dma_start3A_220 = arith.constant 0 : i32
      %dma_start3A_221 = tpu.memref_slice %arg15[%add3A_40, %dma_start3A_220] : memref<10240x128xf32, #tpu.memory_space<vmem_shared>> -> memref<64x128xf32, #tpu.memory_space<vmem_shared>>
      %dma_start3A_222 = arith.constant 0 : i32
      %dma_start3A_223 = tpu.memref_slice %arg15[%add3A_40, %dma_start3A_222] : memref<10240x128xf32, #tpu.memory_space<vmem_shared>> -> memref<64x128xf32, #tpu.memory_space<vmem_shared>>
      %dma_start3A_224 = arith.constant 0 : i32
      %dma_start3A_225 = arith.constant 0 : i32
      %dma_start3A_226 = tpu.memref_slice %arg10[%run_scoped3A_41, %dma_start3A_224, %dma_start3A_225] : memref<2x64x128xf32, #tpu.memory_space<vmem>> -> memref<1x64x128xf32, #tpu.memory_space<vmem>>
      %dma_start3A_227 = tpu.memref_squeeze %dma_start3A_226 : memref<1x64x128xf32, #tpu.memory_space<vmem>> -> memref<64x128xf32, #tpu.memory_space<vmem>>
      tpu.enqueue_dma source(%dma_start3A_227 : memref<64x128xf32, #tpu.memory_space<vmem>>) target(%dma_start3A_223 : memref<64x128xf32, #tpu.memory_space<vmem_shared>>) target_semaphore(%run_scoped3A_215 : memref<!tpu.dma_semaphore, #tpu.memory_space<semaphore_mem>>)
      %dma_wait3A = arith.constant 0 : i32
      %dma_wait3A_228 = arith.constant 0 : i32
      %dma_wait3A_229 = tpu.memref_slice %arg10[%run_scoped3A_41, %dma_wait3A, %dma_wait3A_228] : memref<2x64x128xf32, #tpu.memory_space<vmem>> -> memref<1x64x128xf32, #tpu.memory_space<vmem>>
      %dma_wait3A_230 = tpu.memref_squeeze %dma_wait3A_229 : memref<1x64x128xf32, #tpu.memory_space<vmem>> -> memref<64x128xf32, #tpu.memory_space<vmem>>
      %dma_wait3A_231 = arith.constant 0 : i32
      %dma_wait3A_232 = tpu.memref_slice %arg15[%add3A_40, %dma_wait3A_231] : memref<10240x128xf32, #tpu.memory_space<vmem_shared>> -> memref<64x128xf32, #tpu.memory_space<vmem_shared>>
      %dma_wait3A_233 = arith.constant 0 : i32
      %dma_wait3A_234 = tpu.memref_slice %arg15[%add3A_40, %dma_wait3A_233] : memref<10240x128xf32, #tpu.memory_space<vmem_shared>> -> memref<64x128xf32, #tpu.memory_space<vmem_shared>>
      %dma_wait3A_235 = arith.constant 0 : i32
      %dma_wait3A_236 = arith.constant 0 : i32
      %dma_wait3A_237 = tpu.memref_slice %arg10[%run_scoped3A_41, %dma_wait3A_235, %dma_wait3A_236] : memref<2x64x128xf32, #tpu.memory_space<vmem>> -> memref<1x64x128xf32, #tpu.memory_space<vmem>>
      %dma_wait3A_238 = tpu.memref_squeeze %dma_wait3A_237 : memref<1x64x128xf32, #tpu.memory_space<vmem>> -> memref<64x128xf32, #tpu.memory_space<vmem>>
      tpu.wait_dma2 semaphore(%run_scoped3A_215 : memref<!tpu.dma_semaphore, #tpu.memory_space<semaphore_mem>>) src(%dma_wait3A_238 : memref<64x128xf32, #tpu.memory_space<vmem>>) dst(%dma_wait3A_234 : memref<64x128xf32, #tpu.memory_space<vmem_shared>>)
      tpu.yield
    }) : () -> ()
    %add3A_42 = arith.constant 512 : i32
    %add3A_43 = arith.addi %mul3A_19, %add3A_42 : i32
    %run_scoped3A_44 = arith.constant 0 : i32
    "tpu.region"() ({
      %run_scoped3A_215 = tpu.sem_alloc : memref<!tpu.dma_semaphore, #tpu.memory_space<semaphore_mem>>
      %dma_start3A_216 = arith.constant 0 : i32
      %dma_start3A_217 = arith.constant 0 : i32
      %dma_start3A_218 = tpu.memref_slice %arg10[%run_scoped3A_44, %dma_start3A_216, %dma_start3A_217] : memref<2x64x128xf32, #tpu.memory_space<vmem>> -> memref<1x64x128xf32, #tpu.memory_space<vmem>>
      %dma_start3A_219 = tpu.memref_squeeze %dma_start3A_218 : memref<1x64x128xf32, #tpu.memory_space<vmem>> -> memref<64x128xf32, #tpu.memory_space<vmem>>
      %dma_start3A_220 = arith.constant 0 : i32
      %dma_start3A_221 = tpu.memref_slice %arg15[%add3A_43, %dma_start3A_220] : memref<10240x128xf32, #tpu.memory_space<vmem_shared>> -> memref<64x128xf32, #tpu.memory_space<vmem_shared>>
      %dma_start3A_222 = arith.constant 0 : i32
      %dma_start3A_223 = tpu.memref_slice %arg15[%add3A_43, %dma_start3A_222] : memref<10240x128xf32, #tpu.memory_space<vmem_shared>> -> memref<64x128xf32, #tpu.memory_space<vmem_shared>>
      %dma_start3A_224 = arith.constant 0 : i32
      %dma_start3A_225 = arith.constant 0 : i32
      %dma_start3A_226 = tpu.memref_slice %arg10[%run_scoped3A_44, %dma_start3A_224, %dma_start3A_225] : memref<2x64x128xf32, #tpu.memory_space<vmem>> -> memref<1x64x128xf32, #tpu.memory_space<vmem>>
      %dma_start3A_227 = tpu.memref_squeeze %dma_start3A_226 : memref<1x64x128xf32, #tpu.memory_space<vmem>> -> memref<64x128xf32, #tpu.memory_space<vmem>>
      tpu.enqueue_dma source(%dma_start3A_227 : memref<64x128xf32, #tpu.memory_space<vmem>>) target(%dma_start3A_223 : memref<64x128xf32, #tpu.memory_space<vmem_shared>>) target_semaphore(%run_scoped3A_215 : memref<!tpu.dma_semaphore, #tpu.memory_space<semaphore_mem>>)
      %dma_wait3A = arith.constant 0 : i32
      %dma_wait3A_228 = arith.constant 0 : i32
      %dma_wait3A_229 = tpu.memref_slice %arg10[%run_scoped3A_44, %dma_wait3A, %dma_wait3A_228] : memref<2x64x128xf32, #tpu.memory_space<vmem>> -> memref<1x64x128xf32, #tpu.memory_space<vmem>>
      %dma_wait3A_230 = tpu.memref_squeeze %dma_wait3A_229 : memref<1x64x128xf32, #tpu.memory_space<vmem>> -> memref<64x128xf32, #tpu.memory_space<vmem>>
      %dma_wait3A_231 = arith.constant 0 : i32
      %dma_wait3A_232 = tpu.memref_slice %arg15[%add3A_43, %dma_wait3A_231] : memref<10240x128xf32, #tpu.memory_space<vmem_shared>> -> memref<64x128xf32, #tpu.memory_space<vmem_shared>>
      %dma_wait3A_233 = arith.constant 0 : i32
      %dma_wait3A_234 = tpu.memref_slice %arg15[%add3A_43, %dma_wait3A_233] : memref<10240x128xf32, #tpu.memory_space<vmem_shared>> -> memref<64x128xf32, #tpu.memory_space<vmem_shared>>
      %dma_wait3A_235 = arith.constant 0 : i32
      %dma_wait3A_236 = arith.constant 0 : i32
      %dma_wait3A_237 = tpu.memref_slice %arg10[%run_scoped3A_44, %dma_wait3A_235, %dma_wait3A_236] : memref<2x64x128xf32, #tpu.memory_space<vmem>> -> memref<1x64x128xf32, #tpu.memory_space<vmem>>
      %dma_wait3A_238 = tpu.memref_squeeze %dma_wait3A_237 : memref<1x64x128xf32, #tpu.memory_space<vmem>> -> memref<64x128xf32, #tpu.memory_space<vmem>>
      tpu.wait_dma2 semaphore(%run_scoped3A_215 : memref<!tpu.dma_semaphore, #tpu.memory_space<semaphore_mem>>) src(%dma_wait3A_238 : memref<64x128xf32, #tpu.memory_space<vmem>>) dst(%dma_wait3A_234 : memref<64x128xf32, #tpu.memory_space<vmem_shared>>)
      tpu.yield
    }) : () -> ()
    %add3A_45 = arith.constant 576 : i32
    %add3A_46 = arith.addi %mul3A_19, %add3A_45 : i32
    %run_scoped3A_47 = arith.constant 0 : i32
    "tpu.region"() ({
      %run_scoped3A_215 = tpu.sem_alloc : memref<!tpu.dma_semaphore, #tpu.memory_space<semaphore_mem>>
      %dma_start3A_216 = arith.constant 0 : i32
      %dma_start3A_217 = arith.constant 0 : i32
      %dma_start3A_218 = tpu.memref_slice %arg10[%run_scoped3A_47, %dma_start3A_216, %dma_start3A_217] : memref<2x64x128xf32, #tpu.memory_space<vmem>> -> memref<1x64x128xf32, #tpu.memory_space<vmem>>
      %dma_start3A_219 = tpu.memref_squeeze %dma_start3A_218 : memref<1x64x128xf32, #tpu.memory_space<vmem>> -> memref<64x128xf32, #tpu.memory_space<vmem>>
      %dma_start3A_220 = arith.constant 0 : i32
      %dma_start3A_221 = tpu.memref_slice %arg15[%add3A_46, %dma_start3A_220] : memref<10240x128xf32, #tpu.memory_space<vmem_shared>> -> memref<64x128xf32, #tpu.memory_space<vmem_shared>>
      %dma_start3A_222 = arith.constant 0 : i32
      %dma_start3A_223 = tpu.memref_slice %arg15[%add3A_46, %dma_start3A_222] : memref<10240x128xf32, #tpu.memory_space<vmem_shared>> -> memref<64x128xf32, #tpu.memory_space<vmem_shared>>
      %dma_start3A_224 = arith.constant 0 : i32
      %dma_start3A_225 = arith.constant 0 : i32
      %dma_start3A_226 = tpu.memref_slice %arg10[%run_scoped3A_47, %dma_start3A_224, %dma_start3A_225] : memref<2x64x128xf32, #tpu.memory_space<vmem>> -> memref<1x64x128xf32, #tpu.memory_space<vmem>>
      %dma_start3A_227 = tpu.memref_squeeze %dma_start3A_226 : memref<1x64x128xf32, #tpu.memory_space<vmem>> -> memref<64x128xf32, #tpu.memory_space<vmem>>
      tpu.enqueue_dma source(%dma_start3A_227 : memref<64x128xf32, #tpu.memory_space<vmem>>) target(%dma_start3A_223 : memref<64x128xf32, #tpu.memory_space<vmem_shared>>) target_semaphore(%run_scoped3A_215 : memref<!tpu.dma_semaphore, #tpu.memory_space<semaphore_mem>>)
      %dma_wait3A = arith.constant 0 : i32
      %dma_wait3A_228 = arith.constant 0 : i32
      %dma_wait3A_229 = tpu.memref_slice %arg10[%run_scoped3A_47, %dma_wait3A, %dma_wait3A_228] : memref<2x64x128xf32, #tpu.memory_space<vmem>> -> memref<1x64x128xf32, #tpu.memory_space<vmem>>
      %dma_wait3A_230 = tpu.memref_squeeze %dma_wait3A_229 : memref<1x64x128xf32, #tpu.memory_space<vmem>> -> memref<64x128xf32, #tpu.memory_space<vmem>>
      %dma_wait3A_231 = arith.constant 0 : i32
      %dma_wait3A_232 = tpu.memref_slice %arg15[%add3A_46, %dma_wait3A_231] : memref<10240x128xf32, #tpu.memory_space<vmem_shared>> -> memref<64x128xf32, #tpu.memory_space<vmem_shared>>
      %dma_wait3A_233 = arith.constant 0 : i32
      %dma_wait3A_234 = tpu.memref_slice %arg15[%add3A_46, %dma_wait3A_233] : memref<10240x128xf32, #tpu.memory_space<vmem_shared>> -> memref<64x128xf32, #tpu.memory_space<vmem_shared>>
      %dma_wait3A_235 = arith.constant 0 : i32
      %dma_wait3A_236 = arith.constant 0 : i32
      %dma_wait3A_237 = tpu.memref_slice %arg10[%run_scoped3A_47, %dma_wait3A_235, %dma_wait3A_236] : memref<2x64x128xf32, #tpu.memory_space<vmem>> -> memref<1x64x128xf32, #tpu.memory_space<vmem>>
      %dma_wait3A_238 = tpu.memref_squeeze %dma_wait3A_237 : memref<1x64x128xf32, #tpu.memory_space<vmem>> -> memref<64x128xf32, #tpu.memory_space<vmem>>
      tpu.wait_dma2 semaphore(%run_scoped3A_215 : memref<!tpu.dma_semaphore, #tpu.memory_space<semaphore_mem>>) src(%dma_wait3A_238 : memref<64x128xf32, #tpu.memory_space<vmem>>) dst(%dma_wait3A_234 : memref<64x128xf32, #tpu.memory_space<vmem_shared>>)
      tpu.yield
    }) : () -> ()
    %barrier3A = arith.constant 0 : index
    tpu.barrier barrier_id(%barrier3A)
    %run_scoped3A_48 = arith.constant 0 : i32
    %run_scoped3A_49 = arith.constant 0 : i32
    "tpu.region"() ({
      %run_scoped3A_215 = tpu.sem_alloc : memref<!tpu.dma_semaphore, #tpu.memory_space<semaphore_mem>>
      %dma_start3A_216 = arith.constant 0 : i32
      %dma_start3A_217 = arith.constant 0 : i32
      %dma_start3A_218 = arith.constant 0 : i32
      %dma_start3A_219 = tpu.memref_slice %arg8[%run_scoped3A_49, %dma_start3A_216, %dma_start3A_217, %dma_start3A_218] : memref<2x8x2x64xi32, #tpu.memory_space<vmem>> -> memref<1x8x2x64xi32, #tpu.memory_space<vmem>>
      %dma_start3A_220 = tpu.memref_squeeze %dma_start3A_219 : memref<1x8x2x64xi32, #tpu.memory_space<vmem>> -> memref<8x2x64xi32, #tpu.memory_space<vmem>>
      %dma_start3A_221 = arith.constant 0 : i32
      %dma_start3A_222 = arith.constant 0 : i32
      %dma_start3A_223 = arith.constant 0 : i32
      %dma_start3A_224 = tpu.memref_slice %arg2[%arg1, %run_scoped3A_48, %dma_start3A_221, %dma_start3A_222, %dma_start3A_223] : memref<16x40x8x2x64xi32, #tpu.memory_space<hbm>> -> memref<1x1x8x2x64xi32, #tpu.memory_space<hbm>>
      %dma_start3A_225 = tpu.memref_squeeze %dma_start3A_224 : memref<1x1x8x2x64xi32, #tpu.memory_space<hbm>> -> memref<8x2x64xi32, #tpu.memory_space<hbm>>
      %dma_start3A_226 = arith.constant 0 : i32
      %dma_start3A_227 = arith.constant 0 : i32
      %dma_start3A_228 = arith.constant 0 : i32
      %dma_start3A_229 = tpu.memref_slice %arg8[%run_scoped3A_49, %dma_start3A_226, %dma_start3A_227, %dma_start3A_228] : memref<2x8x2x64xi32, #tpu.memory_space<vmem>> -> memref<1x8x2x64xi32, #tpu.memory_space<vmem>>
      %dma_start3A_230 = tpu.memref_squeeze %dma_start3A_229 : memref<1x8x2x64xi32, #tpu.memory_space<vmem>> -> memref<8x2x64xi32, #tpu.memory_space<vmem>>
      %dma_start3A_231 = arith.constant 0 : i32
      %dma_start3A_232 = arith.constant 0 : i32
      %dma_start3A_233 = arith.constant 0 : i32
      %dma_start3A_234 = tpu.memref_slice %arg2[%arg1, %run_scoped3A_48, %dma_start3A_231, %dma_start3A_232, %dma_start3A_233] : memref<16x40x8x2x64xi32, #tpu.memory_space<hbm>> -> memref<1x1x8x2x64xi32, #tpu.memory_space<hbm>>
      %dma_start3A_235 = tpu.memref_squeeze %dma_start3A_234 : memref<1x1x8x2x64xi32, #tpu.memory_space<hbm>> -> memref<8x2x64xi32, #tpu.memory_space<hbm>>
      tpu.enqueue_dma source(%dma_start3A_235 : memref<8x2x64xi32, #tpu.memory_space<hbm>>) target(%dma_start3A_230 : memref<8x2x64xi32, #tpu.memory_space<vmem>>) target_semaphore(%run_scoped3A_215 : memref<!tpu.dma_semaphore, #tpu.memory_space<semaphore_mem>>)
      %dma_wait3A = arith.constant 0 : i32
      %dma_wait3A_236 = arith.constant 0 : i32
      %dma_wait3A_237 = arith.constant 0 : i32
      %dma_wait3A_238 = tpu.memref_slice %arg8[%run_scoped3A_49, %dma_wait3A, %dma_wait3A_236, %dma_wait3A_237] : memref<2x8x2x64xi32, #tpu.memory_space<vmem>> -> memref<1x8x2x64xi32, #tpu.memory_space<vmem>>
      %dma_wait3A_239 = tpu.memref_squeeze %dma_wait3A_238 : memref<1x8x2x64xi32, #tpu.memory_space<vmem>> -> memref<8x2x64xi32, #tpu.memory_space<vmem>>
      %dma_wait3A_240 = arith.constant 0 : i32
      %dma_wait3A_241 = arith.constant 0 : i32
      %dma_wait3A_242 = arith.constant 0 : i32
      %dma_wait3A_243 = tpu.memref_slice %arg2[%arg1, %run_scoped3A_48, %dma_wait3A_240, %dma_wait3A_241, %dma_wait3A_242] : memref<16x40x8x2x64xi32, #tpu.memory_space<hbm>> -> memref<1x1x8x2x64xi32, #tpu.memory_space<hbm>>
      %dma_wait3A_244 = tpu.memref_squeeze %dma_wait3A_243 : memref<1x1x8x2x64xi32, #tpu.memory_space<hbm>> -> memref<8x2x64xi32, #tpu.memory_space<hbm>>
      %dma_wait3A_245 = arith.constant 0 : i32
      %dma_wait3A_246 = arith.constant 0 : i32
      %dma_wait3A_247 = arith.constant 0 : i32
      %dma_wait3A_248 = tpu.memref_slice %arg8[%run_scoped3A_49, %dma_wait3A_245, %dma_wait3A_246, %dma_wait3A_247] : memref<2x8x2x64xi32, #tpu.memory_space<vmem>> -> memref<1x8x2x64xi32, #tpu.memory_space<vmem>>
      %dma_wait3A_249 = tpu.memref_squeeze %dma_wait3A_248 : memref<1x8x2x64xi32, #tpu.memory_space<vmem>> -> memref<8x2x64xi32, #tpu.memory_space<vmem>>
      %dma_wait3A_250 = arith.constant 0 : i32
      %dma_wait3A_251 = arith.constant 0 : i32
      %dma_wait3A_252 = arith.constant 0 : i32
      %dma_wait3A_253 = tpu.memref_slice %arg2[%arg1, %run_scoped3A_48, %dma_wait3A_250, %dma_wait3A_251, %dma_wait3A_252] : memref<16x40x8x2x64xi32, #tpu.memory_space<hbm>> -> memref<1x1x8x2x64xi32, #tpu.memory_space<hbm>>
      %dma_wait3A_254 = tpu.memref_squeeze %dma_wait3A_253 : memref<1x1x8x2x64xi32, #tpu.memory_space<hbm>> -> memref<8x2x64xi32, #tpu.memory_space<hbm>>
      tpu.wait_dma2 semaphore(%run_scoped3A_215 : memref<!tpu.dma_semaphore, #tpu.memory_space<semaphore_mem>>) src(%dma_wait3A_254 : memref<8x2x64xi32, #tpu.memory_space<hbm>>) dst(%dma_wait3A_249 : memref<8x2x64xi32, #tpu.memory_space<vmem>>)
      tpu.yield
    }) : () -> ()
    %get3A = arith.constant 0 : i32
    %get3A_50 = arith.constant 0 : i32
    %get3A_51 = arith.constant 0 : i32
    %get3A_52 = arith.index_cast %get3A : i32 to index
    %get3A_53 = arith.index_cast %get3A_50 : i32 to index
    %get3A_54 = arith.index_cast %get3A_51 : i32 to index
    %get3A_55 = arith.constant 0 : index
    %get3A_56 = tpu.vector_load %arg8[%get3A_52, %get3A_53, %get3A_54, %get3A_55] {strides = array<i32>} : memref<2x8x2x64xi32, #tpu.memory_space<vmem>>, vector<16xi32>,
    %add3A_57 = vector.broadcast %mul3A_2 : i32 to vector<16xi32>
    %add3A_58 = arith.addi %get3A_56, %add3A_57 : vector<16xi32>
    %swap3A = arith.constant 0 : i32
    %swap3A_59 = arith.constant 0 : i32
    %swap3A_60 = arith.index_cast %swap3A : i32 to index
    %swap3A_61 = arith.index_cast %swap3A_59 : i32 to index
    %swap3A_62 = arith.constant 0 : index
    %swap3A_63 = tpu.vector_load %arg9[%swap3A_60, %swap3A_61, %swap3A_62] {strides = array<i32>} : memref<2x2x64xi32, #tpu.memory_space<vmem>>, vector<16xi32>,
    tpu.vector_store %arg9[%swap3A_60, %swap3A_61, %swap3A_62], %add3A_58 {strides = array<i32>} : memref<2x2x64xi32, #tpu.memory_space<vmem>>, vector<16xi32>,
    %get3A_64 = arith.constant 0 : i32
    %get3A_65 = arith.constant 0 : i32
    %get3A_66 = arith.constant 1 : i32
    %get3A_67 = arith.index_cast %get3A_64 : i32 to index
    %get3A_68 = arith.index_cast %get3A_65 : i32 to index
    %get3A_69 = arith.index_cast %get3A_66 : i32 to index
    %get3A_70 = arith.constant 0 : index
    %get3A_71 = tpu.vector_load %arg8[%get3A_67, %get3A_68, %get3A_69, %get3A_70] {strides = array<i32>} : memref<2x8x2x64xi32, #tpu.memory_space<vmem>>, vector<16xi32>,
    %add3A_72 = vector.broadcast %mul3A_2 : i32 to vector<16xi32>
    %add3A_73 = arith.addi %get3A_71, %add3A_72 : vector<16xi32>
    %swap3A_74 = arith.constant 0 : i32
    %swap3A_75 = arith.constant 1 : i32
    %swap3A_76 = arith.index_cast %swap3A_74 : i32 to index
    %swap3A_77 = arith.index_cast %swap3A_75 : i32 to index
    %swap3A_78 = arith.constant 0 : index
    %swap3A_79 = tpu.vector_load %arg9[%swap3A_76, %swap3A_77, %swap3A_78] {strides = array<i32>} : memref<2x2x64xi32, #tpu.memory_space<vmem>>, vector<16xi32>,
    tpu.vector_store %arg9[%swap3A_76, %swap3A_77, %swap3A_78], %add3A_73 {strides = array<i32>} : memref<2x2x64xi32, #tpu.memory_space<vmem>>, vector<16xi32>,
    %get3A_80 = arith.constant 0 : i32
    %get3A_81 = arith.constant 0 : i32
    %get3A_82 = arith.constant 0 : i32
    %get3A_83 = arith.index_cast %get3A_80 : i32 to index
    %get3A_84 = arith.index_cast %get3A_81 : i32 to index
    %get3A_85 = arith.index_cast %get3A_82 : i32 to index
    %get3A_86 = arith.constant 16 : index
    %get3A_87 = tpu.vector_load %arg8[%get3A_83, %get3A_84, %get3A_85, %get3A_86] {strides = array<i32>} : memref<2x8x2x64xi32, #tpu.memory_space<vmem>>, vector<16xi32>,
    %add3A_88 = vector.broadcast %mul3A_2 : i32 to vector<16xi32>
    %add3A_89 = arith.addi %get3A_87, %add3A_88 : vector<16xi32>
    %swap3A_90 = arith.constant 0 : i32
    %swap3A_91 = arith.constant 0 : i32
    %swap3A_92 = arith.index_cast %swap3A_90 : i32 to index
    %swap3A_93 = arith.index_cast %swap3A_91 : i32 to index
    %swap3A_94 = arith.constant 16 : index
    %swap3A_95 = tpu.vector_load %arg9[%swap3A_92, %swap3A_93, %swap3A_94] {strides = array<i32>} : memref<2x2x64xi32, #tpu.memory_space<vmem>>, vector<16xi32>,
    tpu.vector_store %arg9[%swap3A_92, %swap3A_93, %swap3A_94], %add3A_89 {strides = array<i32>} : memref<2x2x64xi32, #tpu.memory_space<vmem>>, vector<16xi32>,
    %get3A_96 = arith.constant 0 : i32
    %get3A_97 = arith.constant 0 : i32
    %get3A_98 = arith.constant 1 : i32
    %get3A_99 = arith.index_cast %get3A_96 : i32 to index
    %get3A_100 = arith.index_cast %get3A_97 : i32 to index
    %get3A_101 = arith.index_cast %get3A_98 : i32 to index
    %get3A_102 = arith.constant 16 : index
    %get3A_103 = tpu.vector_load %arg8[%get3A_99, %get3A_100, %get3A_101, %get3A_102] {strides = array<i32>} : memref<2x8x2x64xi32, #tpu.memory_space<vmem>>, vector<16xi32>,
    %add3A_104 = vector.broadcast %mul3A_2 : i32 to vector<16xi32>
    %add3A_105 = arith.addi %get3A_103, %add3A_104 : vector<16xi32>
    %swap3A_106 = arith.constant 0 : i32
    %swap3A_107 = arith.constant 1 : i32
    %swap3A_108 = arith.index_cast %swap3A_106 : i32 to index
    %swap3A_109 = arith.index_cast %swap3A_107 : i32 to index
    %swap3A_110 = arith.constant 16 : index
    %swap3A_111 = tpu.vector_load %arg9[%swap3A_108, %swap3A_109, %swap3A_110] {strides = array<i32>} : memref<2x2x64xi32, #tpu.memory_space<vmem>>, vector<16xi32>,
    tpu.vector_store %arg9[%swap3A_108, %swap3A_109, %swap3A_110], %add3A_105 {strides = array<i32>} : memref<2x2x64xi32, #tpu.memory_space<vmem>>, vector<16xi32>,
    %get3A_112 = arith.constant 0 : i32
    %get3A_113 = arith.constant 0 : i32
    %get3A_114 = arith.constant 0 : i32
    %get3A_115 = arith.index_cast %get3A_112 : i32 to index
    %get3A_116 = arith.index_cast %get3A_113 : i32 to index
    %get3A_117 = arith.index_cast %get3A_114 : i32 to index
    %get3A_118 = arith.constant 32 : index
    %get3A_119 = tpu.vector_load %arg8[%get3A_115, %get3A_116, %get3A_117, %get3A_118] {strides = array<i32>} : memref<2x8x2x64xi32, #tpu.memory_space<vmem>>, vector<16xi32>,
    %add3A_120 = vector.broadcast %mul3A_2 : i32 to vector<16xi32>
    %add3A_121 = arith.addi %get3A_119, %add3A_120 : vector<16xi32>
    %swap3A_122 = arith.constant 0 : i32
    %swap3A_123 = arith.constant 0 : i32
    %swap3A_124 = arith.index_cast %swap3A_122 : i32 to index
    %swap3A_125 = arith.index_cast %swap3A_123 : i32 to index
    %swap3A_126 = arith.constant 32 : index
    %swap3A_127 = tpu.vector_load %arg9[%swap3A_124, %swap3A_125, %swap3A_126] {strides = array<i32>} : memref<2x2x64xi32, #tpu.memory_space<vmem>>, vector<16xi32>,
    tpu.vector_store %arg9[%swap3A_124, %swap3A_125, %swap3A_126], %add3A_121 {strides = array<i32>} : memref<2x2x64xi32, #tpu.memory_space<vmem>>, vector<16xi32>,
    %get3A_128 = arith.constant 0 : i32
    %get3A_129 = arith.constant 0 : i32
    %get3A_130 = arith.constant 1 : i32
    %get3A_131 = arith.index_cast %get3A_128 : i32 to index
    %get3A_132 = arith.index_cast %get3A_129 : i32 to index
    %get3A_133 = arith.index_cast %get3A_130 : i32 to index
    %get3A_134 = arith.constant 32 : index
    %get3A_135 = tpu.vector_load %arg8[%get3A_131, %get3A_132, %get3A_133, %get3A_134] {strides = array<i32>} : memref<2x8x2x64xi32, #tpu.memory_space<vmem>>, vector<16xi32>,
    %add3A_136 = vector.broadcast %mul3A_2 : i32 to vector<16xi32>
    %add3A_137 = arith.addi %get3A_135, %add3A_136 : vector<16xi32>
    %swap3A_138 = arith.constant 0 : i32
    %swap3A_139 = arith.constant 1 : i32
    %swap3A_140 = arith.index_cast %swap3A_138 : i32 to index
    %swap3A_141 = arith.index_cast %swap3A_139 : i32 to index
    %swap3A_142 = arith.constant 32 : index
    %swap3A_143 = tpu.vector_load %arg9[%swap3A_140, %swap3A_141, %swap3A_142] {strides = array<i32>} : memref<2x2x64xi32, #tpu.memory_space<vmem>>, vector<16xi32>,
    tpu.vector_store %arg9[%swap3A_140, %swap3A_141, %swap3A_142], %add3A_137 {strides = array<i32>} : memref<2x2x64xi32, #tpu.memory_space<vmem>>, vector<16xi32>,
    %get3A_144 = arith.constant 0 : i32
    %get3A_145 = arith.constant 0 : i32
    %get3A_146 = arith.constant 0 : i32
    %get3A_147 = arith.index_cast %get3A_144 : i32 to index
    %get3A_148 = arith.index_cast %get3A_145 : i32 to index
    %get3A_149 = arith.index_cast %get3A_146 : i32 to index
    %get3A_150 = arith.constant 48 : index
    %get3A_151 = tpu.vector_load %arg8[%get3A_147, %get3A_148, %get3A_149, %get3A_150] {strides = array<i32>} : memref<2x8x2x64xi32, #tpu.memory_space<vmem>>, vector<16xi32>,
    %add3A_152 = vector.broadcast %mul3A_2 : i32 to vector<16xi32>
    %add3A_153 = arith.addi %get3A_151, %add3A_152 : vector<16xi32>
    %swap3A_154 = arith.constant 0 : i32
    %swap3A_155 = arith.constant 0 : i32
    %swap3A_156 = arith.index_cast %swap3A_154 : i32 to index
    %swap3A_157 = arith.index_cast %swap3A_155 : i32 to index
    %swap3A_158 = arith.constant 48 : index
    %swap3A_159 = tpu.vector_load %arg9[%swap3A_156, %swap3A_157, %swap3A_158] {strides = array<i32>} : memref<2x2x64xi32, #tpu.memory_space<vmem>>, vector<16xi32>,
    tpu.vector_store %arg9[%swap3A_156, %swap3A_157, %swap3A_158], %add3A_153 {strides = array<i32>} : memref<2x2x64xi32, #tpu.memory_space<vmem>>, vector<16xi32>,
    %get3A_160 = arith.constant 0 : i32
    %get3A_161 = arith.constant 0 : i32
    %get3A_162 = arith.constant 1 : i32
    %get3A_163 = arith.index_cast %get3A_160 : i32 to index
    %get3A_164 = arith.index_cast %get3A_161 : i32 to index
    %get3A_165 = arith.index_cast %get3A_162 : i32 to index
    %get3A_166 = arith.constant 48 : index
    %get3A_167 = tpu.vector_load %arg8[%get3A_163, %get3A_164, %get3A_165, %get3A_166] {strides = array<i32>} : memref<2x8x2x64xi32, #tpu.memory_space<vmem>>, vector<16xi32>,
    %add3A_168 = vector.broadcast %mul3A_2 : i32 to vector<16xi32>
    %add3A_169 = arith.addi %get3A_167, %add3A_168 : vector<16xi32>
    %swap3A_170 = arith.constant 0 : i32
    %swap3A_171 = arith.constant 1 : i32
    %swap3A_172 = arith.index_cast %swap3A_170 : i32 to index
    %swap3A_173 = arith.index_cast %swap3A_171 : i32 to index
    %swap3A_174 = arith.constant 48 : index
    %swap3A_175 = tpu.vector_load %arg9[%swap3A_172, %swap3A_173, %swap3A_174] {strides = array<i32>} : memref<2x2x64xi32, #tpu.memory_space<vmem>>, vector<16xi32>,
    tpu.vector_store %arg9[%swap3A_172, %swap3A_173, %swap3A_174], %add3A_169 {strides = array<i32>} : memref<2x2x64xi32, #tpu.memory_space<vmem>>, vector<16xi32>,
    %dma_start3A = arith.constant 0 : i32
    %dma_start3A_176 = arith.constant 0 : i32
    %dma_start3A_177 = arith.constant 0 : i32
    %dma_start3A_178 = arith.constant 0 : i32
    %dma_start3A_179 = arith.constant 0 : i32
    %dma_start3A_180 = arith.constant 0 : i32
    %dma_start3A_181 = tpu.memref_slice %arg10[%dma_start3A_177, %dma_start3A_179, %dma_start3A_180] : memref<2x64x128xf32, #tpu.memory_space<vmem>> -> memref<1x64x128xf32, #tpu.memory_space<vmem>>
    %dma_start3A_182 = tpu.memref_squeeze %dma_start3A_181 : memref<1x64x128xf32, #tpu.memory_space<vmem>> -> memref<64x128xf32, #tpu.memory_space<vmem>>
    %dma_start3A_183 = arith.constant 0 : i32
    %dma_start3A_184 = tpu.memref_slice %arg9[%dma_start3A, %dma_start3A_176, %dma_start3A_183] : memref<2x2x64xi32, #tpu.memory_space<vmem>> -> memref<1x1x64xi32, #tpu.memory_space<vmem>>
    %dma_start3A_185 = tpu.memref_squeeze %dma_start3A_184 : memref<1x1x64xi32, #tpu.memory_space<vmem>> -> memref<64xi32, #tpu.memory_space<vmem>>
    %dma_start3A_186 = arith.constant 0 : i32
    %dma_start3A_187 = arith.constant 0 : i32
    %dma_start3A_188 = tpu.memref_slice %arg3[%dma_start3A_186, %dma_start3A_187] : memref<20480x128xf32, #tpu.memory_space<hbm>> -> memref<20480x128xf32, #tpu.memory_space<hbm>>
    %dma_start3A_189 = tpu.memref_slice %arg16[%dma_start3A_178] : memref<2x!tpu.dma_semaphore, #tpu.memory_space<semaphore_mem>> -> memref<1x!tpu.dma_semaphore, #tpu.memory_space<semaphore_mem>>
    %dma_start3A_190 = tpu.memref_squeeze %dma_start3A_189 : memref<1x!tpu.dma_semaphore, #tpu.memory_space<semaphore_mem>> -> memref<!tpu.dma_semaphore, #tpu.memory_space<semaphore_mem>>
    tpu.enqueue_indirect_dma source(%dma_start3A_188 : memref<20480x128xf32, #tpu.memory_space<hbm>>) target(%dma_start3A_182 : memref<64x128xf32, #tpu.memory_space<vmem>>) offsets(%dma_start3A_185 : memref<64xi32, #tpu.memory_space<vmem>>) semaphore(%dma_start3A_190 : memref<!tpu.dma_semaphore, #tpu.memory_space<semaphore_mem>>)
    %dma_start3A_191 = arith.constant 0 : i32
    %dma_start3A_192 = arith.constant 1 : i32
    %dma_start3A_193 = arith.constant 0 : i32
    %dma_start3A_194 = arith.constant 0 : i32
    %dma_start3A_195 = arith.constant 0 : i32
    %dma_start3A_196 = arith.constant 0 : i32
    %dma_start3A_197 = tpu.memref_slice %arg11[%dma_start3A_193, %dma_start3A_195, %dma_start3A_196] : memref<2x64x128xf32, #tpu.memory_space<vmem>> -> memref<1x64x128xf32, #tpu.memory_space<vmem>>
    %dma_start3A_198 = tpu.memref_squeeze %dma_start3A_197 : memref<1x64x128xf32, #tpu.memory_space<vmem>> -> memref<64x128xf32, #tpu.memory_space<vmem>>
    %dma_start3A_199 = arith.constant 0 : i32
    %dma_start3A_200 = tpu.memref_slice %arg9[%dma_start3A_191, %dma_start3A_192, %dma_start3A_199] : memref<2x2x64xi32, #tpu.memory_space<vmem>> -> memref<1x1x64xi32, #tpu.memory_space<vmem>>
    %dma_start3A_201 = tpu.memref_squeeze %dma_start3A_200 : memref<1x1x64xi32, #tpu.memory_space<vmem>> -> memref<64xi32, #tpu.memory_space<vmem>>
    %dma_start3A_202 = arith.constant 0 : i32
    %dma_start3A_203 = arith.constant 0 : i32
    %dma_start3A_204 = tpu.memref_slice %arg4[%dma_start3A_202, %dma_start3A_203] : memref<20480x128xf32, #tpu.memory_space<hbm>> -> memref<20480x128xf32, #tpu.memory_space<hbm>>
    %dma_start3A_205 = tpu.memref_slice %arg16[%dma_start3A_194] : memref<2x!tpu.dma_semaphore, #tpu.memory_space<semaphore_mem>> -> memref<1x!tpu.dma_semaphore, #tpu.memory_space<semaphore_mem>>
    %dma_start3A_206 = tpu.memref_squeeze %dma_start3A_205 : memref<1x!tpu.dma_semaphore, #tpu.memory_space<semaphore_mem>> -> memref<!tpu.dma_semaphore, #tpu.memory_space<semaphore_mem>>
    tpu.enqueue_indirect_dma source(%dma_start3A_204 : memref<20480x128xf32, #tpu.memory_space<hbm>>) target(%dma_start3A_198 : memref<64x128xf32, #tpu.memory_space<vmem>>) offsets(%dma_start3A_201 : memref<64xi32, #tpu.memory_space<vmem>>) semaphore(%dma_start3A_206 : memref<!tpu.dma_semaphore, #tpu.memory_space<semaphore_mem>>)
    %scan3A_207 = arith.constant 0 : i32
    %scan3A_208 = arith.constant 0 : i32
    %scan3A_209 = arith.constant 320 : i32
    %scan3A_210 = arith.addi %scan3A_208, %scan3A_209 : i32
    %scan3A_211 = arith.constant 1 : i32
    %scan3A_212 = scf.for %scan3A_215 = %scan3A_208 to %scan3A_210 step %scan3A_211 iter_args(%scan3A_216 = %scan3A_207) -> (i32)  : i32 {
      %jit3A = arith.constant 2 : i32
      %eq3A_217 = arith.constant 0 : i32
      %eq3A_218 = arith.cmpi eq, %jit3A, %eq3A_217 : i32
      %jit3A_219 = arith.constant 1 : i32
      %select_n3A = arith.select %eq3A_218, %jit3A_219, %jit3A : i32
      %rem3A = arith.remsi %scan3A_215, %select_n3A : i32
      %ne3A = arith.constant 0 : i32
      %ne3A_220 = arith.cmpi ne, %rem3A, %ne3A : i32
      %lt3A = arith.constant 0 : i32
      %lt3A_221 = arith.cmpi slt, %rem3A, %lt3A : i32
      %lt3A_222 = arith.constant 0 : i32
      %lt3A_223 = arith.cmpi slt, %select_n3A, %lt3A_222 : i32
      %ne3A_224 = arith.xori %lt3A_221, %lt3A_223 : i1
      %and3A = arith.andi %ne3A_224, %ne3A_220 : i1
      %add3A_225 = arith.addi %rem3A, %select_n3A : i32
      %select_n3A_226 = arith.select %and3A, %add3A_225, %rem3A : i32
      %sub3A = arith.constant 1 : i32
      %sub3A_227 = arith.subi %sub3A, %select_n3A_226 : i32
      %jit3A_228 = arith.constant 8 : i32
      %eq3A_229 = arith.constant 0 : i32
      %eq3A_230 = arith.cmpi eq, %jit3A_228, %eq3A_229 : i32
      %jit3A_231 = arith.constant 1 : i32
      %select_n3A_232 = arith.select %eq3A_230, %jit3A_231, %jit3A_228 : i32
      %rem3A_233 = arith.remsi %scan3A_215, %select_n3A_232 : i32
      %ne3A_234 = arith.constant 0 : i32
      %ne3A_235 = arith.cmpi ne, %rem3A_233, %ne3A_234 : i32
      %lt3A_236 = arith.constant 0 : i32
      %lt3A_237 = arith.cmpi slt, %rem3A_233, %lt3A_236 : i32
      %lt3A_238 = arith.constant 0 : i32
      %lt3A_239 = arith.cmpi slt, %select_n3A_232, %lt3A_238 : i32
      %ne3A_240 = arith.xori %lt3A_237, %lt3A_239 : i1
      %and3A_241 = arith.andi %ne3A_240, %ne3A_235 : i1
      %add3A_242 = arith.addi %rem3A_233, %select_n3A_232 : i32
      %select_n3A_243 = arith.select %and3A_241, %add3A_242, %rem3A_233 : i32
      %eq3A_244 = arith.constant 0 : i32
      %eq3A_245 = arith.cmpi eq, %select_n3A_243, %eq3A_244 : i32
      %convert_element_type3A = arith.extui %eq3A_245 : i1 to i32
      %cond3A = arith.constant 0 : i32
      %cond3A_246 = arith.cmpi ne, %convert_element_type3A, %cond3A : i32
      scf.if %cond3A_246 {
        %add3A_600 = arith.constant 8 : i32
        %add3A_601 = arith.addi %scan3A_215, %add3A_600 : i32
        %lt3A_602 = arith.constant 320 : i32
        %lt3A_603 = arith.cmpi slt, %add3A_601, %lt3A_602 : i32
        %convert_element_type3A_604 = arith.extui %lt3A_603 : i1 to i32
        %cond3A_605 = arith.constant 0 : i32
        %cond3A_606 = arith.cmpi ne, %convert_element_type3A_604, %cond3A_605 : i32
        scf.if %cond3A_606 {
          %jit3A_607 = arith.constant 8 : i32
          %div3A_608 = arith.divsi %scan3A_215, %jit3A_607 : i32
          %sign3A_609 = arith.constant 0 : i32
          %sign3A_610 = arith.cmpi sgt, %scan3A_215, %sign3A_609 : i32
          %sign3A_611 = arith.extui %sign3A_610 : i1 to i32
          %sign3A_612 = arith.constant 0 : i32
          %sign3A_613 = arith.cmpi slt, %scan3A_215, %sign3A_612 : i32
          %sign3A_614 = arith.extui %sign3A_613 : i1 to i32
          %sign3A_615 = arith.subi %sign3A_611, %sign3A_614 : i32
          %sign3A_616 = arith.constant 0 : i32
          %sign3A_617 = arith.cmpi sgt, %jit3A_607, %sign3A_616 : i32
          %sign3A_618 = arith.extui %sign3A_617 : i1 to i32
          %sign3A_619 = arith.constant 0 : i32
          %sign3A_620 = arith.cmpi slt, %jit3A_607, %sign3A_619 : i32
          %sign3A_621 = arith.extui %sign3A_620 : i1 to i32
          %sign3A_622 = arith.subi %sign3A_618, %sign3A_621 : i32
          %ne3A_623 = arith.cmpi ne, %sign3A_615, %sign3A_622 : i32
          %rem3A_624 = arith.remsi %scan3A_215, %jit3A_607 : i32
          %ne3A_625 = arith.constant 0 : i32
          %ne3A_626 = arith.cmpi ne, %rem3A_624, %ne3A_625 : i32
          %and3A_627 = arith.andi %ne3A_623, %ne3A_626 : i1
          %sub3A_628 = arith.constant 1 : i32
          %sub3A_629 = arith.subi %div3A_608, %sub3A_628 : i32
          %select_n3A_630 = arith.select %and3A_627, %sub3A_629, %div3A_608 : i32
          %add3A_631 = arith.constant 1 : i32
          %add3A_632 = arith.addi %select_n3A_630, %add3A_631 : i32
          %jit3A_633 = arith.constant 8 : i32
          %div3A_634 = arith.divsi %scan3A_215, %jit3A_633 : i32
          %sign3A_635 = arith.constant 0 : i32
          %sign3A_636 = arith.cmpi sgt, %scan3A_215, %sign3A_635 : i32
          %sign3A_637 = arith.extui %sign3A_636 : i1 to i32
          %sign3A_638 = arith.constant 0 : i32
          %sign3A_639 = arith.cmpi slt, %scan3A_215, %sign3A_638 : i32
          %sign3A_640 = arith.extui %sign3A_639 : i1 to i32
          %sign3A_641 = arith.subi %sign3A_637, %sign3A_640 : i32
          %sign3A_642 = arith.constant 0 : i32
          %sign3A_643 = arith.cmpi sgt, %jit3A_633, %sign3A_642 : i32
          %sign3A_644 = arith.extui %sign3A_643 : i1 to i32
          %sign3A_645 = arith.constant 0 : i32
          %sign3A_646 = arith.cmpi slt, %jit3A_633, %sign3A_645 : i32
          %sign3A_647 = arith.extui %sign3A_646 : i1 to i32
          %sign3A_648 = arith.subi %sign3A_644, %sign3A_647 : i32
          %ne3A_649 = arith.cmpi ne, %sign3A_641, %sign3A_648 : i32
          %rem3A_650 = arith.remsi %scan3A_215, %jit3A_633 : i32
          %ne3A_651 = arith.constant 0 : i32
          %ne3A_652 = arith.cmpi ne, %rem3A_650, %ne3A_651 : i32
          %and3A_653 = arith.andi %ne3A_649, %ne3A_652 : i1
          %sub3A_654 = arith.constant 1 : i32
          %sub3A_655 = arith.subi %div3A_634, %sub3A_654 : i32
          %select_n3A_656 = arith.select %and3A_653, %sub3A_655, %div3A_634 : i32
          %add3A_657 = arith.constant 1 : i32
          %add3A_658 = arith.addi %select_n3A_656, %add3A_657 : i32
          %jit3A_659 = arith.constant 2 : i32
          %eq3A_660 = arith.constant 0 : i32
          %eq3A_661 = arith.cmpi eq, %jit3A_659, %eq3A_660 : i32
          %jit3A_662 = arith.constant 1 : i32
          %select_n3A_663 = arith.select %eq3A_661, %jit3A_662, %jit3A_659 : i32
          %rem3A_664 = arith.remsi %add3A_658, %select_n3A_663 : i32
          %ne3A_665 = arith.constant 0 : i32
          %ne3A_666 = arith.cmpi ne, %rem3A_664, %ne3A_665 : i32
          %lt3A_667 = arith.constant 0 : i32
          %lt3A_668 = arith.cmpi slt, %rem3A_664, %lt3A_667 : i32
          %lt3A_669 = arith.constant 0 : i32
          %lt3A_670 = arith.cmpi slt, %select_n3A_663, %lt3A_669 : i32
          %ne3A_671 = arith.xori %lt3A_668, %lt3A_670 : i1
          %and3A_672 = arith.andi %ne3A_671, %ne3A_666 : i1
          %add3A_673 = arith.addi %rem3A_664, %select_n3A_663 : i32
          %select_n3A_674 = arith.select %and3A_672, %add3A_673, %rem3A_664 : i32
          "tpu.region"() ({
            %run_scoped3A_675 = tpu.sem_alloc : memref<!tpu.dma_semaphore, #tpu.memory_space<semaphore_mem>>
            %dma_start3A_676 = arith.constant 0 : i32
            %dma_start3A_677 = arith.constant 0 : i32
            %dma_start3A_678 = arith.constant 0 : i32
            %dma_start3A_679 = tpu.memref_slice %arg8[%select_n3A_674, %dma_start3A_676, %dma_start3A_677, %dma_start3A_678] : memref<2x8x2x64xi32, #tpu.memory_space<vmem>> -> memref<1x8x2x64xi32, #tpu.memory_space<vmem>>
            %dma_start3A_680 = tpu.memref_squeeze %dma_start3A_679 : memref<1x8x2x64xi32, #tpu.memory_space<vmem>> -> memref<8x2x64xi32, #tpu.memory_space<vmem>>
            %dma_start3A_681 = arith.constant 0 : i32
            %dma_start3A_682 = arith.constant 0 : i32
            %dma_start3A_683 = arith.constant 0 : i32
            %dma_start3A_684 = tpu.memref_slice %arg2[%arg1, %add3A_632, %dma_start3A_681, %dma_start3A_682, %dma_start3A_683] : memref<16x40x8x2x64xi32, #tpu.memory_space<hbm>> -> memref<1x1x8x2x64xi32, #tpu.memory_space<hbm>>
            %dma_start3A_685 = tpu.memref_squeeze %dma_start3A_684 : memref<1x1x8x2x64xi32, #tpu.memory_space<hbm>> -> memref<8x2x64xi32, #tpu.memory_space<hbm>>
            %dma_start3A_686 = arith.constant 0 : i32
            %dma_start3A_687 = arith.constant 0 : i32
            %dma_start3A_688 = arith.constant 0 : i32
            %dma_start3A_689 = tpu.memref_slice %arg8[%select_n3A_674, %dma_start3A_686, %dma_start3A_687, %dma_start3A_688] : memref<2x8x2x64xi32, #tpu.memory_space<vmem>> -> memref<1x8x2x64xi32, #tpu.memory_space<vmem>>
            %dma_start3A_690 = tpu.memref_squeeze %dma_start3A_689 : memref<1x8x2x64xi32, #tpu.memory_space<vmem>> -> memref<8x2x64xi32, #tpu.memory_space<vmem>>
            %dma_start3A_691 = arith.constant 0 : i32
            %dma_start3A_692 = arith.constant 0 : i32
            %dma_start3A_693 = arith.constant 0 : i32
            %dma_start3A_694 = tpu.memref_slice %arg2[%arg1, %add3A_632, %dma_start3A_691, %dma_start3A_692, %dma_start3A_693] : memref<16x40x8x2x64xi32, #tpu.memory_space<hbm>> -> memref<1x1x8x2x64xi32, #tpu.memory_space<hbm>>
            %dma_start3A_695 = tpu.memref_squeeze %dma_start3A_694 : memref<1x1x8x2x64xi32, #tpu.memory_space<hbm>> -> memref<8x2x64xi32, #tpu.memory_space<hbm>>
            tpu.enqueue_dma source(%dma_start3A_695 : memref<8x2x64xi32, #tpu.memory_space<hbm>>) target(%dma_start3A_690 : memref<8x2x64xi32, #tpu.memory_space<vmem>>) target_semaphore(%run_scoped3A_675 : memref<!tpu.dma_semaphore, #tpu.memory_space<semaphore_mem>>)
            %dma_wait3A_696 = arith.constant 0 : i32
            %dma_wait3A_697 = arith.constant 0 : i32
            %dma_wait3A_698 = arith.constant 0 : i32
            %dma_wait3A_699 = tpu.memref_slice %arg8[%select_n3A_674, %dma_wait3A_696, %dma_wait3A_697, %dma_wait3A_698] : memref<2x8x2x64xi32, #tpu.memory_space<vmem>> -> memref<1x8x2x64xi32, #tpu.memory_space<vmem>>
            %dma_wait3A_700 = tpu.memref_squeeze %dma_wait3A_699 : memref<1x8x2x64xi32, #tpu.memory_space<vmem>> -> memref<8x2x64xi32, #tpu.memory_space<vmem>>
            %dma_wait3A_701 = arith.constant 0 : i32
            %dma_wait3A_702 = arith.constant 0 : i32
            %dma_wait3A_703 = arith.constant 0 : i32
            %dma_wait3A_704 = tpu.memref_slice %arg2[%arg1, %add3A_632, %dma_wait3A_701, %dma_wait3A_702, %dma_wait3A_703] : memref<16x40x8x2x64xi32, #tpu.memory_space<hbm>> -> memref<1x1x8x2x64xi32, #tpu.memory_space<hbm>>
            %dma_wait3A_705 = tpu.memref_squeeze %dma_wait3A_704 : memref<1x1x8x2x64xi32, #tpu.memory_space<hbm>> -> memref<8x2x64xi32, #tpu.memory_space<hbm>>
            %dma_wait3A_706 = arith.constant 0 : i32
            %dma_wait3A_707 = arith.constant 0 : i32
            %dma_wait3A_708 = arith.constant 0 : i32
            %dma_wait3A_709 = tpu.memref_slice %arg8[%select_n3A_674, %dma_wait3A_706, %dma_wait3A_707, %dma_wait3A_708] : memref<2x8x2x64xi32, #tpu.memory_space<vmem>> -> memref<1x8x2x64xi32, #tpu.memory_space<vmem>>
            %dma_wait3A_710 = tpu.memref_squeeze %dma_wait3A_709 : memref<1x8x2x64xi32, #tpu.memory_space<vmem>> -> memref<8x2x64xi32, #tpu.memory_space<vmem>>
            %dma_wait3A_711 = arith.constant 0 : i32
            %dma_wait3A_712 = arith.constant 0 : i32
            %dma_wait3A_713 = arith.constant 0 : i32
            %dma_wait3A_714 = tpu.memref_slice %arg2[%arg1, %add3A_632, %dma_wait3A_711, %dma_wait3A_712, %dma_wait3A_713] : memref<16x40x8x2x64xi32, #tpu.memory_space<hbm>> -> memref<1x1x8x2x64xi32, #tpu.memory_space<hbm>>
            %dma_wait3A_715 = tpu.memref_squeeze %dma_wait3A_714 : memref<1x1x8x2x64xi32, #tpu.memory_space<hbm>> -> memref<8x2x64xi32, #tpu.memory_space<hbm>>
            tpu.wait_dma2 semaphore(%run_scoped3A_675 : memref<!tpu.dma_semaphore, #tpu.memory_space<semaphore_mem>>) src(%dma_wait3A_715 : memref<8x2x64xi32, #tpu.memory_space<hbm>>) dst(%dma_wait3A_710 : memref<8x2x64xi32, #tpu.memory_space<vmem>>)
            tpu.yield
          }) : () -> ()
        } else {
        }
      } else {
      }
      %add3A_247 = arith.constant 1 : i32
      %add3A_248 = arith.addi %scan3A_215, %add3A_247 : i32
      %lt3A_249 = arith.constant 320 : i32
      %lt3A_250 = arith.cmpi slt, %add3A_248, %lt3A_249 : i32
      %convert_element_type3A_251 = arith.extui %lt3A_250 : i1 to i32
      %cond3A_252 = arith.constant 0 : i32
      %cond3A_253 = arith.cmpi ne, %convert_element_type3A_251, %cond3A_252 : i32
      scf.if %cond3A_253 {
        %add3A_600 = arith.constant 1 : i32
        %add3A_601 = arith.addi %scan3A_215, %add3A_600 : i32
        %jit3A_602 = arith.constant 8 : i32
        %div3A_603 = arith.divsi %add3A_601, %jit3A_602 : i32
        %sign3A_604 = arith.constant 0 : i32
        %sign3A_605 = arith.cmpi sgt, %add3A_601, %sign3A_604 : i32
        %sign3A_606 = arith.extui %sign3A_605 : i1 to i32
        %sign3A_607 = arith.constant 0 : i32
        %sign3A_608 = arith.cmpi slt, %add3A_601, %sign3A_607 : i32
        %sign3A_609 = arith.extui %sign3A_608 : i1 to i32
        %sign3A_610 = arith.subi %sign3A_606, %sign3A_609 : i32
        %sign3A_611 = arith.constant 0 : i32
        %sign3A_612 = arith.cmpi sgt, %jit3A_602, %sign3A_611 : i32
        %sign3A_613 = arith.extui %sign3A_612 : i1 to i32
        %sign3A_614 = arith.constant 0 : i32
        %sign3A_615 = arith.cmpi slt, %jit3A_602, %sign3A_614 : i32
        %sign3A_616 = arith.extui %sign3A_615 : i1 to i32
        %sign3A_617 = arith.subi %sign3A_613, %sign3A_616 : i32
        %ne3A_618 = arith.cmpi ne, %sign3A_610, %sign3A_617 : i32
        %rem3A_619 = arith.remsi %add3A_601, %jit3A_602 : i32
        %ne3A_620 = arith.constant 0 : i32
        %ne3A_621 = arith.cmpi ne, %rem3A_619, %ne3A_620 : i32
        %and3A_622 = arith.andi %ne3A_618, %ne3A_621 : i1
        %sub3A_623 = arith.constant 1 : i32
        %sub3A_624 = arith.subi %div3A_603, %sub3A_623 : i32
        %select_n3A_625 = arith.select %and3A_622, %sub3A_624, %div3A_603 : i32
        %jit3A_626 = arith.constant 2 : i32
        %eq3A_627 = arith.constant 0 : i32
        %eq3A_628 = arith.cmpi eq, %jit3A_626, %eq3A_627 : i32
        %jit3A_629 = arith.constant 1 : i32
        %select_n3A_630 = arith.select %eq3A_628, %jit3A_629, %jit3A_626 : i32
        %rem3A_631 = arith.remsi %select_n3A_625, %select_n3A_630 : i32
        %ne3A_632 = arith.constant 0 : i32
        %ne3A_633 = arith.cmpi ne, %rem3A_631, %ne3A_632 : i32
        %lt3A_634 = arith.constant 0 : i32
        %lt3A_635 = arith.cmpi slt, %rem3A_631, %lt3A_634 : i32
        %lt3A_636 = arith.constant 0 : i32
        %lt3A_637 = arith.cmpi slt, %select_n3A_630, %lt3A_636 : i32
        %ne3A_638 = arith.xori %lt3A_635, %lt3A_637 : i1
        %and3A_639 = arith.andi %ne3A_638, %ne3A_633 : i1
        %add3A_640 = arith.addi %rem3A_631, %select_n3A_630 : i32
        %select_n3A_641 = arith.select %and3A_639, %add3A_640, %rem3A_631 : i32
        %jit3A_642 = arith.constant 8 : i32
        %eq3A_643 = arith.constant 0 : i32
        %eq3A_644 = arith.cmpi eq, %jit3A_642, %eq3A_643 : i32
        %jit3A_645 = arith.constant 1 : i32
        %select_n3A_646 = arith.select %eq3A_644, %jit3A_645, %jit3A_642 : i32
        %rem3A_647 = arith.remsi %add3A_601, %select_n3A_646 : i32
        %ne3A_648 = arith.constant 0 : i32
        %ne3A_649 = arith.cmpi ne, %rem3A_647, %ne3A_648 : i32
        %lt3A_650 = arith.constant 0 : i32
        %lt3A_651 = arith.cmpi slt, %rem3A_647, %lt3A_650 : i32
        %lt3A_652 = arith.constant 0 : i32
        %lt3A_653 = arith.cmpi slt, %select_n3A_646, %lt3A_652 : i32
        %ne3A_654 = arith.xori %lt3A_651, %lt3A_653 : i1
        %and3A_655 = arith.andi %ne3A_654, %ne3A_649 : i1
        %add3A_656 = arith.addi %rem3A_647, %select_n3A_646 : i32
        %select_n3A_657 = arith.select %and3A_655, %add3A_656, %rem3A_647 : i32
        %get3A_658 = arith.constant 0 : i32
        %get3A_659 = arith.index_cast %select_n3A_641 : i32 to index
        %get3A_660 = arith.index_cast %select_n3A_657 : i32 to index
        %get3A_661 = arith.index_cast %get3A_658 : i32 to index
        %get3A_662 = arith.constant 0 : index
        %get3A_663 = tpu.vector_load %arg8[%get3A_659, %get3A_660, %get3A_661, %get3A_662] {strides = array<i32>} : memref<2x8x2x64xi32, #tpu.memory_space<vmem>>, vector<16xi32>,
        %add3A_664 = vector.broadcast %mul3A_2 : i32 to vector<16xi32>
        %add3A_665 = arith.addi %get3A_663, %add3A_664 : vector<16xi32>
        %swap3A_666 = arith.constant 0 : i32
        %swap3A_667 = arith.index_cast %sub3A_227 : i32 to index
        %swap3A_668 = arith.index_cast %swap3A_666 : i32 to index
        %swap3A_669 = arith.constant 0 : index
        %swap3A_670 = tpu.vector_load %arg9[%swap3A_667, %swap3A_668, %swap3A_669] {strides = array<i32>} : memref<2x2x64xi32, #tpu.memory_space<vmem>>, vector<16xi32>,
        tpu.vector_store %arg9[%swap3A_667, %swap3A_668, %swap3A_669], %add3A_665 {strides = array<i32>} : memref<2x2x64xi32, #tpu.memory_space<vmem>>, vector<16xi32>,
        %get3A_671 = arith.constant 1 : i32
        %get3A_672 = arith.index_cast %select_n3A_641 : i32 to index
        %get3A_673 = arith.index_cast %select_n3A_657 : i32 to index
        %get3A_674 = arith.index_cast %get3A_671 : i32 to index
        %get3A_675 = arith.constant 0 : index
        %get3A_676 = tpu.vector_load %arg8[%get3A_672, %get3A_673, %get3A_674, %get3A_675] {strides = array<i32>} : memref<2x8x2x64xi32, #tpu.memory_space<vmem>>, vector<16xi32>,
        %add3A_677 = vector.broadcast %mul3A_2 : i32 to vector<16xi32>
        %add3A_678 = arith.addi %get3A_676, %add3A_677 : vector<16xi32>
        %swap3A_679 = arith.constant 1 : i32
        %swap3A_680 = arith.index_cast %sub3A_227 : i32 to index
        %swap3A_681 = arith.index_cast %swap3A_679 : i32 to index
        %swap3A_682 = arith.constant 0 : index
        %swap3A_683 = tpu.vector_load %arg9[%swap3A_680, %swap3A_681, %swap3A_682] {strides = array<i32>} : memref<2x2x64xi32, #tpu.memory_space<vmem>>, vector<16xi32>,
        tpu.vector_store %arg9[%swap3A_680, %swap3A_681, %swap3A_682], %add3A_678 {strides = array<i32>} : memref<2x2x64xi32, #tpu.memory_space<vmem>>, vector<16xi32>,
        %get3A_684 = arith.constant 0 : i32
        %get3A_685 = arith.index_cast %select_n3A_641 : i32 to index
        %get3A_686 = arith.index_cast %select_n3A_657 : i32 to index
        %get3A_687 = arith.index_cast %get3A_684 : i32 to index
        %get3A_688 = arith.constant 16 : index
        %get3A_689 = tpu.vector_load %arg8[%get3A_685, %get3A_686, %get3A_687, %get3A_688] {strides = array<i32>} : memref<2x8x2x64xi32, #tpu.memory_space<vmem>>, vector<16xi32>,
        %add3A_690 = vector.broadcast %mul3A_2 : i32 to vector<16xi32>
        %add3A_691 = arith.addi %get3A_689, %add3A_690 : vector<16xi32>
        %swap3A_692 = arith.constant 0 : i32
        %swap3A_693 = arith.index_cast %sub3A_227 : i32 to index
        %swap3A_694 = arith.index_cast %swap3A_692 : i32 to index
        %swap3A_695 = arith.constant 16 : index
        %swap3A_696 = tpu.vector_load %arg9[%swap3A_693, %swap3A_694, %swap3A_695] {strides = array<i32>} : memref<2x2x64xi32, #tpu.memory_space<vmem>>, vector<16xi32>,
        tpu.vector_store %arg9[%swap3A_693, %swap3A_694, %swap3A_695], %add3A_691 {strides = array<i32>} : memref<2x2x64xi32, #tpu.memory_space<vmem>>, vector<16xi32>,
        %get3A_697 = arith.constant 1 : i32
        %get3A_698 = arith.index_cast %select_n3A_641 : i32 to index
        %get3A_699 = arith.index_cast %select_n3A_657 : i32 to index
        %get3A_700 = arith.index_cast %get3A_697 : i32 to index
        %get3A_701 = arith.constant 16 : index
        %get3A_702 = tpu.vector_load %arg8[%get3A_698, %get3A_699, %get3A_700, %get3A_701] {strides = array<i32>} : memref<2x8x2x64xi32, #tpu.memory_space<vmem>>, vector<16xi32>,
        %add3A_703 = vector.broadcast %mul3A_2 : i32 to vector<16xi32>
        %add3A_704 = arith.addi %get3A_702, %add3A_703 : vector<16xi32>
        %swap3A_705 = arith.constant 1 : i32
        %swap3A_706 = arith.index_cast %sub3A_227 : i32 to index
        %swap3A_707 = arith.index_cast %swap3A_705 : i32 to index
        %swap3A_708 = arith.constant 16 : index
        %swap3A_709 = tpu.vector_load %arg9[%swap3A_706, %swap3A_707, %swap3A_708] {strides = array<i32>} : memref<2x2x64xi32, #tpu.memory_space<vmem>>, vector<16xi32>,
        tpu.vector_store %arg9[%swap3A_706, %swap3A_707, %swap3A_708], %add3A_704 {strides = array<i32>} : memref<2x2x64xi32, #tpu.memory_space<vmem>>, vector<16xi32>,
        %get3A_710 = arith.constant 0 : i32
        %get3A_711 = arith.index_cast %select_n3A_641 : i32 to index
        %get3A_712 = arith.index_cast %select_n3A_657 : i32 to index
        %get3A_713 = arith.index_cast %get3A_710 : i32 to index
        %get3A_714 = arith.constant 32 : index
        %get3A_715 = tpu.vector_load %arg8[%get3A_711, %get3A_712, %get3A_713, %get3A_714] {strides = array<i32>} : memref<2x8x2x64xi32, #tpu.memory_space<vmem>>, vector<16xi32>,
        %add3A_716 = vector.broadcast %mul3A_2 : i32 to vector<16xi32>
        %add3A_717 = arith.addi %get3A_715, %add3A_716 : vector<16xi32>
        %swap3A_718 = arith.constant 0 : i32
        %swap3A_719 = arith.index_cast %sub3A_227 : i32 to index
        %swap3A_720 = arith.index_cast %swap3A_718 : i32 to index
        %swap3A_721 = arith.constant 32 : index
        %swap3A_722 = tpu.vector_load %arg9[%swap3A_719, %swap3A_720, %swap3A_721] {strides = array<i32>} : memref<2x2x64xi32, #tpu.memory_space<vmem>>, vector<16xi32>,
        tpu.vector_store %arg9[%swap3A_719, %swap3A_720, %swap3A_721], %add3A_717 {strides = array<i32>} : memref<2x2x64xi32, #tpu.memory_space<vmem>>, vector<16xi32>,
        %get3A_723 = arith.constant 1 : i32
        %get3A_724 = arith.index_cast %select_n3A_641 : i32 to index
        %get3A_725 = arith.index_cast %select_n3A_657 : i32 to index
        %get3A_726 = arith.index_cast %get3A_723 : i32 to index
        %get3A_727 = arith.constant 32 : index
        %get3A_728 = tpu.vector_load %arg8[%get3A_724, %get3A_725, %get3A_726, %get3A_727] {strides = array<i32>} : memref<2x8x2x64xi32, #tpu.memory_space<vmem>>, vector<16xi32>,
        %add3A_729 = vector.broadcast %mul3A_2 : i32 to vector<16xi32>
        %add3A_730 = arith.addi %get3A_728, %add3A_729 : vector<16xi32>
        %swap3A_731 = arith.constant 1 : i32
        %swap3A_732 = arith.index_cast %sub3A_227 : i32 to index
        %swap3A_733 = arith.index_cast %swap3A_731 : i32 to index
        %swap3A_734 = arith.constant 32 : index
        %swap3A_735 = tpu.vector_load %arg9[%swap3A_732, %swap3A_733, %swap3A_734] {strides = array<i32>} : memref<2x2x64xi32, #tpu.memory_space<vmem>>, vector<16xi32>,
        tpu.vector_store %arg9[%swap3A_732, %swap3A_733, %swap3A_734], %add3A_730 {strides = array<i32>} : memref<2x2x64xi32, #tpu.memory_space<vmem>>, vector<16xi32>,
        %get3A_736 = arith.constant 0 : i32
        %get3A_737 = arith.index_cast %select_n3A_641 : i32 to index
        %get3A_738 = arith.index_cast %select_n3A_657 : i32 to index
        %get3A_739 = arith.index_cast %get3A_736 : i32 to index
        %get3A_740 = arith.constant 48 : index
        %get3A_741 = tpu.vector_load %arg8[%get3A_737, %get3A_738, %get3A_739, %get3A_740] {strides = array<i32>} : memref<2x8x2x64xi32, #tpu.memory_space<vmem>>, vector<16xi32>,
        %add3A_742 = vector.broadcast %mul3A_2 : i32 to vector<16xi32>
        %add3A_743 = arith.addi %get3A_741, %add3A_742 : vector<16xi32>
        %swap3A_744 = arith.constant 0 : i32
        %swap3A_745 = arith.index_cast %sub3A_227 : i32 to index
        %swap3A_746 = arith.index_cast %swap3A_744 : i32 to index
        %swap3A_747 = arith.constant 48 : index
        %swap3A_748 = tpu.vector_load %arg9[%swap3A_745, %swap3A_746, %swap3A_747] {strides = array<i32>} : memref<2x2x64xi32, #tpu.memory_space<vmem>>, vector<16xi32>,
        tpu.vector_store %arg9[%swap3A_745, %swap3A_746, %swap3A_747], %add3A_743 {strides = array<i32>} : memref<2x2x64xi32, #tpu.memory_space<vmem>>, vector<16xi32>,
        %get3A_749 = arith.constant 1 : i32
        %get3A_750 = arith.index_cast %select_n3A_641 : i32 to index
        %get3A_751 = arith.index_cast %select_n3A_657 : i32 to index
        %get3A_752 = arith.index_cast %get3A_749 : i32 to index
        %get3A_753 = arith.constant 48 : index
        %get3A_754 = tpu.vector_load %arg8[%get3A_750, %get3A_751, %get3A_752, %get3A_753] {strides = array<i32>} : memref<2x8x2x64xi32, #tpu.memory_space<vmem>>, vector<16xi32>,
        %add3A_755 = vector.broadcast %mul3A_2 : i32 to vector<16xi32>
        %add3A_756 = arith.addi %get3A_754, %add3A_755 : vector<16xi32>
        %swap3A_757 = arith.constant 1 : i32
        %swap3A_758 = arith.index_cast %sub3A_227 : i32 to index
        %swap3A_759 = arith.index_cast %swap3A_757 : i32 to index
        %swap3A_760 = arith.constant 48 : index
        %swap3A_761 = tpu.vector_load %arg9[%swap3A_758, %swap3A_759, %swap3A_760] {strides = array<i32>} : memref<2x2x64xi32, #tpu.memory_space<vmem>>, vector<16xi32>,
        tpu.vector_store %arg9[%swap3A_758, %swap3A_759, %swap3A_760], %add3A_756 {strides = array<i32>} : memref<2x2x64xi32, #tpu.memory_space<vmem>>, vector<16xi32>,
        %dma_start3A_762 = arith.constant 0 : i32
        %dma_start3A_763 = arith.constant 0 : i32
        %dma_start3A_764 = arith.constant 0 : i32
        %dma_start3A_765 = tpu.memref_slice %arg10[%sub3A_227, %dma_start3A_763, %dma_start3A_764] : memref<2x64x128xf32, #tpu.memory_space<vmem>> -> memref<1x64x128xf32, #tpu.memory_space<vmem>>
        %dma_start3A_766 = tpu.memref_squeeze %dma_start3A_765 : memref<1x64x128xf32, #tpu.memory_space<vmem>> -> memref<64x128xf32, #tpu.memory_space<vmem>>
        %dma_start3A_767 = arith.constant 0 : i32
        %dma_start3A_768 = tpu.memref_slice %arg9[%sub3A_227, %dma_start3A_762, %dma_start3A_767] : memref<2x2x64xi32, #tpu.memory_space<vmem>> -> memref<1x1x64xi32, #tpu.memory_space<vmem>>
        %dma_start3A_769 = tpu.memref_squeeze %dma_start3A_768 : memref<1x1x64xi32, #tpu.memory_space<vmem>> -> memref<64xi32, #tpu.memory_space<vmem>>
        %dma_start3A_770 = arith.constant 0 : i32
        %dma_start3A_771 = arith.constant 0 : i32
        %dma_start3A_772 = tpu.memref_slice %arg3[%dma_start3A_770, %dma_start3A_771] : memref<20480x128xf32, #tpu.memory_space<hbm>> -> memref<20480x128xf32, #tpu.memory_space<hbm>>
        %dma_start3A_773 = tpu.memref_slice %arg16[%sub3A_227] : memref<2x!tpu.dma_semaphore, #tpu.memory_space<semaphore_mem>> -> memref<1x!tpu.dma_semaphore, #tpu.memory_space<semaphore_mem>>
        %dma_start3A_774 = tpu.memref_squeeze %dma_start3A_773 : memref<1x!tpu.dma_semaphore, #tpu.memory_space<semaphore_mem>> -> memref<!tpu.dma_semaphore, #tpu.memory_space<semaphore_mem>>
        tpu.enqueue_indirect_dma source(%dma_start3A_772 : memref<20480x128xf32, #tpu.memory_space<hbm>>) target(%dma_start3A_766 : memref<64x128xf32, #tpu.memory_space<vmem>>) offsets(%dma_start3A_769 : memref<64xi32, #tpu.memory_space<vmem>>) semaphore(%dma_start3A_774 : memref<!tpu.dma_semaphore, #tpu.memory_space<semaphore_mem>>)
        %dma_start3A_775 = arith.constant 1 : i32
        %dma_start3A_776 = arith.constant 0 : i32
        %dma_start3A_777 = arith.constant 0 : i32
        %dma_start3A_778 = tpu.memref_slice %arg11[%sub3A_227, %dma_start3A_776, %dma_start3A_777] : memref<2x64x128xf32, #tpu.memory_space<vmem>> -> memref<1x64x128xf32, #tpu.memory_space<vmem>>
        %dma_start3A_779 = tpu.memref_squeeze %dma_start3A_778 : memref<1x64x128xf32, #tpu.memory_space<vmem>> -> memref<64x128xf32, #tpu.memory_space<vmem>>
        %dma_start3A_780 = arith.constant 0 : i32
        %dma_start3A_781 = tpu.memref_slice %arg9[%sub3A_227, %dma_start3A_775, %dma_start3A_780] : memref<2x2x64xi32, #tpu.memory_space<vmem>> -> memref<1x1x64xi32, #tpu.memory_space<vmem>>
        %dma_start3A_782 = tpu.memref_squeeze %dma_start3A_781 : memref<1x1x64xi32, #tpu.memory_space<vmem>> -> memref<64xi32, #tpu.memory_space<vmem>>
        %dma_start3A_783 = arith.constant 0 : i32
        %dma_start3A_784 = arith.constant 0 : i32
        %dma_start3A_785 = tpu.memref_slice %arg4[%dma_start3A_783, %dma_start3A_784] : memref<20480x128xf32, #tpu.memory_space<hbm>> -> memref<20480x128xf32, #tpu.memory_space<hbm>>
        %dma_start3A_786 = tpu.memref_slice %arg16[%sub3A_227] : memref<2x!tpu.dma_semaphore, #tpu.memory_space<semaphore_mem>> -> memref<1x!tpu.dma_semaphore, #tpu.memory_space<semaphore_mem>>
        %dma_start3A_787 = tpu.memref_squeeze %dma_start3A_786 : memref<1x!tpu.dma_semaphore, #tpu.memory_space<semaphore_mem>> -> memref<!tpu.dma_semaphore, #tpu.memory_space<semaphore_mem>>
        tpu.enqueue_indirect_dma source(%dma_start3A_785 : memref<20480x128xf32, #tpu.memory_space<hbm>>) target(%dma_start3A_779 : memref<64x128xf32, #tpu.memory_space<vmem>>) offsets(%dma_start3A_782 : memref<64xi32, #tpu.memory_space<vmem>>) semaphore(%dma_start3A_787 : memref<!tpu.dma_semaphore, #tpu.memory_space<semaphore_mem>>)
      } else {
      }
      %dma_wait3A = arith.constant 0 : i32
      %dma_wait3A_254 = arith.constant 0 : i32
      %dma_wait3A_255 = arith.constant 0 : i32
      %dma_wait3A_256 = tpu.memref_slice %arg10[%select_n3A_226, %dma_wait3A_254, %dma_wait3A_255] : memref<2x64x128xf32, #tpu.memory_space<vmem>> -> memref<1x64x128xf32, #tpu.memory_space<vmem>>
      %dma_wait3A_257 = tpu.memref_squeeze %dma_wait3A_256 : memref<1x64x128xf32, #tpu.memory_space<vmem>> -> memref<64x128xf32, #tpu.memory_space<vmem>>
      %dma_wait3A_258 = arith.constant 0 : i32
      %dma_wait3A_259 = tpu.memref_slice %arg9[%select_n3A_226, %dma_wait3A, %dma_wait3A_258] : memref<2x2x64xi32, #tpu.memory_space<vmem>> -> memref<1x1x64xi32, #tpu.memory_space<vmem>>
      %dma_wait3A_260 = tpu.memref_squeeze %dma_wait3A_259 : memref<1x1x64xi32, #tpu.memory_space<vmem>> -> memref<64xi32, #tpu.memory_space<vmem>>
      %dma_wait3A_261 = arith.constant 0 : i32
      %dma_wait3A_262 = arith.constant 0 : i32
      %dma_wait3A_263 = tpu.memref_slice %arg3[%dma_wait3A_261, %dma_wait3A_262] : memref<20480x128xf32, #tpu.memory_space<hbm>> -> memref<20480x128xf32, #tpu.memory_space<hbm>>
      %dma_wait3A_264 = tpu.memref_slice %arg16[%select_n3A_226] : memref<2x!tpu.dma_semaphore, #tpu.memory_space<semaphore_mem>> -> memref<1x!tpu.dma_semaphore, #tpu.memory_space<semaphore_mem>>
      %dma_wait3A_265 = tpu.memref_squeeze %dma_wait3A_264 : memref<1x!tpu.dma_semaphore, #tpu.memory_space<semaphore_mem>> -> memref<!tpu.dma_semaphore, #tpu.memory_space<semaphore_mem>>
      tpu.wait_indirect_dma semaphore(%dma_wait3A_265 : memref<!tpu.dma_semaphore, #tpu.memory_space<semaphore_mem>>) src(%dma_wait3A_263 : memref<20480x128xf32, #tpu.memory_space<hbm>>) dst(%dma_wait3A_257 : memref<64x128xf32, #tpu.memory_space<vmem>>)
      %dma_wait3A_266 = arith.constant 1 : i32
      %dma_wait3A_267 = arith.constant 0 : i32
      %dma_wait3A_268 = arith.constant 0 : i32
      %dma_wait3A_269 = tpu.memref_slice %arg11[%select_n3A_226, %dma_wait3A_267, %dma_wait3A_268] : memref<2x64x128xf32, #tpu.memory_space<vmem>> -> memref<1x64x128xf32, #tpu.memory_space<vmem>>
      %dma_wait3A_270 = tpu.memref_squeeze %dma_wait3A_269 : memref<1x64x128xf32, #tpu.memory_space<vmem>> -> memref<64x128xf32, #tpu.memory_space<vmem>>
      %dma_wait3A_271 = arith.constant 0 : i32
      %dma_wait3A_272 = tpu.memref_slice %arg9[%select_n3A_226, %dma_wait3A_266, %dma_wait3A_271] : memref<2x2x64xi32, #tpu.memory_space<vmem>> -> memref<1x1x64xi32, #tpu.memory_space<vmem>>
      %dma_wait3A_273 = tpu.memref_squeeze %dma_wait3A_272 : memref<1x1x64xi32, #tpu.memory_space<vmem>> -> memref<64xi32, #tpu.memory_space<vmem>>
      %dma_wait3A_274 = arith.constant 0 : i32
      %dma_wait3A_275 = arith.constant 0 : i32
      %dma_wait3A_276 = tpu.memref_slice %arg4[%dma_wait3A_274, %dma_wait3A_275] : memref<20480x128xf32, #tpu.memory_space<hbm>> -> memref<20480x128xf32, #tpu.memory_space<hbm>>
      %dma_wait3A_277 = tpu.memref_slice %arg16[%select_n3A_226] : memref<2x!tpu.dma_semaphore, #tpu.memory_space<semaphore_mem>> -> memref<1x!tpu.dma_semaphore, #tpu.memory_space<semaphore_mem>>
      %dma_wait3A_278 = tpu.memref_squeeze %dma_wait3A_277 : memref<1x!tpu.dma_semaphore, #tpu.memory_space<semaphore_mem>> -> memref<!tpu.dma_semaphore, #tpu.memory_space<semaphore_mem>>
      tpu.wait_indirect_dma semaphore(%dma_wait3A_278 : memref<!tpu.dma_semaphore, #tpu.memory_space<semaphore_mem>>) src(%dma_wait3A_276 : memref<20480x128xf32, #tpu.memory_space<hbm>>) dst(%dma_wait3A_270 : memref<64x128xf32, #tpu.memory_space<vmem>>)
      %get3A_279 = arith.constant 0 : index
      %get3A_280 = tpu.vector_load %arg13[%get3A_279] {strides = array<i32>} : memref<128xf32, #tpu.memory_space<vmem>>, vector<16xf32>,
      %get3A_281 = arith.constant 16 : index
      %get3A_282 = tpu.vector_load %arg13[%get3A_281] {strides = array<i32>} : memref<128xf32, #tpu.memory_space<vmem>>, vector<16xf32>,
      %get3A_283 = arith.constant 32 : index
      %get3A_284 = tpu.vector_load %arg13[%get3A_283] {strides = array<i32>} : memref<128xf32, #tpu.memory_space<vmem>>, vector<16xf32>,
      %get3A_285 = arith.constant 48 : index
      %get3A_286 = tpu.vector_load %arg13[%get3A_285] {strides = array<i32>} : memref<128xf32, #tpu.memory_space<vmem>>, vector<16xf32>,
      %get3A_287 = arith.constant 64 : index
      %get3A_288 = tpu.vector_load %arg13[%get3A_287] {strides = array<i32>} : memref<128xf32, #tpu.memory_space<vmem>>, vector<16xf32>,
      %get3A_289 = arith.constant 80 : index
      %get3A_290 = tpu.vector_load %arg13[%get3A_289] {strides = array<i32>} : memref<128xf32, #tpu.memory_space<vmem>>, vector<16xf32>,
      %get3A_291 = arith.constant 96 : index
      %get3A_292 = tpu.vector_load %arg13[%get3A_291] {strides = array<i32>} : memref<128xf32, #tpu.memory_space<vmem>>, vector<16xf32>,
      %get3A_293 = arith.constant 112 : index
      %get3A_294 = tpu.vector_load %arg13[%get3A_293] {strides = array<i32>} : memref<128xf32, #tpu.memory_space<vmem>>, vector<16xf32>,
      %scan3A_295 = arith.constant 0 : i32
      %scan3A_296 = arith.constant 32 : i32
      %scan3A_297 = arith.addi %scan3A_295, %scan3A_296 : i32
      %scan3A_298 = arith.constant 1 : i32
      scf.for %scan3A_600 = %scan3A_295 to %scan3A_297 step %scan3A_298  : i32 {
        %mul3A_601 = arith.constant 2 : i32
        %mul3A_602 = arith.muli %scan3A_600, %mul3A_601 : i32
        %add3A_603 = arith.constant 1 : i32
        %add3A_604 = arith.addi %mul3A_602, %add3A_603 : i32
        %broadcast_in_dim3A = arith.constant 0.000000e+00 : f32
        %broadcast_in_dim3A_605 = vector.broadcast %broadcast_in_dim3A : f32 to vector<16xf32>
        %broadcast_in_dim3A_606 = arith.constant 0.000000e+00 : f32
        %broadcast_in_dim3A_607 = vector.broadcast %broadcast_in_dim3A_606 : f32 to vector<16xf32>
        %get3A_608 = arith.index_cast %select_n3A_226 : i32 to index
        %get3A_609 = arith.index_cast %mul3A_602 : i32 to index
        %get3A_610 = arith.constant 0 : index
        %get3A_611 = tpu.vector_load %arg10[%get3A_608, %get3A_609, %get3A_610] {strides = array<i32>} : memref<2x64x128xf32, #tpu.memory_space<vmem>>, vector<16xf32>,
        %get3A_612 = arith.index_cast %select_n3A_226 : i32 to index
        %get3A_613 = arith.index_cast %mul3A_602 : i32 to index
        %get3A_614 = arith.constant 0 : index
        %get3A_615 = tpu.vector_load %arg11[%get3A_612, %get3A_613, %get3A_614] {strides = array<i32>} : memref<2x64x128xf32, #tpu.memory_space<vmem>>, vector<16xf32>,
        %add3A_616 = arith.addf %get3A_611, %get3A_615 : vector<16xf32>
        %get3A_617 = arith.index_cast %select_n3A_226 : i32 to index
        %get3A_618 = arith.index_cast %add3A_604 : i32 to index
        %get3A_619 = arith.constant 0 : index
        %get3A_620 = tpu.vector_load %arg10[%get3A_617, %get3A_618, %get3A_619] {strides = array<i32>} : memref<2x64x128xf32, #tpu.memory_space<vmem>>, vector<16xf32>,
        %get3A_621 = arith.index_cast %select_n3A_226 : i32 to index
        %get3A_622 = arith.index_cast %add3A_604 : i32 to index
        %get3A_623 = arith.constant 0 : index
        %get3A_624 = tpu.vector_load %arg11[%get3A_621, %get3A_622, %get3A_623] {strides = array<i32>} : memref<2x64x128xf32, #tpu.memory_space<vmem>>, vector<16xf32>,
        %add3A_625 = arith.addf %get3A_620, %get3A_624 : vector<16xf32>
        %ge3A = arith.constant 0.000000e+00 : f32
        %ge3A_626 = vector.broadcast %ge3A : f32 to vector<16xf32>
        %ge3A_627 = arith.cmpf oge, %add3A_616, %ge3A_626 : vector<16xf32>
        %mul3A_628 = arith.constant 2.000000e-01 : f32
        %mul3A_629 = vector.broadcast %mul3A_628 : f32 to vector<16xf32>
        %mul3A_630 = arith.mulf %mul3A_629, %add3A_616 : vector<16xf32>
        %select_n3A_631 = arith.select %ge3A_627, %add3A_616, %mul3A_630 : vector<16xi1>, vector<16xf32>
        %ge3A_632 = arith.constant 0.000000e+00 : f32
        %ge3A_633 = vector.broadcast %ge3A_632 : f32 to vector<16xf32>
        %ge3A_634 = arith.cmpf oge, %add3A_625, %ge3A_633 : vector<16xf32>
        %mul3A_635 = arith.constant 2.000000e-01 : f32
        %mul3A_636 = vector.broadcast %mul3A_635 : f32 to vector<16xf32>
        %mul3A_637 = arith.mulf %mul3A_636, %add3A_625 : vector<16xf32>
        %select_n3A_638 = arith.select %ge3A_634, %add3A_625, %mul3A_637 : vector<16xi1>, vector<16xf32>
        %mul3A_639 = arith.mulf %select_n3A_631, %get3A_280 : vector<16xf32>
        %add3A_640 = arith.addf %broadcast_in_dim3A_605, %mul3A_639 : vector<16xf32>
        %mul3A_641 = arith.mulf %select_n3A_638, %get3A_280 : vector<16xf32>
        %add3A_642 = arith.addf %broadcast_in_dim3A_607, %mul3A_641 : vector<16xf32>
        %get3A_643 = arith.index_cast %select_n3A_226 : i32 to index
        %get3A_644 = arith.index_cast %mul3A_602 : i32 to index
        %get3A_645 = arith.constant 16 : index
        %get3A_646 = tpu.vector_load %arg10[%get3A_643, %get3A_644, %get3A_645] {strides = array<i32>} : memref<2x64x128xf32, #tpu.memory_space<vmem>>, vector<16xf32>,
        %get3A_647 = arith.index_cast %select_n3A_226 : i32 to index
        %get3A_648 = arith.index_cast %mul3A_602 : i32 to index
        %get3A_649 = arith.constant 16 : index
        %get3A_650 = tpu.vector_load %arg11[%get3A_647, %get3A_648, %get3A_649] {strides = array<i32>} : memref<2x64x128xf32, #tpu.memory_space<vmem>>, vector<16xf32>,
        %add3A_651 = arith.addf %get3A_646, %get3A_650 : vector<16xf32>
        %get3A_652 = arith.index_cast %select_n3A_226 : i32 to index
        %get3A_653 = arith.index_cast %add3A_604 : i32 to index
        %get3A_654 = arith.constant 16 : index
        %get3A_655 = tpu.vector_load %arg10[%get3A_652, %get3A_653, %get3A_654] {strides = array<i32>} : memref<2x64x128xf32, #tpu.memory_space<vmem>>, vector<16xf32>,
        %get3A_656 = arith.index_cast %select_n3A_226 : i32 to index
        %get3A_657 = arith.index_cast %add3A_604 : i32 to index
        %get3A_658 = arith.constant 16 : index
        %get3A_659 = tpu.vector_load %arg11[%get3A_656, %get3A_657, %get3A_658] {strides = array<i32>} : memref<2x64x128xf32, #tpu.memory_space<vmem>>, vector<16xf32>,
        %add3A_660 = arith.addf %get3A_655, %get3A_659 : vector<16xf32>
        %ge3A_661 = arith.constant 0.000000e+00 : f32
        %ge3A_662 = vector.broadcast %ge3A_661 : f32 to vector<16xf32>
        %ge3A_663 = arith.cmpf oge, %add3A_651, %ge3A_662 : vector<16xf32>
        %mul3A_664 = arith.constant 2.000000e-01 : f32
        %mul3A_665 = vector.broadcast %mul3A_664 : f32 to vector<16xf32>
        %mul3A_666 = arith.mulf %mul3A_665, %add3A_651 : vector<16xf32>
        %select_n3A_667 = arith.select %ge3A_663, %add3A_651, %mul3A_666 : vector<16xi1>, vector<16xf32>
        %ge3A_668 = arith.constant 0.000000e+00 : f32
        %ge3A_669 = vector.broadcast %ge3A_668 : f32 to vector<16xf32>
        %ge3A_670 = arith.cmpf oge, %add3A_660, %ge3A_669 : vector<16xf32>
        %mul3A_671 = arith.constant 2.000000e-01 : f32
        %mul3A_672 = vector.broadcast %mul3A_671 : f32 to vector<16xf32>
        %mul3A_673 = arith.mulf %mul3A_672, %add3A_660 : vector<16xf32>
        %select_n3A_674 = arith.select %ge3A_670, %add3A_660, %mul3A_673 : vector<16xi1>, vector<16xf32>
        %mul3A_675 = arith.mulf %select_n3A_667, %get3A_282 : vector<16xf32>
        %add3A_676 = arith.addf %add3A_640, %mul3A_675 : vector<16xf32>
        %mul3A_677 = arith.mulf %select_n3A_674, %get3A_282 : vector<16xf32>
        %add3A_678 = arith.addf %add3A_642, %mul3A_677 : vector<16xf32>
        %get3A_679 = arith.index_cast %select_n3A_226 : i32 to index
        %get3A_680 = arith.index_cast %mul3A_602 : i32 to index
        %get3A_681 = arith.constant 32 : index
        %get3A_682 = tpu.vector_load %arg10[%get3A_679, %get3A_680, %get3A_681] {strides = array<i32>} : memref<2x64x128xf32, #tpu.memory_space<vmem>>, vector<16xf32>,
        %get3A_683 = arith.index_cast %select_n3A_226 : i32 to index
        %get3A_684 = arith.index_cast %mul3A_602 : i32 to index
        %get3A_685 = arith.constant 32 : index
        %get3A_686 = tpu.vector_load %arg11[%get3A_683, %get3A_684, %get3A_685] {strides = array<i32>} : memref<2x64x128xf32, #tpu.memory_space<vmem>>, vector<16xf32>,
        %add3A_687 = arith.addf %get3A_682, %get3A_686 : vector<16xf32>
        %get3A_688 = arith.index_cast %select_n3A_226 : i32 to index
        %get3A_689 = arith.index_cast %add3A_604 : i32 to index
        %get3A_690 = arith.constant 32 : index
        %get3A_691 = tpu.vector_load %arg10[%get3A_688, %get3A_689, %get3A_690] {strides = array<i32>} : memref<2x64x128xf32, #tpu.memory_space<vmem>>, vector<16xf32>,
        %get3A_692 = arith.index_cast %select_n3A_226 : i32 to index
        %get3A_693 = arith.index_cast %add3A_604 : i32 to index
        %get3A_694 = arith.constant 32 : index
        %get3A_695 = tpu.vector_load %arg11[%get3A_692, %get3A_693, %get3A_694] {strides = array<i32>} : memref<2x64x128xf32, #tpu.memory_space<vmem>>, vector<16xf32>,
        %add3A_696 = arith.addf %get3A_691, %get3A_695 : vector<16xf32>
        %ge3A_697 = arith.constant 0.000000e+00 : f32
        %ge3A_698 = vector.broadcast %ge3A_697 : f32 to vector<16xf32>
        %ge3A_699 = arith.cmpf oge, %add3A_687, %ge3A_698 : vector<16xf32>
        %mul3A_700 = arith.constant 2.000000e-01 : f32
        %mul3A_701 = vector.broadcast %mul3A_700 : f32 to vector<16xf32>
        %mul3A_702 = arith.mulf %mul3A_701, %add3A_687 : vector<16xf32>
        %select_n3A_703 = arith.select %ge3A_699, %add3A_687, %mul3A_702 : vector<16xi1>, vector<16xf32>
        %ge3A_704 = arith.constant 0.000000e+00 : f32
        %ge3A_705 = vector.broadcast %ge3A_704 : f32 to vector<16xf32>
        %ge3A_706 = arith.cmpf oge, %add3A_696, %ge3A_705 : vector<16xf32>
        %mul3A_707 = arith.constant 2.000000e-01 : f32
        %mul3A_708 = vector.broadcast %mul3A_707 : f32 to vector<16xf32>
        %mul3A_709 = arith.mulf %mul3A_708, %add3A_696 : vector<16xf32>
        %select_n3A_710 = arith.select %ge3A_706, %add3A_696, %mul3A_709 : vector<16xi1>, vector<16xf32>
        %mul3A_711 = arith.mulf %select_n3A_703, %get3A_284 : vector<16xf32>
        %add3A_712 = arith.addf %add3A_676, %mul3A_711 : vector<16xf32>
        %mul3A_713 = arith.mulf %select_n3A_710, %get3A_284 : vector<16xf32>
        %add3A_714 = arith.addf %add3A_678, %mul3A_713 : vector<16xf32>
        %get3A_715 = arith.index_cast %select_n3A_226 : i32 to index
        %get3A_716 = arith.index_cast %mul3A_602 : i32 to index
        %get3A_717 = arith.constant 48 : index
        %get3A_718 = tpu.vector_load %arg10[%get3A_715, %get3A_716, %get3A_717] {strides = array<i32>} : memref<2x64x128xf32, #tpu.memory_space<vmem>>, vector<16xf32>,
        %get3A_719 = arith.index_cast %select_n3A_226 : i32 to index
        %get3A_720 = arith.index_cast %mul3A_602 : i32 to index
        %get3A_721 = arith.constant 48 : index
        %get3A_722 = tpu.vector_load %arg11[%get3A_719, %get3A_720, %get3A_721] {strides = array<i32>} : memref<2x64x128xf32, #tpu.memory_space<vmem>>, vector<16xf32>,
        %add3A_723 = arith.addf %get3A_718, %get3A_722 : vector<16xf32>
        %get3A_724 = arith.index_cast %select_n3A_226 : i32 to index
        %get3A_725 = arith.index_cast %add3A_604 : i32 to index
        %get3A_726 = arith.constant 48 : index
        %get3A_727 = tpu.vector_load %arg10[%get3A_724, %get3A_725, %get3A_726] {strides = array<i32>} : memref<2x64x128xf32, #tpu.memory_space<vmem>>, vector<16xf32>,
        %get3A_728 = arith.index_cast %select_n3A_226 : i32 to index
        %get3A_729 = arith.index_cast %add3A_604 : i32 to index
        %get3A_730 = arith.constant 48 : index
        %get3A_731 = tpu.vector_load %arg11[%get3A_728, %get3A_729, %get3A_730] {strides = array<i32>} : memref<2x64x128xf32, #tpu.memory_space<vmem>>, vector<16xf32>,
        %add3A_732 = arith.addf %get3A_727, %get3A_731 : vector<16xf32>
        %ge3A_733 = arith.constant 0.000000e+00 : f32
        %ge3A_734 = vector.broadcast %ge3A_733 : f32 to vector<16xf32>
        %ge3A_735 = arith.cmpf oge, %add3A_723, %ge3A_734 : vector<16xf32>
        %mul3A_736 = arith.constant 2.000000e-01 : f32
        %mul3A_737 = vector.broadcast %mul3A_736 : f32 to vector<16xf32>
        %mul3A_738 = arith.mulf %mul3A_737, %add3A_723 : vector<16xf32>
        %select_n3A_739 = arith.select %ge3A_735, %add3A_723, %mul3A_738 : vector<16xi1>, vector<16xf32>
        %ge3A_740 = arith.constant 0.000000e+00 : f32
        %ge3A_741 = vector.broadcast %ge3A_740 : f32 to vector<16xf32>
        %ge3A_742 = arith.cmpf oge, %add3A_732, %ge3A_741 : vector<16xf32>
        %mul3A_743 = arith.constant 2.000000e-01 : f32
        %mul3A_744 = vector.broadcast %mul3A_743 : f32 to vector<16xf32>
        %mul3A_745 = arith.mulf %mul3A_744, %add3A_732 : vector<16xf32>
        %select_n3A_746 = arith.select %ge3A_742, %add3A_732, %mul3A_745 : vector<16xi1>, vector<16xf32>
        %mul3A_747 = arith.mulf %select_n3A_739, %get3A_286 : vector<16xf32>
        %add3A_748 = arith.addf %add3A_712, %mul3A_747 : vector<16xf32>
        %mul3A_749 = arith.mulf %select_n3A_746, %get3A_286 : vector<16xf32>
        %add3A_750 = arith.addf %add3A_714, %mul3A_749 : vector<16xf32>
        %get3A_751 = arith.index_cast %select_n3A_226 : i32 to index
        %get3A_752 = arith.index_cast %mul3A_602 : i32 to index
        %get3A_753 = arith.constant 64 : index
        %get3A_754 = tpu.vector_load %arg10[%get3A_751, %get3A_752, %get3A_753] {strides = array<i32>} : memref<2x64x128xf32, #tpu.memory_space<vmem>>, vector<16xf32>,
        %get3A_755 = arith.index_cast %select_n3A_226 : i32 to index
        %get3A_756 = arith.index_cast %mul3A_602 : i32 to index
        %get3A_757 = arith.constant 64 : index
        %get3A_758 = tpu.vector_load %arg11[%get3A_755, %get3A_756, %get3A_757] {strides = array<i32>} : memref<2x64x128xf32, #tpu.memory_space<vmem>>, vector<16xf32>,
        %add3A_759 = arith.addf %get3A_754, %get3A_758 : vector<16xf32>
        %get3A_760 = arith.index_cast %select_n3A_226 : i32 to index
        %get3A_761 = arith.index_cast %add3A_604 : i32 to index
        %get3A_762 = arith.constant 64 : index
        %get3A_763 = tpu.vector_load %arg10[%get3A_760, %get3A_761, %get3A_762] {strides = array<i32>} : memref<2x64x128xf32, #tpu.memory_space<vmem>>, vector<16xf32>,
        %get3A_764 = arith.index_cast %select_n3A_226 : i32 to index
        %get3A_765 = arith.index_cast %add3A_604 : i32 to index
        %get3A_766 = arith.constant 64 : index
        %get3A_767 = tpu.vector_load %arg11[%get3A_764, %get3A_765, %get3A_766] {strides = array<i32>} : memref<2x64x128xf32, #tpu.memory_space<vmem>>, vector<16xf32>,
        %add3A_768 = arith.addf %get3A_763, %get3A_767 : vector<16xf32>
        %ge3A_769 = arith.constant 0.000000e+00 : f32
        %ge3A_770 = vector.broadcast %ge3A_769 : f32 to vector<16xf32>
        %ge3A_771 = arith.cmpf oge, %add3A_759, %ge3A_770 : vector<16xf32>
        %mul3A_772 = arith.constant 2.000000e-01 : f32
        %mul3A_773 = vector.broadcast %mul3A_772 : f32 to vector<16xf32>
        %mul3A_774 = arith.mulf %mul3A_773, %add3A_759 : vector<16xf32>
        %select_n3A_775 = arith.select %ge3A_771, %add3A_759, %mul3A_774 : vector<16xi1>, vector<16xf32>
        %ge3A_776 = arith.constant 0.000000e+00 : f32
        %ge3A_777 = vector.broadcast %ge3A_776 : f32 to vector<16xf32>
        %ge3A_778 = arith.cmpf oge, %add3A_768, %ge3A_777 : vector<16xf32>
        %mul3A_779 = arith.constant 2.000000e-01 : f32
        %mul3A_780 = vector.broadcast %mul3A_779 : f32 to vector<16xf32>
        %mul3A_781 = arith.mulf %mul3A_780, %add3A_768 : vector<16xf32>
        %select_n3A_782 = arith.select %ge3A_778, %add3A_768, %mul3A_781 : vector<16xi1>, vector<16xf32>
        %mul3A_783 = arith.mulf %select_n3A_775, %get3A_288 : vector<16xf32>
        %add3A_784 = arith.addf %add3A_748, %mul3A_783 : vector<16xf32>
        %mul3A_785 = arith.mulf %select_n3A_782, %get3A_288 : vector<16xf32>
        %add3A_786 = arith.addf %add3A_750, %mul3A_785 : vector<16xf32>
        %get3A_787 = arith.index_cast %select_n3A_226 : i32 to index
        %get3A_788 = arith.index_cast %mul3A_602 : i32 to index
        %get3A_789 = arith.constant 80 : index
        %get3A_790 = tpu.vector_load %arg10[%get3A_787, %get3A_788, %get3A_789] {strides = array<i32>} : memref<2x64x128xf32, #tpu.memory_space<vmem>>, vector<16xf32>,
        %get3A_791 = arith.index_cast %select_n3A_226 : i32 to index
        %get3A_792 = arith.index_cast %mul3A_602 : i32 to index
        %get3A_793 = arith.constant 80 : index
        %get3A_794 = tpu.vector_load %arg11[%get3A_791, %get3A_792, %get3A_793] {strides = array<i32>} : memref<2x64x128xf32, #tpu.memory_space<vmem>>, vector<16xf32>,
        %add3A_795 = arith.addf %get3A_790, %get3A_794 : vector<16xf32>
        %get3A_796 = arith.index_cast %select_n3A_226 : i32 to index
        %get3A_797 = arith.index_cast %add3A_604 : i32 to index
        %get3A_798 = arith.constant 80 : index
        %get3A_799 = tpu.vector_load %arg10[%get3A_796, %get3A_797, %get3A_798] {strides = array<i32>} : memref<2x64x128xf32, #tpu.memory_space<vmem>>, vector<16xf32>,
        %get3A_800 = arith.index_cast %select_n3A_226 : i32 to index
        %get3A_801 = arith.index_cast %add3A_604 : i32 to index
        %get3A_802 = arith.constant 80 : index
        %get3A_803 = tpu.vector_load %arg11[%get3A_800, %get3A_801, %get3A_802] {strides = array<i32>} : memref<2x64x128xf32, #tpu.memory_space<vmem>>, vector<16xf32>,
        %add3A_804 = arith.addf %get3A_799, %get3A_803 : vector<16xf32>
        %ge3A_805 = arith.constant 0.000000e+00 : f32
        %ge3A_806 = vector.broadcast %ge3A_805 : f32 to vector<16xf32>
        %ge3A_807 = arith.cmpf oge, %add3A_795, %ge3A_806 : vector<16xf32>
        %mul3A_808 = arith.constant 2.000000e-01 : f32
        %mul3A_809 = vector.broadcast %mul3A_808 : f32 to vector<16xf32>
        %mul3A_810 = arith.mulf %mul3A_809, %add3A_795 : vector<16xf32>
        %select_n3A_811 = arith.select %ge3A_807, %add3A_795, %mul3A_810 : vector<16xi1>, vector<16xf32>
        %ge3A_812 = arith.constant 0.000000e+00 : f32
        %ge3A_813 = vector.broadcast %ge3A_812 : f32 to vector<16xf32>
        %ge3A_814 = arith.cmpf oge, %add3A_804, %ge3A_813 : vector<16xf32>
        %mul3A_815 = arith.constant 2.000000e-01 : f32
        %mul3A_816 = vector.broadcast %mul3A_815 : f32 to vector<16xf32>
        %mul3A_817 = arith.mulf %mul3A_816, %add3A_804 : vector<16xf32>
        %select_n3A_818 = arith.select %ge3A_814, %add3A_804, %mul3A_817 : vector<16xi1>, vector<16xf32>
        %mul3A_819 = arith.mulf %select_n3A_811, %get3A_290 : vector<16xf32>
        %add3A_820 = arith.addf %add3A_784, %mul3A_819 : vector<16xf32>
        %mul3A_821 = arith.mulf %select_n3A_818, %get3A_290 : vector<16xf32>
        %add3A_822 = arith.addf %add3A_786, %mul3A_821 : vector<16xf32>
        %get3A_823 = arith.index_cast %select_n3A_226 : i32 to index
        %get3A_824 = arith.index_cast %mul3A_602 : i32 to index
        %get3A_825 = arith.constant 96 : index
        %get3A_826 = tpu.vector_load %arg10[%get3A_823, %get3A_824, %get3A_825] {strides = array<i32>} : memref<2x64x128xf32, #tpu.memory_space<vmem>>, vector<16xf32>,
        %get3A_827 = arith.index_cast %select_n3A_226 : i32 to index
        %get3A_828 = arith.index_cast %mul3A_602 : i32 to index
        %get3A_829 = arith.constant 96 : index
        %get3A_830 = tpu.vector_load %arg11[%get3A_827, %get3A_828, %get3A_829] {strides = array<i32>} : memref<2x64x128xf32, #tpu.memory_space<vmem>>, vector<16xf32>,
        %add3A_831 = arith.addf %get3A_826, %get3A_830 : vector<16xf32>
        %get3A_832 = arith.index_cast %select_n3A_226 : i32 to index
        %get3A_833 = arith.index_cast %add3A_604 : i32 to index
        %get3A_834 = arith.constant 96 : index
        %get3A_835 = tpu.vector_load %arg10[%get3A_832, %get3A_833, %get3A_834] {strides = array<i32>} : memref<2x64x128xf32, #tpu.memory_space<vmem>>, vector<16xf32>,
        %get3A_836 = arith.index_cast %select_n3A_226 : i32 to index
        %get3A_837 = arith.index_cast %add3A_604 : i32 to index
        %get3A_838 = arith.constant 96 : index
        %get3A_839 = tpu.vector_load %arg11[%get3A_836, %get3A_837, %get3A_838] {strides = array<i32>} : memref<2x64x128xf32, #tpu.memory_space<vmem>>, vector<16xf32>,
        %add3A_840 = arith.addf %get3A_835, %get3A_839 : vector<16xf32>
        %ge3A_841 = arith.constant 0.000000e+00 : f32
        %ge3A_842 = vector.broadcast %ge3A_841 : f32 to vector<16xf32>
        %ge3A_843 = arith.cmpf oge, %add3A_831, %ge3A_842 : vector<16xf32>
        %mul3A_844 = arith.constant 2.000000e-01 : f32
        %mul3A_845 = vector.broadcast %mul3A_844 : f32 to vector<16xf32>
        %mul3A_846 = arith.mulf %mul3A_845, %add3A_831 : vector<16xf32>
        %select_n3A_847 = arith.select %ge3A_843, %add3A_831, %mul3A_846 : vector<16xi1>, vector<16xf32>
        %ge3A_848 = arith.constant 0.000000e+00 : f32
        %ge3A_849 = vector.broadcast %ge3A_848 : f32 to vector<16xf32>
        %ge3A_850 = arith.cmpf oge, %add3A_840, %ge3A_849 : vector<16xf32>
        %mul3A_851 = arith.constant 2.000000e-01 : f32
        %mul3A_852 = vector.broadcast %mul3A_851 : f32 to vector<16xf32>
        %mul3A_853 = arith.mulf %mul3A_852, %add3A_840 : vector<16xf32>
        %select_n3A_854 = arith.select %ge3A_850, %add3A_840, %mul3A_853 : vector<16xi1>, vector<16xf32>
        %mul3A_855 = arith.mulf %select_n3A_847, %get3A_292 : vector<16xf32>
        %add3A_856 = arith.addf %add3A_820, %mul3A_855 : vector<16xf32>
        %mul3A_857 = arith.mulf %select_n3A_854, %get3A_292 : vector<16xf32>
        %add3A_858 = arith.addf %add3A_822, %mul3A_857 : vector<16xf32>
        %get3A_859 = arith.index_cast %select_n3A_226 : i32 to index
        %get3A_860 = arith.index_cast %mul3A_602 : i32 to index
        %get3A_861 = arith.constant 112 : index
        %get3A_862 = tpu.vector_load %arg10[%get3A_859, %get3A_860, %get3A_861] {strides = array<i32>} : memref<2x64x128xf32, #tpu.memory_space<vmem>>, vector<16xf32>,
        %get3A_863 = arith.index_cast %select_n3A_226 : i32 to index
        %get3A_864 = arith.index_cast %mul3A_602 : i32 to index
        %get3A_865 = arith.constant 112 : index
        %get3A_866 = tpu.vector_load %arg11[%get3A_863, %get3A_864, %get3A_865] {strides = array<i32>} : memref<2x64x128xf32, #tpu.memory_space<vmem>>, vector<16xf32>,
        %add3A_867 = arith.addf %get3A_862, %get3A_866 : vector<16xf32>
        %get3A_868 = arith.index_cast %select_n3A_226 : i32 to index
        %get3A_869 = arith.index_cast %add3A_604 : i32 to index
        %get3A_870 = arith.constant 112 : index
        %get3A_871 = tpu.vector_load %arg10[%get3A_868, %get3A_869, %get3A_870] {strides = array<i32>} : memref<2x64x128xf32, #tpu.memory_space<vmem>>, vector<16xf32>,
        %get3A_872 = arith.index_cast %select_n3A_226 : i32 to index
        %get3A_873 = arith.index_cast %add3A_604 : i32 to index
        %get3A_874 = arith.constant 112 : index
        %get3A_875 = tpu.vector_load %arg11[%get3A_872, %get3A_873, %get3A_874] {strides = array<i32>} : memref<2x64x128xf32, #tpu.memory_space<vmem>>, vector<16xf32>,
        %add3A_876 = arith.addf %get3A_871, %get3A_875 : vector<16xf32>
        %ge3A_877 = arith.constant 0.000000e+00 : f32
        %ge3A_878 = vector.broadcast %ge3A_877 : f32 to vector<16xf32>
        %ge3A_879 = arith.cmpf oge, %add3A_867, %ge3A_878 : vector<16xf32>
        %mul3A_880 = arith.constant 2.000000e-01 : f32
        %mul3A_881 = vector.broadcast %mul3A_880 : f32 to vector<16xf32>
        %mul3A_882 = arith.mulf %mul3A_881, %add3A_867 : vector<16xf32>
        %select_n3A_883 = arith.select %ge3A_879, %add3A_867, %mul3A_882 : vector<16xi1>, vector<16xf32>
        %ge3A_884 = arith.constant 0.000000e+00 : f32
        %ge3A_885 = vector.broadcast %ge3A_884 : f32 to vector<16xf32>
        %ge3A_886 = arith.cmpf oge, %add3A_876, %ge3A_885 : vector<16xf32>
        %mul3A_887 = arith.constant 2.000000e-01 : f32
        %mul3A_888 = vector.broadcast %mul3A_887 : f32 to vector<16xf32>
        %mul3A_889 = arith.mulf %mul3A_888, %add3A_876 : vector<16xf32>
        %select_n3A_890 = arith.select %ge3A_886, %add3A_876, %mul3A_889 : vector<16xi1>, vector<16xf32>
        %mul3A_891 = arith.mulf %select_n3A_883, %get3A_294 : vector<16xf32>
        %add3A_892 = arith.addf %add3A_856, %mul3A_891 : vector<16xf32>
        %mul3A_893 = arith.mulf %select_n3A_890, %get3A_294 : vector<16xf32>
        %add3A_894 = arith.addf %add3A_858, %mul3A_893 : vector<16xf32>
        %reduce_sum3A = arith.constant true
        %reduce_sum3A_895 = vector.broadcast %reduce_sum3A : i1 to vector<16xi1>
        %reduce_sum3A_896 = tpu.scan <sum>, %add3A_892 masked %reduce_sum3A_895 : vector<16xf32>, vector<16xi1> -> vector<16xf32>
        %reduce_sum3A_897 = vector.extract %reduce_sum3A_896[15] : f32 from vector<16xf32>
        %reduce_sum3A_898 = arith.constant true
        %reduce_sum3A_899 = vector.broadcast %reduce_sum3A_898 : i1 to vector<16xi1>
        %reduce_sum3A_900 = tpu.scan <sum>, %add3A_894 masked %reduce_sum3A_899 : vector<16xf32>, vector<16xi1> -> vector<16xf32>
        %reduce_sum3A_901 = vector.extract %reduce_sum3A_900[15] : f32 from vector<16xf32>
        %mul3A_902 = arith.constant 64 : i32
        %mul3A_903 = arith.muli %scan3A_215, %mul3A_902 : i32
        %add3A_904 = arith.addi %mul3A_4, %mul3A_903 : i32
        %add3A_905 = arith.addi %add3A_904, %mul3A_602 : i32
        %lt3A_906 = arith.constant 320000 : i32
        %lt3A_907 = arith.cmpi slt, %add3A_905, %lt3A_906 : i32
        %jit3A_908 = arith.constant 1.000000e+00 : f32
        %jit3A_909 = arith.constant 0.000000e+00 : f32
        %select_n3A_910 = arith.select %lt3A_907, %jit3A_908, %jit3A_909 : f32
        %mul3A_911 = arith.constant 64 : i32
        %mul3A_912 = arith.muli %scan3A_215, %mul3A_911 : i32
        %add3A_913 = arith.addi %mul3A_4, %mul3A_912 : i32
        %add3A_914 = arith.addi %add3A_913, %add3A_604 : i32
        %lt3A_915 = arith.constant 320000 : i32
        %lt3A_916 = arith.cmpi slt, %add3A_914, %lt3A_915 : i32
        %jit3A_917 = arith.constant 1.000000e+00 : f32
        %jit3A_918 = arith.constant 0.000000e+00 : f32
        %select_n3A_919 = arith.select %lt3A_916, %jit3A_917, %jit3A_918 : f32
        %broadcast_in_dim3A_920 = vector.broadcast %reduce_sum3A_897 : f32 to vector<16xf32>
        %exp3A = math.exp %broadcast_in_dim3A_920 : vector<16xf32>
        %mul3A_921 = vector.broadcast %select_n3A_910 : f32 to vector<16xf32>
        %mul3A_922 = arith.mulf %exp3A, %mul3A_921 : vector<16xf32>
        %broadcast_in_dim3A_923 = vector.broadcast %reduce_sum3A_901 : f32 to vector<16xf32>
        %exp3A_924 = math.exp %broadcast_in_dim3A_923 : vector<16xf32>
        %mul3A_925 = vector.broadcast %select_n3A_919 : f32 to vector<16xf32>
        %mul3A_926 = arith.mulf %exp3A_924, %mul3A_925 : vector<16xf32>
        %get3A_927 = arith.index_cast %select_n3A_226 : i32 to index
        %get3A_928 = arith.index_cast %mul3A_602 : i32 to index
        %get3A_929 = arith.constant 0 : index
        %get3A_930 = tpu.vector_load %arg10[%get3A_927, %get3A_928, %get3A_929] {strides = array<i32>} : memref<2x64x128xf32, #tpu.memory_space<vmem>>, vector<16xf32>,
        %mul3A_931 = arith.mulf %get3A_930, %mul3A_922 : vector<16xf32>
        %swap3A_932 = arith.index_cast %select_n3A_226 : i32 to index
        %swap3A_933 = arith.index_cast %mul3A_602 : i32 to index
        %swap3A_934 = arith.constant 0 : index
        %swap3A_935 = tpu.vector_load %arg10[%swap3A_932, %swap3A_933, %swap3A_934] {strides = array<i32>} : memref<2x64x128xf32, #tpu.memory_space<vmem>>, vector<16xf32>,
        tpu.vector_store %arg10[%swap3A_932, %swap3A_933, %swap3A_934], %mul3A_931 {strides = array<i32>} : memref<2x64x128xf32, #tpu.memory_space<vmem>>, vector<16xf32>,
        %get3A_936 = arith.index_cast %select_n3A_226 : i32 to index
        %get3A_937 = arith.index_cast %add3A_604 : i32 to index
        %get3A_938 = arith.constant 0 : index
        %get3A_939 = tpu.vector_load %arg10[%get3A_936, %get3A_937, %get3A_938] {strides = array<i32>} : memref<2x64x128xf32, #tpu.memory_space<vmem>>, vector<16xf32>,
        %mul3A_940 = arith.mulf %get3A_939, %mul3A_926 : vector<16xf32>
        %swap3A_941 = arith.index_cast %select_n3A_226 : i32 to index
        %swap3A_942 = arith.index_cast %add3A_604 : i32 to index
        %swap3A_943 = arith.constant 0 : index
        %swap3A_944 = tpu.vector_load %arg10[%swap3A_941, %swap3A_942, %swap3A_943] {strides = array<i32>} : memref<2x64x128xf32, #tpu.memory_space<vmem>>, vector<16xf32>,
        tpu.vector_store %arg10[%swap3A_941, %swap3A_942, %swap3A_943], %mul3A_940 {strides = array<i32>} : memref<2x64x128xf32, #tpu.memory_space<vmem>>, vector<16xf32>,
        %get3A_945 = arith.index_cast %select_n3A_226 : i32 to index
        %get3A_946 = arith.index_cast %mul3A_602 : i32 to index
        %get3A_947 = arith.constant 16 : index
        %get3A_948 = tpu.vector_load %arg10[%get3A_945, %get3A_946, %get3A_947] {strides = array<i32>} : memref<2x64x128xf32, #tpu.memory_space<vmem>>, vector<16xf32>,
        %mul3A_949 = arith.mulf %get3A_948, %mul3A_922 : vector<16xf32>
        %swap3A_950 = arith.index_cast %select_n3A_226 : i32 to index
        %swap3A_951 = arith.index_cast %mul3A_602 : i32 to index
        %swap3A_952 = arith.constant 16 : index
        %swap3A_953 = tpu.vector_load %arg10[%swap3A_950, %swap3A_951, %swap3A_952] {strides = array<i32>} : memref<2x64x128xf32, #tpu.memory_space<vmem>>, vector<16xf32>,
        tpu.vector_store %arg10[%swap3A_950, %swap3A_951, %swap3A_952], %mul3A_949 {strides = array<i32>} : memref<2x64x128xf32, #tpu.memory_space<vmem>>, vector<16xf32>,
        %get3A_954 = arith.index_cast %select_n3A_226 : i32 to index
        %get3A_955 = arith.index_cast %add3A_604 : i32 to index
        %get3A_956 = arith.constant 16 : index
        %get3A_957 = tpu.vector_load %arg10[%get3A_954, %get3A_955, %get3A_956] {strides = array<i32>} : memref<2x64x128xf32, #tpu.memory_space<vmem>>, vector<16xf32>,
        %mul3A_958 = arith.mulf %get3A_957, %mul3A_926 : vector<16xf32>
        %swap3A_959 = arith.index_cast %select_n3A_226 : i32 to index
        %swap3A_960 = arith.index_cast %add3A_604 : i32 to index
        %swap3A_961 = arith.constant 16 : index
        %swap3A_962 = tpu.vector_load %arg10[%swap3A_959, %swap3A_960, %swap3A_961] {strides = array<i32>} : memref<2x64x128xf32, #tpu.memory_space<vmem>>, vector<16xf32>,
        tpu.vector_store %arg10[%swap3A_959, %swap3A_960, %swap3A_961], %mul3A_958 {strides = array<i32>} : memref<2x64x128xf32, #tpu.memory_space<vmem>>, vector<16xf32>,
        %get3A_963 = arith.index_cast %select_n3A_226 : i32 to index
        %get3A_964 = arith.index_cast %mul3A_602 : i32 to index
        %get3A_965 = arith.constant 32 : index
        %get3A_966 = tpu.vector_load %arg10[%get3A_963, %get3A_964, %get3A_965] {strides = array<i32>} : memref<2x64x128xf32, #tpu.memory_space<vmem>>, vector<16xf32>,
        %mul3A_967 = arith.mulf %get3A_966, %mul3A_922 : vector<16xf32>
        %swap3A_968 = arith.index_cast %select_n3A_226 : i32 to index
        %swap3A_969 = arith.index_cast %mul3A_602 : i32 to index
        %swap3A_970 = arith.constant 32 : index
        %swap3A_971 = tpu.vector_load %arg10[%swap3A_968, %swap3A_969, %swap3A_970] {strides = array<i32>} : memref<2x64x128xf32, #tpu.memory_space<vmem>>, vector<16xf32>,
        tpu.vector_store %arg10[%swap3A_968, %swap3A_969, %swap3A_970], %mul3A_967 {strides = array<i32>} : memref<2x64x128xf32, #tpu.memory_space<vmem>>, vector<16xf32>,
        %get3A_972 = arith.index_cast %select_n3A_226 : i32 to index
        %get3A_973 = arith.index_cast %add3A_604 : i32 to index
        %get3A_974 = arith.constant 32 : index
        %get3A_975 = tpu.vector_load %arg10[%get3A_972, %get3A_973, %get3A_974] {strides = array<i32>} : memref<2x64x128xf32, #tpu.memory_space<vmem>>, vector<16xf32>,
        %mul3A_976 = arith.mulf %get3A_975, %mul3A_926 : vector<16xf32>
        %swap3A_977 = arith.index_cast %select_n3A_226 : i32 to index
        %swap3A_978 = arith.index_cast %add3A_604 : i32 to index
        %swap3A_979 = arith.constant 32 : index
        %swap3A_980 = tpu.vector_load %arg10[%swap3A_977, %swap3A_978, %swap3A_979] {strides = array<i32>} : memref<2x64x128xf32, #tpu.memory_space<vmem>>, vector<16xf32>,
        tpu.vector_store %arg10[%swap3A_977, %swap3A_978, %swap3A_979], %mul3A_976 {strides = array<i32>} : memref<2x64x128xf32, #tpu.memory_space<vmem>>, vector<16xf32>,
        %get3A_981 = arith.index_cast %select_n3A_226 : i32 to index
        %get3A_982 = arith.index_cast %mul3A_602 : i32 to index
        %get3A_983 = arith.constant 48 : index
        %get3A_984 = tpu.vector_load %arg10[%get3A_981, %get3A_982, %get3A_983] {strides = array<i32>} : memref<2x64x128xf32, #tpu.memory_space<vmem>>, vector<16xf32>,
        %mul3A_985 = arith.mulf %get3A_984, %mul3A_922 : vector<16xf32>
        %swap3A_986 = arith.index_cast %select_n3A_226 : i32 to index
        %swap3A_987 = arith.index_cast %mul3A_602 : i32 to index
        %swap3A_988 = arith.constant 48 : index
        %swap3A_989 = tpu.vector_load %arg10[%swap3A_986, %swap3A_987, %swap3A_988] {strides = array<i32>} : memref<2x64x128xf32, #tpu.memory_space<vmem>>, vector<16xf32>,
        tpu.vector_store %arg10[%swap3A_986, %swap3A_987, %swap3A_988], %mul3A_985 {strides = array<i32>} : memref<2x64x128xf32, #tpu.memory_space<vmem>>, vector<16xf32>,
        %get3A_990 = arith.index_cast %select_n3A_226 : i32 to index
        %get3A_991 = arith.index_cast %add3A_604 : i32 to index
        %get3A_992 = arith.constant 48 : index
        %get3A_993 = tpu.vector_load %arg10[%get3A_990, %get3A_991, %get3A_992] {strides = array<i32>} : memref<2x64x128xf32, #tpu.memory_space<vmem>>, vector<16xf32>,
        %mul3A_994 = arith.mulf %get3A_993, %mul3A_926 : vector<16xf32>
        %swap3A_995 = arith.index_cast %select_n3A_226 : i32 to index
        %swap3A_996 = arith.index_cast %add3A_604 : i32 to index
        %swap3A_997 = arith.constant 48 : index
        %swap3A_998 = tpu.vector_load %arg10[%swap3A_995, %swap3A_996, %swap3A_997] {strides = array<i32>} : memref<2x64x128xf32, #tpu.memory_space<vmem>>, vector<16xf32>,
        tpu.vector_store %arg10[%swap3A_995, %swap3A_996, %swap3A_997], %mul3A_994 {strides = array<i32>} : memref<2x64x128xf32, #tpu.memory_space<vmem>>, vector<16xf32>,
        %get3A_999 = arith.index_cast %select_n3A_226 : i32 to index
        %get3A_1000 = arith.index_cast %mul3A_602 : i32 to index
        %get3A_1001 = arith.constant 64 : index
        %get3A_1002 = tpu.vector_load %arg10[%get3A_999, %get3A_1000, %get3A_1001] {strides = array<i32>} : memref<2x64x128xf32, #tpu.memory_space<vmem>>, vector<16xf32>,
        %mul3A_1003 = arith.mulf %get3A_1002, %mul3A_922 : vector<16xf32>
        %swap3A_1004 = arith.index_cast %select_n3A_226 : i32 to index
        %swap3A_1005 = arith.index_cast %mul3A_602 : i32 to index
        %swap3A_1006 = arith.constant 64 : index
        %swap3A_1007 = tpu.vector_load %arg10[%swap3A_1004, %swap3A_1005, %swap3A_1006] {strides = array<i32>} : memref<2x64x128xf32, #tpu.memory_space<vmem>>, vector<16xf32>,
        tpu.vector_store %arg10[%swap3A_1004, %swap3A_1005, %swap3A_1006], %mul3A_1003 {strides = array<i32>} : memref<2x64x128xf32, #tpu.memory_space<vmem>>, vector<16xf32>,
        %get3A_1008 = arith.index_cast %select_n3A_226 : i32 to index
        %get3A_1009 = arith.index_cast %add3A_604 : i32 to index
        %get3A_1010 = arith.constant 64 : index
        %get3A_1011 = tpu.vector_load %arg10[%get3A_1008, %get3A_1009, %get3A_1010] {strides = array<i32>} : memref<2x64x128xf32, #tpu.memory_space<vmem>>, vector<16xf32>,
        %mul3A_1012 = arith.mulf %get3A_1011, %mul3A_926 : vector<16xf32>
        %swap3A_1013 = arith.index_cast %select_n3A_226 : i32 to index
        %swap3A_1014 = arith.index_cast %add3A_604 : i32 to index
        %swap3A_1015 = arith.constant 64 : index
        %swap3A_1016 = tpu.vector_load %arg10[%swap3A_1013, %swap3A_1014, %swap3A_1015] {strides = array<i32>} : memref<2x64x128xf32, #tpu.memory_space<vmem>>, vector<16xf32>,
        tpu.vector_store %arg10[%swap3A_1013, %swap3A_1014, %swap3A_1015], %mul3A_1012 {strides = array<i32>} : memref<2x64x128xf32, #tpu.memory_space<vmem>>, vector<16xf32>,
        %get3A_1017 = arith.index_cast %select_n3A_226 : i32 to index
        %get3A_1018 = arith.index_cast %mul3A_602 : i32 to index
        %get3A_1019 = arith.constant 80 : index
        %get3A_1020 = tpu.vector_load %arg10[%get3A_1017, %get3A_1018, %get3A_1019] {strides = array<i32>} : memref<2x64x128xf32, #tpu.memory_space<vmem>>, vector<16xf32>,
        %mul3A_1021 = arith.mulf %get3A_1020, %mul3A_922 : vector<16xf32>
        %swap3A_1022 = arith.index_cast %select_n3A_226 : i32 to index
        %swap3A_1023 = arith.index_cast %mul3A_602 : i32 to index
        %swap3A_1024 = arith.constant 80 : index
        %swap3A_1025 = tpu.vector_load %arg10[%swap3A_1022, %swap3A_1023, %swap3A_1024] {strides = array<i32>} : memref<2x64x128xf32, #tpu.memory_space<vmem>>, vector<16xf32>,
        tpu.vector_store %arg10[%swap3A_1022, %swap3A_1023, %swap3A_1024], %mul3A_1021 {strides = array<i32>} : memref<2x64x128xf32, #tpu.memory_space<vmem>>, vector<16xf32>,
        %get3A_1026 = arith.index_cast %select_n3A_226 : i32 to index
        %get3A_1027 = arith.index_cast %add3A_604 : i32 to index
        %get3A_1028 = arith.constant 80 : index
        %get3A_1029 = tpu.vector_load %arg10[%get3A_1026, %get3A_1027, %get3A_1028] {strides = array<i32>} : memref<2x64x128xf32, #tpu.memory_space<vmem>>, vector<16xf32>,
        %mul3A_1030 = arith.mulf %get3A_1029, %mul3A_926 : vector<16xf32>
        %swap3A_1031 = arith.index_cast %select_n3A_226 : i32 to index
        %swap3A_1032 = arith.index_cast %add3A_604 : i32 to index
        %swap3A_1033 = arith.constant 80 : index
        %swap3A_1034 = tpu.vector_load %arg10[%swap3A_1031, %swap3A_1032, %swap3A_1033] {strides = array<i32>} : memref<2x64x128xf32, #tpu.memory_space<vmem>>, vector<16xf32>,
        tpu.vector_store %arg10[%swap3A_1031, %swap3A_1032, %swap3A_1033], %mul3A_1030 {strides = array<i32>} : memref<2x64x128xf32, #tpu.memory_space<vmem>>, vector<16xf32>,
        %get3A_1035 = arith.index_cast %select_n3A_226 : i32 to index
        %get3A_1036 = arith.index_cast %mul3A_602 : i32 to index
        %get3A_1037 = arith.constant 96 : index
        %get3A_1038 = tpu.vector_load %arg10[%get3A_1035, %get3A_1036, %get3A_1037] {strides = array<i32>} : memref<2x64x128xf32, #tpu.memory_space<vmem>>, vector<16xf32>,
        %mul3A_1039 = arith.mulf %get3A_1038, %mul3A_922 : vector<16xf32>
        %swap3A_1040 = arith.index_cast %select_n3A_226 : i32 to index
        %swap3A_1041 = arith.index_cast %mul3A_602 : i32 to index
        %swap3A_1042 = arith.constant 96 : index
        %swap3A_1043 = tpu.vector_load %arg10[%swap3A_1040, %swap3A_1041, %swap3A_1042] {strides = array<i32>} : memref<2x64x128xf32, #tpu.memory_space<vmem>>, vector<16xf32>,
        tpu.vector_store %arg10[%swap3A_1040, %swap3A_1041, %swap3A_1042], %mul3A_1039 {strides = array<i32>} : memref<2x64x128xf32, #tpu.memory_space<vmem>>, vector<16xf32>,
        %get3A_1044 = arith.index_cast %select_n3A_226 : i32 to index
        %get3A_1045 = arith.index_cast %add3A_604 : i32 to index
        %get3A_1046 = arith.constant 96 : index
        %get3A_1047 = tpu.vector_load %arg10[%get3A_1044, %get3A_1045, %get3A_1046] {strides = array<i32>} : memref<2x64x128xf32, #tpu.memory_space<vmem>>, vector<16xf32>,
        %mul3A_1048 = arith.mulf %get3A_1047, %mul3A_926 : vector<16xf32>
        %swap3A_1049 = arith.index_cast %select_n3A_226 : i32 to index
        %swap3A_1050 = arith.index_cast %add3A_604 : i32 to index
        %swap3A_1051 = arith.constant 96 : index
        %swap3A_1052 = tpu.vector_load %arg10[%swap3A_1049, %swap3A_1050, %swap3A_1051] {strides = array<i32>} : memref<2x64x128xf32, #tpu.memory_space<vmem>>, vector<16xf32>,
        tpu.vector_store %arg10[%swap3A_1049, %swap3A_1050, %swap3A_1051], %mul3A_1048 {strides = array<i32>} : memref<2x64x128xf32, #tpu.memory_space<vmem>>, vector<16xf32>,
        %get3A_1053 = arith.index_cast %select_n3A_226 : i32 to index
        %get3A_1054 = arith.index_cast %mul3A_602 : i32 to index
        %get3A_1055 = arith.constant 112 : index
        %get3A_1056 = tpu.vector_load %arg10[%get3A_1053, %get3A_1054, %get3A_1055] {strides = array<i32>} : memref<2x64x128xf32, #tpu.memory_space<vmem>>, vector<16xf32>,
        %mul3A_1057 = arith.mulf %get3A_1056, %mul3A_922 : vector<16xf32>
        %swap3A_1058 = arith.index_cast %select_n3A_226 : i32 to index
        %swap3A_1059 = arith.index_cast %mul3A_602 : i32 to index
        %swap3A_1060 = arith.constant 112 : index
        %swap3A_1061 = tpu.vector_load %arg10[%swap3A_1058, %swap3A_1059, %swap3A_1060] {strides = array<i32>} : memref<2x64x128xf32, #tpu.memory_space<vmem>>, vector<16xf32>,
        tpu.vector_store %arg10[%swap3A_1058, %swap3A_1059, %swap3A_1060], %mul3A_1057 {strides = array<i32>} : memref<2x64x128xf32, #tpu.memory_space<vmem>>, vector<16xf32>,
        %get3A_1062 = arith.index_cast %select_n3A_226 : i32 to index
        %get3A_1063 = arith.index_cast %add3A_604 : i32 to index
        %get3A_1064 = arith.constant 112 : index
        %get3A_1065 = tpu.vector_load %arg10[%get3A_1062, %get3A_1063, %get3A_1064] {strides = array<i32>} : memref<2x64x128xf32, #tpu.memory_space<vmem>>, vector<16xf32>,
        %mul3A_1066 = arith.mulf %get3A_1065, %mul3A_926 : vector<16xf32>
        %swap3A_1067 = arith.index_cast %select_n3A_226 : i32 to index
        %swap3A_1068 = arith.index_cast %add3A_604 : i32 to index
        %swap3A_1069 = arith.constant 112 : index
        %swap3A_1070 = tpu.vector_load %arg10[%swap3A_1067, %swap3A_1068, %swap3A_1069] {strides = array<i32>} : memref<2x64x128xf32, #tpu.memory_space<vmem>>, vector<16xf32>,
        tpu.vector_store %arg10[%swap3A_1067, %swap3A_1068, %swap3A_1069], %mul3A_1066 {strides = array<i32>} : memref<2x64x128xf32, #tpu.memory_space<vmem>>, vector<16xf32>,
        %swap3A_1071 = arith.index_cast %mul3A_602 : i32 to index
        %swap3A_1072 = tpu.vector_load %arg12[%swap3A_1071] masked %eq3A_1 {strides = array<i32>} : memref<80xf32, #tpu.memory_space<vmem>>, vector<16xf32>, vector<16xi1>
        tpu.vector_store %arg12[%swap3A_1071], %mul3A_922 masked %eq3A_1 {strides = array<i32>} : memref<80xf32, #tpu.memory_space<vmem>>, vector<16xf32>, vector<16xi1>
        %swap3A_1073 = arith.index_cast %add3A_604 : i32 to index
        %swap3A_1074 = tpu.vector_load %arg12[%swap3A_1073] masked %eq3A_1 {strides = array<i32>} : memref<80xf32, #tpu.memory_space<vmem>>, vector<16xf32>, vector<16xi1>
        tpu.vector_store %arg12[%swap3A_1073], %mul3A_926 masked %eq3A_1 {strides = array<i32>} : memref<80xf32, #tpu.memory_space<vmem>>, vector<16xf32>, vector<16xi1>
      }
      %scan3A_299 = arith.constant 32 : i32
      %jit3A_300 = arith.constant 8 : i32
      %div3A = arith.divsi %scan3A_215, %jit3A_300 : i32
      %sign3A = arith.constant 0 : i32
      %sign3A_301 = arith.cmpi sgt, %scan3A_215, %sign3A : i32
      %sign3A_302 = arith.extui %sign3A_301 : i1 to i32
      %sign3A_303 = arith.constant 0 : i32
      %sign3A_304 = arith.cmpi slt, %scan3A_215, %sign3A_303 : i32
      %sign3A_305 = arith.extui %sign3A_304 : i1 to i32
      %sign3A_306 = arith.subi %sign3A_302, %sign3A_305 : i32
      %sign3A_307 = arith.constant 0 : i32
      %sign3A_308 = arith.cmpi sgt, %jit3A_300, %sign3A_307 : i32
      %sign3A_309 = arith.extui %sign3A_308 : i1 to i32
      %sign3A_310 = arith.constant 0 : i32
      %sign3A_311 = arith.cmpi slt, %jit3A_300, %sign3A_310 : i32
      %sign3A_312 = arith.extui %sign3A_311 : i1 to i32
      %sign3A_313 = arith.subi %sign3A_309, %sign3A_312 : i32
      %ne3A_314 = arith.cmpi ne, %sign3A_306, %sign3A_313 : i32
      %rem3A_315 = arith.remsi %scan3A_215, %jit3A_300 : i32
      %ne3A_316 = arith.constant 0 : i32
      %ne3A_317 = arith.cmpi ne, %rem3A_315, %ne3A_316 : i32
      %and3A_318 = arith.andi %ne3A_314, %ne3A_317 : i1
      %sub3A_319 = arith.constant 1 : i32
      %sub3A_320 = arith.subi %div3A, %sub3A_319 : i32
      %select_n3A_321 = arith.select %and3A_318, %sub3A_320, %div3A : i32
      %jit3A_322 = arith.constant 2 : i32
      %eq3A_323 = arith.constant 0 : i32
      %eq3A_324 = arith.cmpi eq, %jit3A_322, %eq3A_323 : i32
      %jit3A_325 = arith.constant 1 : i32
      %select_n3A_326 = arith.select %eq3A_324, %jit3A_325, %jit3A_322 : i32
      %rem3A_327 = arith.remsi %select_n3A_321, %select_n3A_326 : i32
      %ne3A_328 = arith.constant 0 : i32
      %ne3A_329 = arith.cmpi ne, %rem3A_327, %ne3A_328 : i32
      %lt3A_330 = arith.constant 0 : i32
      %lt3A_331 = arith.cmpi slt, %rem3A_327, %lt3A_330 : i32
      %lt3A_332 = arith.constant 0 : i32
      %lt3A_333 = arith.cmpi slt, %select_n3A_326, %lt3A_332 : i32
      %ne3A_334 = arith.xori %lt3A_331, %lt3A_333 : i1
      %and3A_335 = arith.andi %ne3A_334, %ne3A_329 : i1
      %add3A_336 = arith.addi %rem3A_327, %select_n3A_326 : i32
      %select_n3A_337 = arith.select %and3A_335, %add3A_336, %rem3A_327 : i32
      %jit3A_338 = arith.constant 8 : i32
      %eq3A_339 = arith.constant 0 : i32
      %eq3A_340 = arith.cmpi eq, %jit3A_338, %eq3A_339 : i32
      %jit3A_341 = arith.constant 1 : i32
      %select_n3A_342 = arith.select %eq3A_340, %jit3A_341, %jit3A_338 : i32
      %rem3A_343 = arith.remsi %scan3A_215, %select_n3A_342 : i32
      %ne3A_344 = arith.constant 0 : i32
      %ne3A_345 = arith.cmpi ne, %rem3A_343, %ne3A_344 : i32
      %lt3A_346 = arith.constant 0 : i32
      %lt3A_347 = arith.cmpi slt, %rem3A_343, %lt3A_346 : i32
      %lt3A_348 = arith.constant 0 : i32
      %lt3A_349 = arith.cmpi slt, %select_n3A_342, %lt3A_348 : i32
      %ne3A_350 = arith.xori %lt3A_347, %lt3A_349 : i1
      %and3A_351 = arith.andi %ne3A_350, %ne3A_345 : i1
      %add3A_352 = arith.addi %rem3A_343, %select_n3A_342 : i32
      %select_n3A_353 = arith.select %and3A_351, %add3A_352, %rem3A_343 : i32
      %get3A_354 = arith.constant 1 : i32
      %get3A_355 = arith.index_cast %select_n3A_337 : i32 to index
      %get3A_356 = arith.index_cast %select_n3A_353 : i32 to index
      %get3A_357 = arith.index_cast %get3A_354 : i32 to index
      %get3A_358 = arith.constant 0 : index
      %get3A_359 = tpu.vector_load %arg8[%get3A_355, %get3A_356, %get3A_357, %get3A_358] {strides = array<i32>} : memref<2x8x2x64xi32, #tpu.memory_space<vmem>>, vector<16xi32>,
      %get3A_360 = arith.constant 0 : index
      %get3A_361 = tpu.vector_load %arg12[%get3A_360] {strides = array<i32>} : memref<80xf32, #tpu.memory_space<vmem>>, vector<16xf32>,
      %jit3A_362 = arith.constant 1280 : i32
      %div3A_363 = vector.broadcast %jit3A_362 : i32 to vector<16xi32>
      %div3A_364 = arith.divsi %get3A_359, %div3A_363 : vector<16xi32>
      %sign3A_365 = arith.constant 0 : i32
      %sign3A_366 = vector.broadcast %sign3A_365 : i32 to vector<16xi32>
      %sign3A_367 = arith.cmpi sgt, %get3A_359, %sign3A_366 : vector<16xi32>
      %sign3A_368 = arith.extui %sign3A_367 : vector<16xi1> to vector<16xi32>
      %sign3A_369 = arith.constant 0 : i32
      %sign3A_370 = vector.broadcast %sign3A_369 : i32 to vector<16xi32>
      %sign3A_371 = arith.cmpi slt, %get3A_359, %sign3A_370 : vector<16xi32>
      %sign3A_372 = arith.extui %sign3A_371 : vector<16xi1> to vector<16xi32>
      %sign3A_373 = arith.subi %sign3A_368, %sign3A_372 : vector<16xi32>
      %sign3A_374 = arith.constant 0 : i32
      %sign3A_375 = arith.cmpi sgt, %jit3A_362, %sign3A_374 : i32
      %sign3A_376 = arith.extui %sign3A_375 : i1 to i32
      %sign3A_377 = arith.constant 0 : i32
      %sign3A_378 = arith.cmpi slt, %jit3A_362, %sign3A_377 : i32
      %sign3A_379 = arith.extui %sign3A_378 : i1 to i32
      %sign3A_380 = arith.subi %sign3A_376, %sign3A_379 : i32
      %ne3A_381 = vector.broadcast %sign3A_380 : i32 to vector<16xi32>
      %ne3A_382 = arith.cmpi ne, %sign3A_373, %ne3A_381 : vector<16xi32>
      %rem3A_383 = vector.broadcast %jit3A_362 : i32 to vector<16xi32>
      %rem3A_384 = arith.remsi %get3A_359, %rem3A_383 : vector<16xi32>
      %ne3A_385 = arith.constant 0 : i32
      %ne3A_386 = vector.broadcast %ne3A_385 : i32 to vector<16xi32>
      %ne3A_387 = arith.cmpi ne, %rem3A_384, %ne3A_386 : vector<16xi32>
      %and3A_388 = arith.andi %ne3A_382, %ne3A_387 : vector<16xi1>
      %sub3A_389 = arith.constant 1 : i32
      %sub3A_390 = vector.broadcast %sub3A_389 : i32 to vector<16xi32>
      %sub3A_391 = arith.subi %div3A_364, %sub3A_390 : vector<16xi32>
      %select_n3A_392 = arith.select %and3A_388, %sub3A_391, %div3A_364 : vector<16xi1>, vector<16xi32>
      %jit3A_393 = arith.constant 1280 : i32
      %eq3A_394 = arith.constant 0 : i32
      %eq3A_395 = arith.cmpi eq, %jit3A_393, %eq3A_394 : i32
      %jit3A_396 = arith.constant 1 : i32
      %select_n3A_397 = arith.select %eq3A_395, %jit3A_396, %jit3A_393 : i32
      %rem3A_398 = vector.broadcast %select_n3A_397 : i32 to vector<16xi32>
      %rem3A_399 = arith.remsi %get3A_359, %rem3A_398 : vector<16xi32>
      %ne3A_400 = arith.constant 0 : i32
      %ne3A_401 = vector.broadcast %ne3A_400 : i32 to vector<16xi32>
      %ne3A_402 = arith.cmpi ne, %rem3A_399, %ne3A_401 : vector<16xi32>
      %lt3A_403 = arith.constant 0 : i32
      %lt3A_404 = vector.broadcast %lt3A_403 : i32 to vector<16xi32>
      %lt3A_405 = arith.cmpi slt, %rem3A_399, %lt3A_404 : vector<16xi32>
      %lt3A_406 = arith.constant 0 : i32
      %lt3A_407 = arith.cmpi slt, %select_n3A_397, %lt3A_406 : i32
      %ne3A_408 = vector.broadcast %lt3A_407 : i1 to vector<16xi1>
      %ne3A_409 = vector.broadcast %ne3A_408 : vector<16xi1> to vector<16xi1>
      %ne3A_410 = arith.xori %lt3A_405, %ne3A_409 : vector<16xi1>
      %and3A_411 = arith.andi %ne3A_410, %ne3A_402 : vector<16xi1>
      %add3A_412 = vector.broadcast %select_n3A_397 : i32 to vector<16xi32>
      %add3A_413 = arith.addi %rem3A_399, %add3A_412 : vector<16xi32>
      %select_n3A_414 = arith.select %and3A_411, %add3A_413, %rem3A_399 : vector<16xi1>, vector<16xi32>
      tpu.vector_store_idx %arg14[%select_n3A_392, %select_n3A_414], %get3A_361 {add = true} : memref<8x1280xf32, #tpu.memory_space<vmem>>[vector<16xi32>, vector<16xi32>], vector<16xf32>,
      %get3A_415 = arith.constant 1 : i32
      %get3A_416 = arith.index_cast %select_n3A_337 : i32 to index
      %get3A_417 = arith.index_cast %select_n3A_353 : i32 to index
      %get3A_418 = arith.index_cast %get3A_415 : i32 to index
      %get3A_419 = arith.constant 16 : index
      %get3A_420 = tpu.vector_load %arg8[%get3A_416, %get3A_417, %get3A_418, %get3A_419] {strides = array<i32>} : memref<2x8x2x64xi32, #tpu.memory_space<vmem>>, vector<16xi32>,
      %get3A_421 = arith.constant 16 : index
      %get3A_422 = tpu.vector_load %arg12[%get3A_421] {strides = array<i32>} : memref<80xf32, #tpu.memory_space<vmem>>, vector<16xf32>,
      %jit3A_423 = arith.constant 1280 : i32
      %div3A_424 = vector.broadcast %jit3A_423 : i32 to vector<16xi32>
      %div3A_425 = arith.divsi %get3A_420, %div3A_424 : vector<16xi32>
      %sign3A_426 = arith.constant 0 : i32
      %sign3A_427 = vector.broadcast %sign3A_426 : i32 to vector<16xi32>
      %sign3A_428 = arith.cmpi sgt, %get3A_420, %sign3A_427 : vector<16xi32>
      %sign3A_429 = arith.extui %sign3A_428 : vector<16xi1> to vector<16xi32>
      %sign3A_430 = arith.constant 0 : i32
      %sign3A_431 = vector.broadcast %sign3A_430 : i32 to vector<16xi32>
      %sign3A_432 = arith.cmpi slt, %get3A_420, %sign3A_431 : vector<16xi32>
      %sign3A_433 = arith.extui %sign3A_432 : vector<16xi1> to vector<16xi32>
      %sign3A_434 = arith.subi %sign3A_429, %sign3A_433 : vector<16xi32>
      %sign3A_435 = arith.constant 0 : i32
      %sign3A_436 = arith.cmpi sgt, %jit3A_423, %sign3A_435 : i32
      %sign3A_437 = arith.extui %sign3A_436 : i1 to i32
      %sign3A_438 = arith.constant 0 : i32
      %sign3A_439 = arith.cmpi slt, %jit3A_423, %sign3A_438 : i32
      %sign3A_440 = arith.extui %sign3A_439 : i1 to i32
      %sign3A_441 = arith.subi %sign3A_437, %sign3A_440 : i32
      %ne3A_442 = vector.broadcast %sign3A_441 : i32 to vector<16xi32>
      %ne3A_443 = arith.cmpi ne, %sign3A_434, %ne3A_442 : vector<16xi32>
      %rem3A_444 = vector.broadcast %jit3A_423 : i32 to vector<16xi32>
      %rem3A_445 = arith.remsi %get3A_420, %rem3A_444 : vector<16xi32>
      %ne3A_446 = arith.constant 0 : i32
      %ne3A_447 = vector.broadcast %ne3A_446 : i32 to vector<16xi32>
      %ne3A_448 = arith.cmpi ne, %rem3A_445, %ne3A_447 : vector<16xi32>
      %and3A_449 = arith.andi %ne3A_443, %ne3A_448 : vector<16xi1>
      %sub3A_450 = arith.constant 1 : i32
      %sub3A_451 = vector.broadcast %sub3A_450 : i32 to vector<16xi32>
      %sub3A_452 = arith.subi %div3A_425, %sub3A_451 : vector<16xi32>
      %select_n3A_453 = arith.select %and3A_449, %sub3A_452, %div3A_425 : vector<16xi1>, vector<16xi32>
      %jit3A_454 = arith.constant 1280 : i32
      %eq3A_455 = arith.constant 0 : i32
      %eq3A_456 = arith.cmpi eq, %jit3A_454, %eq3A_455 : i32
      %jit3A_457 = arith.constant 1 : i32
      %select_n3A_458 = arith.select %eq3A_456, %jit3A_457, %jit3A_454 : i32
      %rem3A_459 = vector.broadcast %select_n3A_458 : i32 to vector<16xi32>
      %rem3A_460 = arith.remsi %get3A_420, %rem3A_459 : vector<16xi32>
      %ne3A_461 = arith.constant 0 : i32
      %ne3A_462 = vector.broadcast %ne3A_461 : i32 to vector<16xi32>
      %ne3A_463 = arith.cmpi ne, %rem3A_460, %ne3A_462 : vector<16xi32>
      %lt3A_464 = arith.constant 0 : i32
      %lt3A_465 = vector.broadcast %lt3A_464 : i32 to vector<16xi32>
      %lt3A_466 = arith.cmpi slt, %rem3A_460, %lt3A_465 : vector<16xi32>
      %lt3A_467 = arith.constant 0 : i32
      %lt3A_468 = arith.cmpi slt, %select_n3A_458, %lt3A_467 : i32
      %ne3A_469 = vector.broadcast %lt3A_468 : i1 to vector<16xi1>
      %ne3A_470 = vector.broadcast %ne3A_469 : vector<16xi1> to vector<16xi1>
      %ne3A_471 = arith.xori %lt3A_466, %ne3A_470 : vector<16xi1>
      %and3A_472 = arith.andi %ne3A_471, %ne3A_463 : vector<16xi1>
      %add3A_473 = vector.broadcast %select_n3A_458 : i32 to vector<16xi32>
      %add3A_474 = arith.addi %rem3A_460, %add3A_473 : vector<16xi32>
      %select_n3A_475 = arith.select %and3A_472, %add3A_474, %rem3A_460 : vector<16xi1>, vector<16xi32>
      tpu.vector_store_idx %arg14[%select_n3A_453, %select_n3A_475], %get3A_422 {add = true} : memref<8x1280xf32, #tpu.memory_space<vmem>>[vector<16xi32>, vector<16xi32>], vector<16xf32>,
      %get3A_476 = arith.constant 1 : i32
      %get3A_477 = arith.index_cast %select_n3A_337 : i32 to index
      %get3A_478 = arith.index_cast %select_n3A_353 : i32 to index
      %get3A_479 = arith.index_cast %get3A_476 : i32 to index
      %get3A_480 = arith.constant 32 : index
      %get3A_481 = tpu.vector_load %arg8[%get3A_477, %get3A_478, %get3A_479, %get3A_480] {strides = array<i32>} : memref<2x8x2x64xi32, #tpu.memory_space<vmem>>, vector<16xi32>,
      %get3A_482 = arith.constant 32 : index
      %get3A_483 = tpu.vector_load %arg12[%get3A_482] {strides = array<i32>} : memref<80xf32, #tpu.memory_space<vmem>>, vector<16xf32>,
      %jit3A_484 = arith.constant 1280 : i32
      %div3A_485 = vector.broadcast %jit3A_484 : i32 to vector<16xi32>
      %div3A_486 = arith.divsi %get3A_481, %div3A_485 : vector<16xi32>
      %sign3A_487 = arith.constant 0 : i32
      %sign3A_488 = vector.broadcast %sign3A_487 : i32 to vector<16xi32>
      %sign3A_489 = arith.cmpi sgt, %get3A_481, %sign3A_488 : vector<16xi32>
      %sign3A_490 = arith.extui %sign3A_489 : vector<16xi1> to vector<16xi32>
      %sign3A_491 = arith.constant 0 : i32
      %sign3A_492 = vector.broadcast %sign3A_491 : i32 to vector<16xi32>
      %sign3A_493 = arith.cmpi slt, %get3A_481, %sign3A_492 : vector<16xi32>
      %sign3A_494 = arith.extui %sign3A_493 : vector<16xi1> to vector<16xi32>
      %sign3A_495 = arith.subi %sign3A_490, %sign3A_494 : vector<16xi32>
      %sign3A_496 = arith.constant 0 : i32
      %sign3A_497 = arith.cmpi sgt, %jit3A_484, %sign3A_496 : i32
      %sign3A_498 = arith.extui %sign3A_497 : i1 to i32
      %sign3A_499 = arith.constant 0 : i32
      %sign3A_500 = arith.cmpi slt, %jit3A_484, %sign3A_499 : i32
      %sign3A_501 = arith.extui %sign3A_500 : i1 to i32
      %sign3A_502 = arith.subi %sign3A_498, %sign3A_501 : i32
      %ne3A_503 = vector.broadcast %sign3A_502 : i32 to vector<16xi32>
      %ne3A_504 = arith.cmpi ne, %sign3A_495, %ne3A_503 : vector<16xi32>
      %rem3A_505 = vector.broadcast %jit3A_484 : i32 to vector<16xi32>
      %rem3A_506 = arith.remsi %get3A_481, %rem3A_505 : vector<16xi32>
      %ne3A_507 = arith.constant 0 : i32
      %ne3A_508 = vector.broadcast %ne3A_507 : i32 to vector<16xi32>
      %ne3A_509 = arith.cmpi ne, %rem3A_506, %ne3A_508 : vector<16xi32>
      %and3A_510 = arith.andi %ne3A_504, %ne3A_509 : vector<16xi1>
      %sub3A_511 = arith.constant 1 : i32
      %sub3A_512 = vector.broadcast %sub3A_511 : i32 to vector<16xi32>
      %sub3A_513 = arith.subi %div3A_486, %sub3A_512 : vector<16xi32>
      %select_n3A_514 = arith.select %and3A_510, %sub3A_513, %div3A_486 : vector<16xi1>, vector<16xi32>
      %jit3A_515 = arith.constant 1280 : i32
      %eq3A_516 = arith.constant 0 : i32
      %eq3A_517 = arith.cmpi eq, %jit3A_515, %eq3A_516 : i32
      %jit3A_518 = arith.constant 1 : i32
      %select_n3A_519 = arith.select %eq3A_517, %jit3A_518, %jit3A_515 : i32
      %rem3A_520 = vector.broadcast %select_n3A_519 : i32 to vector<16xi32>
      %rem3A_521 = arith.remsi %get3A_481, %rem3A_520 : vector<16xi32>
      %ne3A_522 = arith.constant 0 : i32
      %ne3A_523 = vector.broadcast %ne3A_522 : i32 to vector<16xi32>
      %ne3A_524 = arith.cmpi ne, %rem3A_521, %ne3A_523 : vector<16xi32>
      %lt3A_525 = arith.constant 0 : i32
      %lt3A_526 = vector.broadcast %lt3A_525 : i32 to vector<16xi32>
      %lt3A_527 = arith.cmpi slt, %rem3A_521, %lt3A_526 : vector<16xi32>
      %lt3A_528 = arith.constant 0 : i32
      %lt3A_529 = arith.cmpi slt, %select_n3A_519, %lt3A_528 : i32
      %ne3A_530 = vector.broadcast %lt3A_529 : i1 to vector<16xi1>
      %ne3A_531 = vector.broadcast %ne3A_530 : vector<16xi1> to vector<16xi1>
      %ne3A_532 = arith.xori %lt3A_527, %ne3A_531 : vector<16xi1>
      %and3A_533 = arith.andi %ne3A_532, %ne3A_524 : vector<16xi1>
      %add3A_534 = vector.broadcast %select_n3A_519 : i32 to vector<16xi32>
      %add3A_535 = arith.addi %rem3A_521, %add3A_534 : vector<16xi32>
      %select_n3A_536 = arith.select %and3A_533, %add3A_535, %rem3A_521 : vector<16xi1>, vector<16xi32>
      tpu.vector_store_idx %arg14[%select_n3A_514, %select_n3A_536], %get3A_483 {add = true} : memref<8x1280xf32, #tpu.memory_space<vmem>>[vector<16xi32>, vector<16xi32>], vector<16xf32>,
      %get3A_537 = arith.constant 1 : i32
      %get3A_538 = arith.index_cast %select_n3A_337 : i32 to index
      %get3A_539 = arith.index_cast %select_n3A_353 : i32 to index
      %get3A_540 = arith.index_cast %get3A_537 : i32 to index
      %get3A_541 = arith.constant 48 : index
      %get3A_542 = tpu.vector_load %arg8[%get3A_538, %get3A_539, %get3A_540, %get3A_541] {strides = array<i32>} : memref<2x8x2x64xi32, #tpu.memory_space<vmem>>, vector<16xi32>,
      %get3A_543 = arith.constant 48 : index
      %get3A_544 = tpu.vector_load %arg12[%get3A_543] {strides = array<i32>} : memref<80xf32, #tpu.memory_space<vmem>>, vector<16xf32>,
      %jit3A_545 = arith.constant 1280 : i32
      %div3A_546 = vector.broadcast %jit3A_545 : i32 to vector<16xi32>
      %div3A_547 = arith.divsi %get3A_542, %div3A_546 : vector<16xi32>
      %sign3A_548 = arith.constant 0 : i32
      %sign3A_549 = vector.broadcast %sign3A_548 : i32 to vector<16xi32>
      %sign3A_550 = arith.cmpi sgt, %get3A_542, %sign3A_549 : vector<16xi32>
      %sign3A_551 = arith.extui %sign3A_550 : vector<16xi1> to vector<16xi32>
      %sign3A_552 = arith.constant 0 : i32
      %sign3A_553 = vector.broadcast %sign3A_552 : i32 to vector<16xi32>
      %sign3A_554 = arith.cmpi slt, %get3A_542, %sign3A_553 : vector<16xi32>
      %sign3A_555 = arith.extui %sign3A_554 : vector<16xi1> to vector<16xi32>
      %sign3A_556 = arith.subi %sign3A_551, %sign3A_555 : vector<16xi32>
      %sign3A_557 = arith.constant 0 : i32
      %sign3A_558 = arith.cmpi sgt, %jit3A_545, %sign3A_557 : i32
      %sign3A_559 = arith.extui %sign3A_558 : i1 to i32
      %sign3A_560 = arith.constant 0 : i32
      %sign3A_561 = arith.cmpi slt, %jit3A_545, %sign3A_560 : i32
      %sign3A_562 = arith.extui %sign3A_561 : i1 to i32
      %sign3A_563 = arith.subi %sign3A_559, %sign3A_562 : i32
      %ne3A_564 = vector.broadcast %sign3A_563 : i32 to vector<16xi32>
      %ne3A_565 = arith.cmpi ne, %sign3A_556, %ne3A_564 : vector<16xi32>
      %rem3A_566 = vector.broadcast %jit3A_545 : i32 to vector<16xi32>
      %rem3A_567 = arith.remsi %get3A_542, %rem3A_566 : vector<16xi32>
      %ne3A_568 = arith.constant 0 : i32
      %ne3A_569 = vector.broadcast %ne3A_568 : i32 to vector<16xi32>
      %ne3A_570 = arith.cmpi ne, %rem3A_567, %ne3A_569 : vector<16xi32>
      %and3A_571 = arith.andi %ne3A_565, %ne3A_570 : vector<16xi1>
      %sub3A_572 = arith.constant 1 : i32
      %sub3A_573 = vector.broadcast %sub3A_572 : i32 to vector<16xi32>
      %sub3A_574 = arith.subi %div3A_547, %sub3A_573 : vector<16xi32>
      %select_n3A_575 = arith.select %and3A_571, %sub3A_574, %div3A_547 : vector<16xi1>, vector<16xi32>
      %jit3A_576 = arith.constant 1280 : i32
      %eq3A_577 = arith.constant 0 : i32
      %eq3A_578 = arith.cmpi eq, %jit3A_576, %eq3A_577 : i32
      %jit3A_579 = arith.constant 1 : i32
      %select_n3A_580 = arith.select %eq3A_578, %jit3A_579, %jit3A_576 : i32
      %rem3A_581 = vector.broadcast %select_n3A_580 : i32 to vector<16xi32>
      %rem3A_582 = arith.remsi %get3A_542, %rem3A_581 : vector<16xi32>
      %ne3A_583 = arith.constant 0 : i32
      %ne3A_584 = vector.broadcast %ne3A_583 : i32 to vector<16xi32>
      %ne3A_585 = arith.cmpi ne, %rem3A_582, %ne3A_584 : vector<16xi32>
      %lt3A_586 = arith.constant 0 : i32
      %lt3A_587 = vector.broadcast %lt3A_586 : i32 to vector<16xi32>
      %lt3A_588 = arith.cmpi slt, %rem3A_582, %lt3A_587 : vector<16xi32>
      %lt3A_589 = arith.constant 0 : i32
      %lt3A_590 = arith.cmpi slt, %select_n3A_580, %lt3A_589 : i32
      %ne3A_591 = vector.broadcast %lt3A_590 : i1 to vector<16xi1>
      %ne3A_592 = vector.broadcast %ne3A_591 : vector<16xi1> to vector<16xi1>
      %ne3A_593 = arith.xori %lt3A_588, %ne3A_592 : vector<16xi1>
      %and3A_594 = arith.andi %ne3A_593, %ne3A_585 : vector<16xi1>
      %add3A_595 = vector.broadcast %select_n3A_580 : i32 to vector<16xi32>
      %add3A_596 = arith.addi %rem3A_582, %add3A_595 : vector<16xi32>
      %select_n3A_597 = arith.select %and3A_594, %add3A_596, %rem3A_582 : vector<16xi1>, vector<16xi32>
      tpu.vector_store_idx %arg14[%select_n3A_575, %select_n3A_597], %get3A_544 {add = true} : memref<8x1280xf32, #tpu.memory_space<vmem>>[vector<16xi32>, vector<16xi32>], vector<16xf32>,
      %run_scoped3A_598 = arith.constant 1 : i32
      "tpu.region"() ({
        %run_scoped3A_600 = tpu.sem_alloc : memref<!tpu.dma_semaphore, #tpu.memory_space<semaphore_mem>>
        %dma_start3A_601 = arith.constant 0 : i32
        %dma_start3A_602 = arith.constant 0 : i32
        %dma_start3A_603 = tpu.memref_slice %arg10[%select_n3A_226, %dma_start3A_601, %dma_start3A_602] : memref<2x64x128xf32, #tpu.memory_space<vmem>> -> memref<1x64x128xf32, #tpu.memory_space<vmem>>
        %dma_start3A_604 = tpu.memref_squeeze %dma_start3A_603 : memref<1x64x128xf32, #tpu.memory_space<vmem>> -> memref<64x128xf32, #tpu.memory_space<vmem>>
        %dma_start3A_605 = arith.constant 0 : i32
        %dma_start3A_606 = tpu.memref_slice %arg8[%select_n3A_337, %select_n3A_353, %run_scoped3A_598, %dma_start3A_605] : memref<2x8x2x64xi32, #tpu.memory_space<vmem>> -> memref<1x1x1x64xi32, #tpu.memory_space<vmem>>
        %dma_start3A_607 = tpu.memref_squeeze %dma_start3A_606 : memref<1x1x1x64xi32, #tpu.memory_space<vmem>> -> memref<64xi32, #tpu.memory_space<vmem>>
        %dma_start3A_608 = arith.constant 0 : i32
        %dma_start3A_609 = arith.constant 0 : i32
        %dma_start3A_610 = tpu.memref_slice %arg15[%dma_start3A_608, %dma_start3A_609] : memref<10240x128xf32, #tpu.memory_space<vmem_shared>> -> memref<10240x128xf32, #tpu.memory_space<vmem_shared>>
        tpu.enqueue_indirect_dma source(%dma_start3A_604 : memref<64x128xf32, #tpu.memory_space<vmem>>) target(%dma_start3A_610 : memref<10240x128xf32, #tpu.memory_space<vmem_shared>>) offsets(%dma_start3A_607 : memref<64xi32, #tpu.memory_space<vmem>>) semaphore(%run_scoped3A_600 : memref<!tpu.dma_semaphore, #tpu.memory_space<semaphore_mem>>) {add = true}
        %dma_wait3A_611 = arith.constant 0 : i32
        %dma_wait3A_612 = arith.constant 0 : i32
        %dma_wait3A_613 = tpu.memref_slice %arg10[%select_n3A_226, %dma_wait3A_611, %dma_wait3A_612] : memref<2x64x128xf32, #tpu.memory_space<vmem>> -> memref<1x64x128xf32, #tpu.memory_space<vmem>>
        %dma_wait3A_614 = tpu.memref_squeeze %dma_wait3A_613 : memref<1x64x128xf32, #tpu.memory_space<vmem>> -> memref<64x128xf32, #tpu.memory_space<vmem>>
        %dma_wait3A_615 = arith.constant 0 : i32
        %dma_wait3A_616 = tpu.memref_slice %arg8[%select_n3A_337, %select_n3A_353, %run_scoped3A_598, %dma_wait3A_615] : memref<2x8x2x64xi32, #tpu.memory_space<vmem>> -> memref<1x1x1x64xi32, #tpu.memory_space<vmem>>
        %dma_wait3A_617 = tpu.memref_squeeze %dma_wait3A_616 : memref<1x1x1x64xi32, #tpu.memory_space<vmem>> -> memref<64xi32, #tpu.memory_space<vmem>>
        %dma_wait3A_618 = arith.constant 0 : i32
        %dma_wait3A_619 = arith.constant 0 : i32
        %dma_wait3A_620 = tpu.memref_slice %arg15[%dma_wait3A_618, %dma_wait3A_619] : memref<10240x128xf32, #tpu.memory_space<vmem_shared>> -> memref<10240x128xf32, #tpu.memory_space<vmem_shared>>
        tpu.wait_indirect_dma semaphore(%run_scoped3A_600 : memref<!tpu.dma_semaphore, #tpu.memory_space<semaphore_mem>>) src(%dma_wait3A_614 : memref<64x128xf32, #tpu.memory_space<vmem>>) dst(%dma_wait3A_620 : memref<10240x128xf32, #tpu.memory_space<vmem_shared>>)
        tpu.yield
      }) : () -> ()
      %scan3A_599 = arith.constant 0 : i32
      scf.yield %scan3A_599 : i32
    }
    %scan3A_213 = arith.constant 320 : i32
    %barrier3A_214 = arith.constant 0 : index
    tpu.barrier barrier_id(%barrier3A_214)
    "tpu.region"() ({
      %run_scoped3A_215 = tpu.sem_alloc : memref<!tpu.dma_semaphore, #tpu.memory_space<semaphore_mem>>
      %dma_start3A_216 = arith.constant 0 : i32
      %dma_start3A_217 = tpu.memref_slice %arg6[%arg0, %mul3A_19, %dma_start3A_216] : memref<2x10240x128xf32, #tpu.memory_space<hbm>> -> memref<1x640x128xf32, #tpu.memory_space<hbm>>
      %dma_start3A_218 = tpu.memref_squeeze %dma_start3A_217 : memref<1x640x128xf32, #tpu.memory_space<hbm>> -> memref<640x128xf32, #tpu.memory_space<hbm>>
      %dma_start3A_219 = arith.constant 0 : i32
      %dma_start3A_220 = tpu.memref_slice %arg15[%mul3A_19, %dma_start3A_219] : memref<10240x128xf32, #tpu.memory_space<vmem_shared>> -> memref<640x128xf32, #tpu.memory_space<vmem_shared>>
      tpu.enqueue_dma source(%dma_start3A_220 : memref<640x128xf32, #tpu.memory_space<vmem_shared>>) target(%dma_start3A_218 : memref<640x128xf32, #tpu.memory_space<hbm>>) target_semaphore(%run_scoped3A_215 : memref<!tpu.dma_semaphore, #tpu.memory_space<semaphore_mem>>)
      %dma_wait3A = arith.constant 0 : i32
      %dma_wait3A_221 = tpu.memref_slice %arg6[%arg0, %mul3A_19, %dma_wait3A] : memref<2x10240x128xf32, #tpu.memory_space<hbm>> -> memref<1x640x128xf32, #tpu.memory_space<hbm>>
      %dma_wait3A_222 = tpu.memref_squeeze %dma_wait3A_221 : memref<1x640x128xf32, #tpu.memory_space<hbm>> -> memref<640x128xf32, #tpu.memory_space<hbm>>
      %dma_wait3A_223 = arith.constant 0 : i32
      %dma_wait3A_224 = tpu.memref_slice %arg15[%mul3A_19, %dma_wait3A_223] : memref<10240x128xf32, #tpu.memory_space<vmem_shared>> -> memref<640x128xf32, #tpu.memory_space<vmem_shared>>
      tpu.wait_dma2 semaphore(%run_scoped3A_215 : memref<!tpu.dma_semaphore, #tpu.memory_space<semaphore_mem>>) src(%dma_wait3A_224 : memref<640x128xf32, #tpu.memory_space<vmem_shared>>) dst(%dma_wait3A_222 : memref<640x128xf32, #tpu.memory_space<hbm>>)
      tpu.yield
    }) : () -> ()
    "tpu.region"() ({
      %run_scoped3A_215 = tpu.sem_alloc : memref<!tpu.dma_semaphore, #tpu.memory_space<semaphore_mem>>
      %dma_start3A_216 = arith.constant 0 : i32
      %dma_start3A_217 = arith.constant 0 : i32
      %dma_start3A_218 = tpu.memref_slice %arg7[%arg0, %arg1, %dma_start3A_216, %dma_start3A_217] : memref<2x16x8x1280xf32, #tpu.memory_space<hbm>> -> memref<1x1x8x1280xf32, #tpu.memory_space<hbm>>
      %dma_start3A_219 = tpu.memref_squeeze %dma_start3A_218 : memref<1x1x8x1280xf32, #tpu.memory_space<hbm>> -> memref<8x1280xf32, #tpu.memory_space<hbm>>
      %dma_start3A_220 = arith.constant 0 : i32
      %dma_start3A_221 = arith.constant 0 : i32
      %dma_start3A_222 = tpu.memref_slice %arg7[%arg0, %arg1, %dma_start3A_220, %dma_start3A_221] : memref<2x16x8x1280xf32, #tpu.memory_space<hbm>> -> memref<1x1x8x1280xf32, #tpu.memory_space<hbm>>
      %dma_start3A_223 = tpu.memref_squeeze %dma_start3A_222 : memref<1x1x8x1280xf32, #tpu.memory_space<hbm>> -> memref<8x1280xf32, #tpu.memory_space<hbm>>
      tpu.enqueue_dma source(%arg14 : memref<8x1280xf32, #tpu.memory_space<vmem>>) target(%dma_start3A_223 : memref<8x1280xf32, #tpu.memory_space<hbm>>) target_semaphore(%run_scoped3A_215 : memref<!tpu.dma_semaphore, #tpu.memory_space<semaphore_mem>>)
      %dma_wait3A = arith.constant 0 : i32
      %dma_wait3A_224 = arith.constant 0 : i32
      %dma_wait3A_225 = tpu.memref_slice %arg7[%arg0, %arg1, %dma_wait3A, %dma_wait3A_224] : memref<2x16x8x1280xf32, #tpu.memory_space<hbm>> -> memref<1x1x8x1280xf32, #tpu.memory_space<hbm>>
      %dma_wait3A_226 = tpu.memref_squeeze %dma_wait3A_225 : memref<1x1x8x1280xf32, #tpu.memory_space<hbm>> -> memref<8x1280xf32, #tpu.memory_space<hbm>>
      %dma_wait3A_227 = arith.constant 0 : i32
      %dma_wait3A_228 = arith.constant 0 : i32
      %dma_wait3A_229 = tpu.memref_slice %arg7[%arg0, %arg1, %dma_wait3A_227, %dma_wait3A_228] : memref<2x16x8x1280xf32, #tpu.memory_space<hbm>> -> memref<1x1x8x1280xf32, #tpu.memory_space<hbm>>
      %dma_wait3A_230 = tpu.memref_squeeze %dma_wait3A_229 : memref<1x1x8x1280xf32, #tpu.memory_space<hbm>> -> memref<8x1280xf32, #tpu.memory_space<hbm>>
      tpu.wait_dma2 semaphore(%run_scoped3A_215 : memref<!tpu.dma_semaphore, #tpu.memory_space<semaphore_mem>>) src(%arg14 : memref<8x1280xf32, #tpu.memory_space<vmem>>) dst(%dma_wait3A_230 : memref<8x1280xf32, #tpu.memory_space<hbm>>)
      tpu.yield
    }) : () -> ()
    return
  }
}

module attributes {stable_mosaic.version = 14 : i64} {
  func.func @_proj_body(%arg0: i32, %arg1: memref<1024x128xf32, #tpu.memory_space<vmem>>, %arg2: memref<128x256xf32, #tpu.memory_space<vmem>>, %arg3: memref<128x256xf32, #tpu.memory_space<vmem>>, %arg4: memref<2x1024x128xf32, #tpu.memory_space<vmem>>, %arg5: memref<2x1024x128xf32, #tpu.memory_space<vmem>>) attributes {dimension_semantics = [#tpu.dimension_semantics<arbitrary>], iteration_bounds = array<i64: 10>, scalar_prefetch = 0 : i64, scratch_operands = 0 : i64, tpu.core_type = #tpu.core_type<tc>, window_params = [{transform_indices = @transform_0, window_bounds = array<i64: 1024, 128>}, {pipeline_mode = #tpu.pipeline_mode<synchronous>, transform_indices = @transform_1, window_bounds = array<i64: 128, 256>}, {pipeline_mode = #tpu.pipeline_mode<synchronous>, transform_indices = @transform_2, window_bounds = array<i64: 128, 256>}, {transform_indices = @transform_3, window_bounds = array<i64: 2, 1024, 128>}, {transform_indices = @transform_4, window_bounds = array<i64: 2, 1024, 128>}]} {
    %get3A = arith.constant 0 : index
    %get3A_0 = arith.constant 0 : index
    %get3A_1 = vector.load %arg1[%get3A, %get3A_0] : memref<1024x128xf32, #tpu.memory_space<vmem>>, vector<1024x128xf32>
    %get3A_2 = arith.constant 0 : index
    %get3A_3 = arith.constant 0 : index
    %get3A_4 = vector.load %arg2[%get3A_2, %get3A_3] : memref<128x256xf32, #tpu.memory_space<vmem>>, vector<128x256xf32>
    %dot_general3A = arith.constant dense<0.000000e+00> : vector<1024x256xf32>
    %dot_general3A_5 = tpu.matmul %get3A_1, %get3A_4, %dot_general3A {dimension_numbers = #tpu.dot_dimension_numbers<[1], [0], [0], [1], [0, 0, 1, 1], [], []>, transpose_lhs_hint = false} : vector<1024x128xf32>, vector<128x256xf32>, vector<1024x256xf32> -> vector<1024x256xf32>
    %get3A_6 = arith.constant 0 : index
    %get3A_7 = arith.constant 0 : index
    %get3A_8 = vector.load %arg3[%get3A_6, %get3A_7] : memref<128x256xf32, #tpu.memory_space<vmem>>, vector<128x256xf32>
    %dot_general3A_9 = arith.constant dense<0.000000e+00> : vector<1024x256xf32>
    %dot_general3A_10 = tpu.matmul %get3A_1, %get3A_8, %dot_general3A_9 {dimension_numbers = #tpu.dot_dimension_numbers<[1], [0], [0], [1], [0, 0, 1, 1], [], []>, transpose_lhs_hint = false} : vector<1024x128xf32>, vector<128x256xf32>, vector<1024x256xf32> -> vector<1024x256xf32>
    %slice3A = vector.extract_strided_slice %dot_general3A_5 {offsets = [0, 0], sizes = [1024, 128], strides = [1, 1]} : vector<1024x256xf32> to vector<1024x128xf32>
    %swap3A = arith.constant 0 : index
    %swap3A_11 = arith.constant 0 : index
    %swap3A_12 = arith.constant 0 : index
    %swap3A_13 = vector.load %arg4[%swap3A, %swap3A_11, %swap3A_12] : memref<2x1024x128xf32, #tpu.memory_space<vmem>>, vector<1x1024x128xf32>
    %swap3A_14 = vector.shape_cast %swap3A_13 : vector<1x1024x128xf32> to vector<1024x128xf32>
    %swap3A_15 = vector.shape_cast %slice3A : vector<1024x128xf32> to vector<1x1024x128xf32>
    tpu.vector_store %arg4[%swap3A, %swap3A_11, %swap3A_12], %swap3A_15 {strides = array<i32>} : memref<2x1024x128xf32, #tpu.memory_space<vmem>>, vector<1x1024x128xf32>,
    %slice3A_16 = vector.extract_strided_slice %dot_general3A_5 {offsets = [0, 128], sizes = [1024, 128], strides = [1, 1]} : vector<1024x256xf32> to vector<1024x128xf32>
    %swap3A_17 = arith.constant 1 : index
    %swap3A_18 = arith.constant 0 : index
    %swap3A_19 = arith.constant 0 : index
    %swap3A_20 = vector.load %arg4[%swap3A_17, %swap3A_18, %swap3A_19] : memref<2x1024x128xf32, #tpu.memory_space<vmem>>, vector<1x1024x128xf32>
    %swap3A_21 = vector.shape_cast %swap3A_20 : vector<1x1024x128xf32> to vector<1024x128xf32>
    %swap3A_22 = vector.shape_cast %slice3A_16 : vector<1024x128xf32> to vector<1x1024x128xf32>
    tpu.vector_store %arg4[%swap3A_17, %swap3A_18, %swap3A_19], %swap3A_22 {strides = array<i32>} : memref<2x1024x128xf32, #tpu.memory_space<vmem>>, vector<1x1024x128xf32>,
    %slice3A_23 = vector.extract_strided_slice %dot_general3A_10 {offsets = [0, 0], sizes = [1024, 128], strides = [1, 1]} : vector<1024x256xf32> to vector<1024x128xf32>
    %swap3A_24 = arith.constant 0 : index
    %swap3A_25 = arith.constant 0 : index
    %swap3A_26 = arith.constant 0 : index
    %swap3A_27 = vector.load %arg5[%swap3A_24, %swap3A_25, %swap3A_26] : memref<2x1024x128xf32, #tpu.memory_space<vmem>>, vector<1x1024x128xf32>
    %swap3A_28 = vector.shape_cast %swap3A_27 : vector<1x1024x128xf32> to vector<1024x128xf32>
    %swap3A_29 = vector.shape_cast %slice3A_23 : vector<1024x128xf32> to vector<1x1024x128xf32>
    tpu.vector_store %arg5[%swap3A_24, %swap3A_25, %swap3A_26], %swap3A_29 {strides = array<i32>} : memref<2x1024x128xf32, #tpu.memory_space<vmem>>, vector<1x1024x128xf32>,
    %slice3A_30 = vector.extract_strided_slice %dot_general3A_10 {offsets = [0, 128], sizes = [1024, 128], strides = [1, 1]} : vector<1024x256xf32> to vector<1024x128xf32>
    %swap3A_31 = arith.constant 1 : index
    %swap3A_32 = arith.constant 0 : index
    %swap3A_33 = arith.constant 0 : index
    %swap3A_34 = vector.load %arg5[%swap3A_31, %swap3A_32, %swap3A_33] : memref<2x1024x128xf32, #tpu.memory_space<vmem>>, vector<1x1024x128xf32>
    %swap3A_35 = vector.shape_cast %swap3A_34 : vector<1x1024x128xf32> to vector<1024x128xf32>
    %swap3A_36 = vector.shape_cast %slice3A_30 : vector<1024x128xf32> to vector<1x1024x128xf32>
    tpu.vector_store %arg5[%swap3A_31, %swap3A_32, %swap3A_33], %swap3A_36 {strides = array<i32>} : memref<2x1024x128xf32, #tpu.memory_space<vmem>>, vector<1x1024x128xf32>,
    return
  }
  func.func @transform_0(%arg0: i32) -> (i32, i32) {
    %c0_i32 = arith.constant 0 : i32
    %c0_i32_0 = arith.constant 0 : i32
    return %arg0, %c0_i32 : i32, i32
  }
  func.func @transform_1(%arg0: i32) -> (i32, i32) {
    %c0_i32 = arith.constant 0 : i32
    %c0_i32_0 = arith.constant 0 : i32
    %c0_i32_1 = arith.constant 0 : i32
    return %c0_i32, %c0_i32_0 : i32, i32
  }
  func.func @transform_2(%arg0: i32) -> (i32, i32) {
    %c0_i32 = arith.constant 0 : i32
    %c0_i32_0 = arith.constant 0 : i32
    %c0_i32_1 = arith.constant 0 : i32
    return %c0_i32, %c0_i32_0 : i32, i32
  }
  func.func @transform_3(%arg0: i32) -> (i32, i32, i32) {
    %c0_i32 = arith.constant 0 : i32
    %c0_i32_0 = arith.constant 0 : i32
    %c0_i32_1 = arith.constant 0 : i32
    return %c0_i32, %arg0, %c0_i32_0 : i32, i32, i32
  }
  func.func @transform_4(%arg0: i32) -> (i32, i32, i32) {
    %c0_i32 = arith.constant 0 : i32
    %c0_i32_0 = arith.constant 0 : i32
    %c0_i32_1 = arith.constant 0 : i32
    return %c0_i32, %arg0, %c0_i32_0 : i32, i32, i32
  }
}

module attributes {stable_mosaic.version = 14 : i64} {
  func.func @_comb_body(%arg0: i32, %arg1: memref<2x1024x128xf32, #tpu.memory_space<vmem>>, %arg2: memref<2x1024x128xf32, #tpu.memory_space<vmem>>, %arg3: memref<2x1024x128xf32, #tpu.memory_space<vmem>>, %arg4: memref<2x16x10240xf32, #tpu.memory_space<vmem>>, %arg5: memref<2x128xf32, #tpu.memory_space<vmem>>, %arg6: memref<1024x128xf32, #tpu.memory_space<vmem>>, %arg7: memref<8x128xf32, #tpu.memory_space<vmem>>, %arg8: memref<8x128xf32, #tpu.memory_space<vmem>>) attributes {dimension_semantics = [#tpu.dimension_semantics<arbitrary>], iteration_bounds = array<i64: 10>, scalar_prefetch = 0 : i64, scratch_operands = 0 : i64, tpu.core_type = #tpu.core_type<tc>, window_params = [{transform_indices = @transform_0, window_bounds = array<i64: 2, 1024, 128>}, {transform_indices = @transform_1, window_bounds = array<i64: 2, 1024, 128>}, {transform_indices = @transform_2, window_bounds = array<i64: 2, 1024, 128>}, {pipeline_mode = #tpu.pipeline_mode<synchronous>, transform_indices = @transform_3, window_bounds = array<i64: 2, 16, 10240>}, {pipeline_mode = #tpu.pipeline_mode<synchronous>, transform_indices = @transform_4, window_bounds = array<i64: 2, 128>}, {transform_indices = @transform_5, window_bounds = array<i64: 1024, 128>}, {transform_indices = @transform_6, window_bounds = array<i64: 8, 128>}, {transform_indices = @transform_7, window_bounds = array<i64: 8, 128>}]} {
    %broadcast_in_dim3A = arith.constant 0.000000e+00 : f32
    %broadcast_in_dim3A_0 = vector.broadcast %broadcast_in_dim3A : f32 to vector<1024x128xf32>
    %get3A = arith.constant 0 : index
    %get3A_1 = arith.constant 0 : index
    %get3A_2 = arith.constant 0 : index
    %get3A_3 = vector.load %arg1[%get3A, %get3A_1, %get3A_2] : memref<2x1024x128xf32, #tpu.memory_space<vmem>>, vector<1x1024x128xf32>
    %get3A_4 = vector.shape_cast %get3A_3 : vector<1x1024x128xf32> to vector<1024x128xf32>
    %get3A_5 = arith.constant 0 : index
    %get3A_6 = arith.constant 0 : index
    %get3A_7 = arith.constant 0 : index
    %get3A_8 = vector.load %arg2[%get3A_5, %get3A_6, %get3A_7] : memref<2x1024x128xf32, #tpu.memory_space<vmem>>, vector<1x1024x128xf32>
    %get3A_9 = vector.shape_cast %get3A_8 : vector<1x1024x128xf32> to vector<1024x128xf32>
    %add3A = arith.addf %get3A_4, %get3A_9 : vector<1024x128xf32>
    %ge3A = arith.constant 0.000000e+00 : f32
    %ge3A_10 = vector.broadcast %ge3A : f32 to vector<1024x128xf32>
    %ge3A_11 = arith.cmpf oge, %add3A, %ge3A_10 : vector<1024x128xf32>
    %mul3A = arith.constant 2.000000e-01 : f32
    %mul3A_12 = vector.broadcast %mul3A : f32 to vector<1024x128xf32>
    %mul3A_13 = arith.mulf %mul3A_12, %add3A : vector<1024x128xf32>
    %select_n3A = arith.select %ge3A_11, %add3A, %mul3A_13 : vector<1024x128xi1>, vector<1024x128xf32>
    %get3A_14 = arith.constant 0 : index
    %get3A_15 = arith.constant 0 : index
    %get3A_16 = vector.load %arg5[%get3A_14, %get3A_15] : memref<2x128xf32, #tpu.memory_space<vmem>>, vector<1x128xf32>
    %get3A_17 = vector.shape_cast %get3A_16 : vector<1x128xf32> to vector<128xf32>
    %broadcast_in_dim3A_18 = vector.shape_cast %get3A_17 : vector<128xf32> to vector<1x128xf32>
    %mul3A_19 = vector.broadcast %broadcast_in_dim3A_18 : vector<1x128xf32> to vector<1024x128xf32>
    %mul3A_20 = arith.mulf %select_n3A, %mul3A_19 : vector<1024x128xf32>
    %reduce_sum3A = arith.constant dense<0.000000e+00> : vector<1024xf32>
    %reduce_sum3A_21 = vector.multi_reduction <add>, %mul3A_20, %reduce_sum3A [1] : vector<1024x128xf32> to vector<1024xf32>
    %exp3A = math.exp %reduce_sum3A_21 : vector<1024xf32>
    %get3A_22 = arith.constant 0 : index
    %get3A_23 = arith.constant 0 : index
    %get3A_24 = arith.constant 0 : index
    %get3A_25 = vector.load %arg3[%get3A_22, %get3A_23, %get3A_24] : memref<2x1024x128xf32, #tpu.memory_space<vmem>>, vector<1x1024x128xf32>
    %get3A_26 = vector.shape_cast %get3A_25 : vector<1x1024x128xf32> to vector<1024x128xf32>
    %broadcast_in_dim3A_27 = vector.shape_cast %exp3A : vector<1024xf32> to vector<1024x1xf32>
    %mul3A_28 = vector.broadcast %broadcast_in_dim3A_27 : vector<1024x1xf32> to vector<1024x128xf32>
    %mul3A_29 = arith.mulf %mul3A_28, %get3A_4 : vector<1024x128xf32>
    %add3A_30 = arith.addf %get3A_26, %mul3A_29 : vector<1024x128xf32>
    %mul3A_31 = arith.constant 1024 : i32
    %mul3A_32 = arith.muli %arg0, %mul3A_31 : i32
    %get3A_33 = arith.constant 0 : index
    %get3A_34 = arith.constant 0 : index
    %get3A_35 = arith.index_cast %mul3A_32 : i32 to index
    %get3A_36 = vector.load %arg4[%get3A_33, %get3A_34, %get3A_35] : memref<2x16x10240xf32, #tpu.memory_space<vmem>>, vector<1x16x1024xf32>
    %get3A_37 = vector.shape_cast %get3A_36 : vector<1x16x1024xf32> to vector<16x1024xf32>
    %reduce_sum3A_38 = arith.constant dense<0.000000e+00> : vector<1024xf32>
    %reduce_sum3A_39 = vector.multi_reduction <add>, %get3A_37, %reduce_sum3A_38 [0] : vector<16x1024xf32> to vector<1024xf32>
    %add3A_40 = arith.addf %reduce_sum3A_39, %exp3A : vector<1024xf32>
    %broadcast_in_dim3A_41 = vector.shape_cast %add3A_40 : vector<1024xf32> to vector<1024x1xf32>
    %div3A = vector.broadcast %broadcast_in_dim3A_41 : vector<1024x1xf32> to vector<1024x128xf32>
    %div3A_42 = arith.divf %add3A_30, %div3A : vector<1024x128xf32>
    %add3A_43 = arith.addf %broadcast_in_dim3A_0, %div3A_42 : vector<1024x128xf32>
    %get3A_44 = arith.constant 1 : index
    %get3A_45 = arith.constant 0 : index
    %get3A_46 = arith.constant 0 : index
    %get3A_47 = vector.load %arg1[%get3A_44, %get3A_45, %get3A_46] : memref<2x1024x128xf32, #tpu.memory_space<vmem>>, vector<1x1024x128xf32>
    %get3A_48 = vector.shape_cast %get3A_47 : vector<1x1024x128xf32> to vector<1024x128xf32>
    %get3A_49 = arith.constant 1 : index
    %get3A_50 = arith.constant 0 : index
    %get3A_51 = arith.constant 0 : index
    %get3A_52 = vector.load %arg2[%get3A_49, %get3A_50, %get3A_51] : memref<2x1024x128xf32, #tpu.memory_space<vmem>>, vector<1x1024x128xf32>
    %get3A_53 = vector.shape_cast %get3A_52 : vector<1x1024x128xf32> to vector<1024x128xf32>
    %add3A_54 = arith.addf %get3A_48, %get3A_53 : vector<1024x128xf32>
    %ge3A_55 = arith.constant 0.000000e+00 : f32
    %ge3A_56 = vector.broadcast %ge3A_55 : f32 to vector<1024x128xf32>
    %ge3A_57 = arith.cmpf oge, %add3A_54, %ge3A_56 : vector<1024x128xf32>
    %mul3A_58 = arith.constant 2.000000e-01 : f32
    %mul3A_59 = vector.broadcast %mul3A_58 : f32 to vector<1024x128xf32>
    %mul3A_60 = arith.mulf %mul3A_59, %add3A_54 : vector<1024x128xf32>
    %select_n3A_61 = arith.select %ge3A_57, %add3A_54, %mul3A_60 : vector<1024x128xi1>, vector<1024x128xf32>
    %get3A_62 = arith.constant 1 : index
    %get3A_63 = arith.constant 0 : index
    %get3A_64 = vector.load %arg5[%get3A_62, %get3A_63] : memref<2x128xf32, #tpu.memory_space<vmem>>, vector<1x128xf32>
    %get3A_65 = vector.shape_cast %get3A_64 : vector<1x128xf32> to vector<128xf32>
    %broadcast_in_dim3A_66 = vector.shape_cast %get3A_65 : vector<128xf32> to vector<1x128xf32>
    %mul3A_67 = vector.broadcast %broadcast_in_dim3A_66 : vector<1x128xf32> to vector<1024x128xf32>
    %mul3A_68 = arith.mulf %select_n3A_61, %mul3A_67 : vector<1024x128xf32>
    %reduce_sum3A_69 = arith.constant dense<0.000000e+00> : vector<1024xf32>
    %reduce_sum3A_70 = vector.multi_reduction <add>, %mul3A_68, %reduce_sum3A_69 [1] : vector<1024x128xf32> to vector<1024xf32>
    %exp3A_71 = math.exp %reduce_sum3A_70 : vector<1024xf32>
    %get3A_72 = arith.constant 1 : index
    %get3A_73 = arith.constant 0 : index
    %get3A_74 = arith.constant 0 : index
    %get3A_75 = vector.load %arg3[%get3A_72, %get3A_73, %get3A_74] : memref<2x1024x128xf32, #tpu.memory_space<vmem>>, vector<1x1024x128xf32>
    %get3A_76 = vector.shape_cast %get3A_75 : vector<1x1024x128xf32> to vector<1024x128xf32>
    %broadcast_in_dim3A_77 = vector.shape_cast %exp3A_71 : vector<1024xf32> to vector<1024x1xf32>
    %mul3A_78 = vector.broadcast %broadcast_in_dim3A_77 : vector<1024x1xf32> to vector<1024x128xf32>
    %mul3A_79 = arith.mulf %mul3A_78, %get3A_48 : vector<1024x128xf32>
    %add3A_80 = arith.addf %get3A_76, %mul3A_79 : vector<1024x128xf32>
    %mul3A_81 = arith.constant 1024 : i32
    %mul3A_82 = arith.muli %arg0, %mul3A_81 : i32
    %get3A_83 = arith.constant 1 : index
    %get3A_84 = arith.constant 0 : index
    %get3A_85 = arith.index_cast %mul3A_82 : i32 to index
    %get3A_86 = vector.load %arg4[%get3A_83, %get3A_84, %get3A_85] : memref<2x16x10240xf32, #tpu.memory_space<vmem>>, vector<1x16x1024xf32>
    %get3A_87 = vector.shape_cast %get3A_86 : vector<1x16x1024xf32> to vector<16x1024xf32>
    %reduce_sum3A_88 = arith.constant dense<0.000000e+00> : vector<1024xf32>
    %reduce_sum3A_89 = vector.multi_reduction <add>, %get3A_87, %reduce_sum3A_88 [0] : vector<16x1024xf32> to vector<1024xf32>
    %add3A_90 = arith.addf %reduce_sum3A_89, %exp3A_71 : vector<1024xf32>
    %broadcast_in_dim3A_91 = vector.shape_cast %add3A_90 : vector<1024xf32> to vector<1024x1xf32>
    %div3A_92 = vector.broadcast %broadcast_in_dim3A_91 : vector<1024x1xf32> to vector<1024x128xf32>
    %div3A_93 = arith.divf %add3A_80, %div3A_92 : vector<1024x128xf32>
    %add3A_94 = arith.addf %add3A_43, %div3A_93 : vector<1024x128xf32>
    %mul3A_95 = arith.constant 5.000000e-01 : f32
    %mul3A_96 = vector.broadcast %mul3A_95 : f32 to vector<1024x128xf32>
    %mul3A_97 = arith.mulf %mul3A_96, %add3A_94 : vector<1024x128xf32>
    %swap3A = arith.constant 0 : index
    %swap3A_98 = arith.constant 0 : index
    %swap3A_99 = vector.load %arg6[%swap3A, %swap3A_98] : memref<1024x128xf32, #tpu.memory_space<vmem>>, vector<1024x128xf32>
    tpu.vector_store %arg6[%swap3A, %swap3A_98], %mul3A_97 {strides = array<i32>} : memref<1024x128xf32, #tpu.memory_space<vmem>>, vector<1024x128xf32>,
    %reduce_sum3A_100 = arith.constant dense<0.000000e+00> : vector<128xf32>
    %reduce_sum3A_101 = vector.multi_reduction <add>, %mul3A_97, %reduce_sum3A_100 [0] : vector<1024x128xf32> to vector<128xf32>
    %broadcast_in_dim3A_102 = vector.shape_cast %reduce_sum3A_101 : vector<128xf32> to vector<1x128xf32>
    %jit3A = arith.constant 0 : i32
    %convert_element_type3A = arith.sitofp %jit3A : i32 to f32
    %pad3A = vector.broadcast %convert_element_type3A : f32 to vector<7x128xf32>
    %pad3A_103 = tpu.concatenate %broadcast_in_dim3A_102, %pad3A in 0 : vector<1x128xf32>, vector<7x128xf32> -> vector<8x128xf32>
    %swap3A_104 = arith.constant 0 : index
    %swap3A_105 = arith.constant 0 : index
    %swap3A_106 = vector.load %arg7[%swap3A_104, %swap3A_105] : memref<8x128xf32, #tpu.memory_space<vmem>>, vector<8x128xf32>
    tpu.vector_store %arg7[%swap3A_104, %swap3A_105], %pad3A_103 {strides = array<i32>} : memref<8x128xf32, #tpu.memory_space<vmem>>, vector<8x128xf32>,
    %mul3A_107 = arith.mulf %mul3A_97, %mul3A_97 : vector<1024x128xf32>
    %reduce_sum3A_108 = arith.constant dense<0.000000e+00> : vector<128xf32>
    %reduce_sum3A_109 = vector.multi_reduction <add>, %mul3A_107, %reduce_sum3A_108 [0] : vector<1024x128xf32> to vector<128xf32>
    %broadcast_in_dim3A_110 = vector.shape_cast %reduce_sum3A_109 : vector<128xf32> to vector<1x128xf32>
    %jit3A_111 = arith.constant 0 : i32
    %convert_element_type3A_112 = arith.sitofp %jit3A_111 : i32 to f32
    %pad3A_113 = vector.broadcast %convert_element_type3A_112 : f32 to vector<7x128xf32>
    %pad3A_114 = tpu.concatenate %broadcast_in_dim3A_110, %pad3A_113 in 0 : vector<1x128xf32>, vector<7x128xf32> -> vector<8x128xf32>
    %swap3A_115 = arith.constant 0 : index
    %swap3A_116 = arith.constant 0 : index
    %swap3A_117 = vector.load %arg8[%swap3A_115, %swap3A_116] : memref<8x128xf32, #tpu.memory_space<vmem>>, vector<8x128xf32>
    tpu.vector_store %arg8[%swap3A_115, %swap3A_116], %pad3A_114 {strides = array<i32>} : memref<8x128xf32, #tpu.memory_space<vmem>>, vector<8x128xf32>,
    return
  }
  func.func @transform_0(%arg0: i32) -> (i32, i32, i32) {
    %c0_i32 = arith.constant 0 : i32
    %c0_i32_0 = arith.constant 0 : i32
    %c0_i32_1 = arith.constant 0 : i32
    return %c0_i32, %arg0, %c0_i32_0 : i32, i32, i32
  }
  func.func @transform_1(%arg0: i32) -> (i32, i32, i32) {
    %c0_i32 = arith.constant 0 : i32
    %c0_i32_0 = arith.constant 0 : i32
    %c0_i32_1 = arith.constant 0 : i32
    return %c0_i32, %arg0, %c0_i32_0 : i32, i32, i32
  }
  func.func @transform_2(%arg0: i32) -> (i32, i32, i32) {
    %c0_i32 = arith.constant 0 : i32
    %c0_i32_0 = arith.constant 0 : i32
    %c0_i32_1 = arith.constant 0 : i32
    return %c0_i32, %arg0, %c0_i32_0 : i32, i32, i32
  }
  func.func @transform_3(%arg0: i32) -> (i32, i32, i32) {
    %c0_i32 = arith.constant 0 : i32
    %c0_i32_0 = arith.constant 0 : i32
    %c0_i32_1 = arith.constant 0 : i32
    %c0_i32_2 = arith.constant 0 : i32
    return %c0_i32, %c0_i32_0, %c0_i32_1 : i32, i32, i32
  }
  func.func @transform_4(%arg0: i32) -> (i32, i32) {
    %c0_i32 = arith.constant 0 : i32
    %c0_i32_0 = arith.constant 0 : i32
    %c0_i32_1 = arith.constant 0 : i32
    return %c0_i32, %c0_i32_0 : i32, i32
  }
  func.func @transform_5(%arg0: i32) -> (i32, i32) {
    %c0_i32 = arith.constant 0 : i32
    %c0_i32_0 = arith.constant 0 : i32
    return %arg0, %c0_i32 : i32, i32
  }
  func.func @transform_6(%arg0: i32) -> (i32, i32) {
    %c0_i32 = arith.constant 0 : i32
    %c0_i32_0 = arith.constant 0 : i32
    return %arg0, %c0_i32 : i32, i32
  }
  func.func @transform_7(%arg0: i32) -> (i32, i32) {
    %c0_i32 = arith.constant 0 : i32
    %c0_i32_0 = arith.constant 0 : i32
    return %arg0, %c0_i32 : i32, i32
  }
}

module attributes {stable_mosaic.version = 14 : i64} {
  func.func @_bn_body(%arg0: i32, %arg1: memref<1024x128xf32, #tpu.memory_space<vmem>>, %arg2: memref<80x128xf32, #tpu.memory_space<vmem>>, %arg3: memref<80x128xf32, #tpu.memory_space<vmem>>, %arg4: memref<1x128xf32, #tpu.memory_space<vmem>>, %arg5: memref<1x128xf32, #tpu.memory_space<vmem>>, %arg6: memref<1024x128xf32, #tpu.memory_space<vmem>>) attributes {dimension_semantics = [#tpu.dimension_semantics<arbitrary>], iteration_bounds = array<i64: 10>, scalar_prefetch = 0 : i64, scratch_operands = 0 : i64, tpu.core_type = #tpu.core_type<tc>, window_params = [{transform_indices = @transform_0, window_bounds = array<i64: 1024, 128>}, {pipeline_mode = #tpu.pipeline_mode<synchronous>, transform_indices = @transform_1, window_bounds = array<i64: 80, 128>}, {pipeline_mode = #tpu.pipeline_mode<synchronous>, transform_indices = @transform_2, window_bounds = array<i64: 80, 128>}, {pipeline_mode = #tpu.pipeline_mode<synchronous>, transform_indices = @transform_3, window_bounds = array<i64: 1, 128>}, {pipeline_mode = #tpu.pipeline_mode<synchronous>, transform_indices = @transform_4, window_bounds = array<i64: 1, 128>}, {transform_indices = @transform_5, window_bounds = array<i64: 1024, 128>}]} {
    %get3A = arith.constant 0 : index
    %get3A_0 = arith.constant 0 : index
    %get3A_1 = vector.load %arg2[%get3A, %get3A_0] : memref<80x128xf32, #tpu.memory_space<vmem>>, vector<80x128xf32>
    %reduce_sum3A = arith.constant dense<0.000000e+00> : vector<128xf32>
    %reduce_sum3A_2 = vector.multi_reduction <add>, %get3A_1, %reduce_sum3A [0] : vector<80x128xf32> to vector<128xf32>
    %broadcast_in_dim3A = vector.shape_cast %reduce_sum3A_2 : vector<128xf32> to vector<1x128xf32>
    %div3A = arith.constant 1.000000e+04 : f32
    %div3A_3 = vector.broadcast %div3A : f32 to vector<1x128xf32>
    %div3A_4 = arith.divf %broadcast_in_dim3A, %div3A_3 : vector<1x128xf32>
    %get3A_5 = arith.constant 0 : index
    %get3A_6 = arith.constant 0 : index
    %get3A_7 = vector.load %arg3[%get3A_5, %get3A_6] : memref<80x128xf32, #tpu.memory_space<vmem>>, vector<80x128xf32>
    %reduce_sum3A_8 = arith.constant dense<0.000000e+00> : vector<128xf32>
    %reduce_sum3A_9 = vector.multi_reduction <add>, %get3A_7, %reduce_sum3A_8 [0] : vector<80x128xf32> to vector<128xf32>
    %broadcast_in_dim3A_10 = vector.shape_cast %reduce_sum3A_9 : vector<128xf32> to vector<1x128xf32>
    %div3A_11 = arith.constant 1.000000e+04 : f32
    %div3A_12 = vector.broadcast %div3A_11 : f32 to vector<1x128xf32>
    %div3A_13 = arith.divf %broadcast_in_dim3A_10, %div3A_12 : vector<1x128xf32>
    %mul3A = arith.mulf %div3A_4, %div3A_4 : vector<1x128xf32>
    %sub3A = arith.subf %div3A_13, %mul3A : vector<1x128xf32>
    %get3A_14 = arith.constant 0 : index
    %get3A_15 = arith.constant 0 : index
    %get3A_16 = vector.load %arg4[%get3A_14, %get3A_15] : memref<1x128xf32, #tpu.memory_space<vmem>>, vector<1x128xf32>
    %get3A_17 = arith.constant 0 : index
    %get3A_18 = arith.constant 0 : index
    %get3A_19 = vector.load %arg1[%get3A_17, %get3A_18] : memref<1024x128xf32, #tpu.memory_space<vmem>>, vector<1024x128xf32>
    %sub3A_20 = vector.broadcast %div3A_4 : vector<1x128xf32> to vector<1024x128xf32>
    %sub3A_21 = arith.subf %get3A_19, %sub3A_20 : vector<1024x128xf32>
    %mul3A_22 = vector.broadcast %get3A_16 : vector<1x128xf32> to vector<1024x128xf32>
    %mul3A_23 = arith.mulf %mul3A_22, %sub3A_21 : vector<1024x128xf32>
    %add3A = arith.constant 9.99999974E-6 : f32
    %add3A_24 = vector.broadcast %add3A : f32 to vector<1x128xf32>
    %add3A_25 = arith.addf %sub3A, %add3A_24 : vector<1x128xf32>
    %rsqrt3A = math.rsqrt %add3A_25 : vector<1x128xf32>
    %mul3A_26 = vector.broadcast %rsqrt3A : vector<1x128xf32> to vector<1024x128xf32>
    %mul3A_27 = arith.mulf %mul3A_23, %mul3A_26 : vector<1024x128xf32>
    %get3A_28 = arith.constant 0 : index
    %get3A_29 = arith.constant 0 : index
    %get3A_30 = vector.load %arg5[%get3A_28, %get3A_29] : memref<1x128xf32, #tpu.memory_space<vmem>>, vector<1x128xf32>
    %add3A_31 = vector.broadcast %get3A_30 : vector<1x128xf32> to vector<1024x128xf32>
    %add3A_32 = arith.addf %mul3A_27, %add3A_31 : vector<1024x128xf32>
    %ge3A = arith.constant 0.000000e+00 : f32
    %ge3A_33 = vector.broadcast %ge3A : f32 to vector<1024x128xf32>
    %ge3A_34 = arith.cmpf oge, %add3A_32, %ge3A_33 : vector<1024x128xf32>
    %mul3A_35 = arith.constant 2.000000e-01 : f32
    %mul3A_36 = vector.broadcast %mul3A_35 : f32 to vector<1024x128xf32>
    %mul3A_37 = arith.mulf %mul3A_36, %add3A_32 : vector<1024x128xf32>
    %select_n3A = arith.select %ge3A_34, %add3A_32, %mul3A_37 : vector<1024x128xi1>, vector<1024x128xf32>
    %swap3A = arith.constant 0 : index
    %swap3A_38 = arith.constant 0 : index
    %swap3A_39 = vector.load %arg6[%swap3A, %swap3A_38] : memref<1024x128xf32, #tpu.memory_space<vmem>>, vector<1024x128xf32>
    tpu.vector_store %arg6[%swap3A, %swap3A_38], %select_n3A {strides = array<i32>} : memref<1024x128xf32, #tpu.memory_space<vmem>>, vector<1024x128xf32>,
    return
  }
  func.func @transform_0(%arg0: i32) -> (i32, i32) {
    %c0_i32 = arith.constant 0 : i32
    %c0_i32_0 = arith.constant 0 : i32
    return %arg0, %c0_i32 : i32, i32
  }
  func.func @transform_1(%arg0: i32) -> (i32, i32) {
    %c0_i32 = arith.constant 0 : i32
    %c0_i32_0 = arith.constant 0 : i32
    %c0_i32_1 = arith.constant 0 : i32
    return %c0_i32, %c0_i32_0 : i32, i32
  }
  func.func @transform_2(%arg0: i32) -> (i32, i32) {
    %c0_i32 = arith.constant 0 : i32
    %c0_i32_0 = arith.constant 0 : i32
    %c0_i32_1 = arith.constant 0 : i32
    return %c0_i32, %c0_i32_0 : i32, i32
  }
  func.func @transform_3(%arg0: i32) -> (i32, i32) {
    %c0_i32 = arith.constant 0 : i32
    %c0_i32_0 = arith.constant 0 : i32
    %c0_i32_1 = arith.constant 0 : i32
    return %c0_i32, %c0_i32_0 : i32, i32
  }
  func.func @transform_4(%arg0: i32) -> (i32, i32) {
    %c0_i32 = arith.constant 0 : i32
    %c0_i32_0 = arith.constant 0 : i32
    %c0_i32_1 = arith.constant 0 : i32
    return %c0_i32, %c0_i32_0 : i32, i32
  }
  func.func @transform_5(%arg0: i32) -> (i32, i32) {
    %c0_i32 = arith.constant 0 : i32
    %c0_i32_0 = arith.constant 0 : i32
    return %arg0, %c0_i32 : i32, i32
  }
}

</mosaic_0001>

<sc_bundles>
// kernel: kernel.6.cloned.1.call-start
scs
__scs_entry_jumppad:
0x0: {  	(pc) =	sbr.rel $0x88, $3  }
0x1: {  	(tag) =	ssettag $0x0;
	lr =	simm.s32 $0x1  }
0x2: {  	[smem:$0x3F9A] =	sst lr;
	_ =	strace $0xD0000000  }
0x3: {  	_ = 	snop  }
0x4: {  	_ = 	snop  }
0x5: {  	_ = 	snop  }
0x6: {  	_ = 	snop  }
0x7: {  	_ = 	snop  }
__scs_overlays_trampoline_lowered:
0x8: {  	[smem:$0x3FA9] =	sst s0  }
0x9: {  	[smem:$0x3FAA] =	sst s1  }
0xa: {  	[smem:$0x3FAB] =	sst s2  }
0xb: {  	[smem:$0x3FAC] =	sst s3  }
0xc: {  	[smem:$0x3FAD] =	sst s4  }
0xd: {  	[smem:$0x3FAE] =	sst s5  }
0xe: {  	[smem:$0x3FAF] =	sst s6  }
0xf: {  	[smem:$0x3FB0] =	sst s7  }
0x10: {  	[smem:$0x3FB1] =	sst s8  }
0x11: {  	[smem:$0x3FB2] =	sst s9;
	s0 =	simm.s32 @!p0 $0x0  }
0x12: {  	s1 =	sld [smem:$0x3F98];
	s0 =	simm.s32 @p0 $0x1  }
0x13: {  	[smem:$0x3FB3] =	sst s0;
	s0 =	simm.s32 @!p1 $0x0  }
0x14: {  	s2 =	sld [smem:$0x3F97];
	s0 =	simm.s32 @p1 $0x1  }
0x15: {  	[smem:$0x3FB4] =	sst s0;
	s0 =	simm.s32 @!p2 $0x0  }
0x16: {  	s3 =	sld [smem:$0x3FDB];
	s0 =	simm.s32 @p2 $0x1  }
0x17: {  	s4 =	simm.s32 $0x1BF5;
	[smem:$0x3FB6] =	sst s0  }
0x18: {  	s0 =	sld [smem:$0x3F99];
	_ =	swait.ge [sflag:s4], $0x0  }
0x19: {  	s7 =	sld [smem:$0x3F9A]  }
0x1a: {  	s8 =	sadd.s32 $0xFFFFE003, lr  }
0x1b: {  	s9 =	sadd.s32 $0xFFFFFEF7, lr;
	s5 =	simm.s32 $0xFFFFFFFF;
	p2 =	slt.u32 s8, $0xFFFFF086  }
0x1c: {  	p1 =	slt.u32 s9, $0xF7A;
	s5 =	simm.s32 @!p2 $0x0  }
0x1d: {  	s5 =	simm.s32 @p1 $0x1;
	p0 =	seq.s32 s7, s2  }
0x1e: {  	s7 =	smul.u32 @!p0 $0xF7A, s2;
	p2 =	seq.s32 @!p0 s5, $0x0  }
0x1f: {  	s9 =	smul.u32 $0xF7A, s1;
	s8 =	simm.s32 @!p0 $0x1BF5;
	p2 =	por !p2, p0  }
0x20: {  	[sflag:s8] =	ssyncset.s32 @!p0 $0xFFFFF086;
	s6 =	sadd.s32 @!p0 s3, s7;
	s7 =	simm.s32 @!p0 $0x108  }
0x21: {  	s3 =	sadd.s32 s3, s9;
	s6 =	sadd.s32 @!p0 $0x88, s6;
	s7 =	simm.s32 @p2 $0x1082  }
0x22: {  	[simem:s7], [sflag:s8] =	dma.local @!p0 [hbm:s6], $0xF7A  }
0x23: {  	s9 =	sor.u32 $0xD0000000, s2;
	s6 =	simm.s32 $0x108;
	_ =	swait.ge @!p0 [sflag:s8], $0x0  }
0x24: {  	s3 =	sadd.s32 $0x88, s3;
	s6 =	simm.s32 @!p1 $0x1082;
	[sflag:s4] =	ssyncset.s32 $0xFFFFF086  }
0x25: {  	[simem:s6], [sflag:s4] =	dma.local [hbm:s3], $0xF7A  }
0x26: {  	[smem:$0x3F9A] =	sst s1;
	(tag) =	ssettag s2;
	_ =	strace s9  }
0x27: {  	s1 =	sld [smem:$0x3FAA]  }
0x28: {  	s2 =	sld [smem:$0x3FAB]  }
0x29: {  	s4 =	sld [smem:$0x3FAD]  }
0x2a: {  	p0 =	seq.s32 s5, $0x0;
	s5 =	sld [smem:$0x3FAE]  }
0x2b: {  	s6 =	sld [smem:$0x3FAF]  }
0x2c: {  	s7 =	sld [smem:$0x3FB0]  }
0x2d: {  	s3 =	simm.s32 $0x108;
	s8 =	sld [smem:$0x3FB1]  }
0x2e: {  	s3 =	simm.s32 @!p0 $0x1082;
	s9 =	sld [smem:$0x3FB2]  }
0x2f: {  	lr =	sadd.s32 s0, s3;
	s0 =	sld [smem:$0x3FA9]  }
0x30: {  	s3 =	sld [smem:$0x3FAC]  }
0x31: {  	[smem:$0x3FB5] =	sst s10  }
0x32: {  	s10 =	sld [smem:$0x3FB3];
	_ =	sdelay $0x3  }
0x33: {  	p0 =	seq.s32 s10, $0x1;
	s10 =	sld [smem:$0x3FB5];
	_ =	sdelay $0x3  }
0x34: {  	[smem:$0x3FB5] =	sst s10  }
0x35: {  	s10 =	sld [smem:$0x3FB4];
	_ =	sdelay $0x3  }
0x36: {  	p1 =	seq.s32 s10, $0x1;
	s10 =	sld [smem:$0x3FB5];
	_ =	sdelay $0x3  }
0x37: {  	[smem:$0x3FB5] =	sst s10  }
0x38: {  	s10 =	sld [smem:$0x3FB6]  }
0x39: {  	_ = 	snop;
	(pc) =	sbr.ind lr, $3  }
0x3a: {  	_ = 	snop  }
0x3b: {  	_ = 	snop  }
0x3c: {  	p2 =	seq.s32 s10, $0x1;
	s10 =	sld [smem:$0x3FB5]  }
0x3d: {  	_ =	shalt  }
0x3e: {  	_ =	shalt  }
0x3f: {  	_ =	shalt  }
0x40: {  	_ =	shalt  }
0x41: {  	_ =	shalt  }
0x42: {  	_ =	shalt  }
0x43: {  	_ =	shalt  }
0x44: {  	_ =	shalt  }
0x45: {  	_ =	shalt  }
0x46: {  	_ =	shalt  }
0x47: {  	_ =	shalt  }
0x48: {  	_ =	shalt  }
0x49: {  	_ =	shalt  }
0x4a: {  	_ =	shalt  }
0x4b: {  	_ =	shalt  }
0x4c: {  	_ =	shalt  }
0x4d: {  	_ =	shalt  }
0x4e: {  	_ =	shalt  }
0x4f: {  	_ =	shalt  }
0x50: {  	_ =	shalt  }
0x51: {  	_ =	shalt  }
0x52: {  	_ =	shalt  }
0x53: {  	_ =	shalt  }
0x54: {  	_ =	shalt  }
0x55: {  	_ =	shalt  }
0x56: {  	_ =	shalt  }
0x57: {  	_ =	shalt  }
0x58: {  	_ =	shalt  }
0x59: {  	_ =	shalt  }
0x5a: {  	_ =	shalt  }
0x5b: {  	_ =	shalt  }
0x5c: {  	_ =	shalt  }
0x5d: {  	_ =	shalt  }
0x5e: {  	_ =	shalt  }
0x5f: {  	_ =	shalt  }
0x60: {  	_ =	shalt  }
0x61: {  	_ =	shalt  }
0x62: {  	_ =	shalt  }
0x63: {  	_ =	shalt  }
0x64: {  	_ =	shalt  }
0x65: {  	_ =	shalt  }
0x66: {  	_ =	shalt  }
0x67: {  	_ =	shalt  }
0x68: {  	_ =	shalt  }
0x69: {  	_ =	shalt  }
0x6a: {  	_ =	shalt  }
0x6b: {  	_ =	shalt  }
0x6c: {  	_ =	shalt  }
0x6d: {  	_ =	shalt  }
0x6e: {  	_ =	shalt  }
0x6f: {  	_ =	shalt  }
0x70: {  	_ =	shalt  }
0x71: {  	_ =	shalt  }
0x72: {  	_ =	shalt  }
0x73: {  	_ =	shalt  }
0x74: {  	_ =	shalt  }
0x75: {  	_ =	shalt  }
0x76: {  	_ =	shalt  }
0x77: {  	_ =	shalt  }
0x78: {  	_ =	shalt  }
0x79: {  	_ =	shalt  }
0x7a: {  	_ =	shalt  }
0x7b: {  	_ =	shalt  }
0x7c: {  	_ =	shalt  }
0x7d: {  	_ =	shalt  }
0x7e: {  	_ =	shalt  }
0x7f: {  	_ =	shalt  }
0x80: {  	_ =	shalt  }
0x81: {  	_ =	shalt  }
0x82: {  	_ =	shalt  }
0x83: {  	_ =	shalt  }
0x84: {  	_ =	shalt  }
0x85: {  	_ =	shalt  }
0x86: {  	_ =	shalt  }
0x87: {  	_ =	shalt  }
.Lfunc_end0:
.L_simem_size_0:
called_computation_lowered:
.L_overlay_start_0:
0x88: {  	s2 =	sld [smem:$0x3FD9]  }
0x89: {  	s3 =	sld [smem:$0x3FFE];
	_ =	sdelay $0x1  }
0x8a: {  	s1 =	srdreg.scid  }
0x8b: {  	s0 =	sand.u32 $0x1, s1  }
0x8c: {  	s17 =	sshll.u32 s0, $0xA;
	s2 =	sadd.s32 s3, s2  }
0x8d: {  	s2 =	sadd.s32 s2, s17  }
0x8e: {  	[smem:$0x3FC1] =	sst s2  }
0x8f: {  	_ = 	snop  }
0x90: {  	s2 =	sld [smem:$0x3FC5]  }
0x91: {  	s18 =	sld [smem:$0x3FD0];
	(tm) =	ssettm $0x1  }
0x92: {  	s4 =	sld [smem:$0x3FFB];
	_ =	sdelay $0x3  }
0x93: {  	_ =	strace s4  }
0x94: {  	s4 =	sld [smem:$0x3FFC];
	_ =	sdelay $0x3  }
0x95: {  	_ =	strace s4  }
0x96: {  	s4 =	sld [smem:$0x3FFD];
	_ =	sdelay $0x3  }
0x97: {  	_ =	strace s4  }
0x98: {  	_ =	strace $0x8FFFFFFF  }
0x99: {  	s19 =	sld [smem:$0x3FDB];
	_ =	sdelay $0x1  }
0x9a: {  	s5 =	simm.s32 $_scs_section_size  }
0x9b: {  	s6 =	simm.s32 $_size__tile_overlayer_lowered;
	s7 =	simm.s32 $_tile_overlayer_lowered  }
0x9c: {  	s22 =	simm.s32 $0x1BFF;
	s21 =	sshll.u32 s7, $0x1;
	s4 =	sadd.s32 s5, s19  }
0x9d: {  	s8 =	simm.s32 $0x0;
	s20 =	sshll.u32 s6, $0x1;
	s6 =	sadd.s32 s21, s4  }
0x9e: {  	[timem:s8], [sflag:s22] =	dma.local [hbm:s6], s20  }
0x9f: {  	_ =	swait.ge [sflag:s22], s20  }
0xa0: {  	s5 =	ssub.s32 $0x0, s20;
	[sflag:s22] =	ssyncset.done $0x0  }
0xa1: {  	[sflag:s22] =	ssyncadd.s32 s5;
	_ =	sdelay $0x1  }
0xa2: {  	s23 =	simm.s32 $0x1B8B  }
0xa3: {  	_ =	swait.ge [sflag:s23], $0x1  }
0xa4: {  	[sflag:s23] =	ssyncset.done $0x0  }
0xa5: {  	s25 =	simm.s32 $0x1B8E;
	s24 =	sld [smem:$0x3FFE];
	[sflag:s23] =	ssyncadd.s32 $0xFFFFFFFF  }
0xa6: {  	s26 =	simm.s32 $execute0_lowered;
	[smem:$0x3FD2] =	sst s25  }
0xa7: {  	s6 =	sshll.u32 s26, $0x1;
	_ =	strace $0x80000046;
	[dreg:$0x1] =	wrdreg $0xFFFFFFFF  }
0xa8: {  	s28 =	simm.s32 $_size_execute0_lowered;
	s4 =	sadd.s32 s4, s6;
	[dreg:$0x0] =	wrdreg $0x0  }
0xa9: {  	s6 =	sshll.u32 s28, $0x1;
	[dreg:$0x2] =	wrdreg s4  }
0xaa: {  	[dreg:$0x3] =	wrdreg s6  }
0xab: {  	[dreg:$0x4] =	wrdreg $0xC0  }
0xac: {  	_ =	task [dreg:s8], $0x5FFFF  }
0xad: {  	[dreg:$0x1] =	wrdreg $0xFFFFFFFF  }
0xae: {  	[dreg:$0x0] =	wrdreg $0x60  }
0xaf: {  	[dreg:$0x2] =	wrdreg s24  }
0xb0: {  	[dreg:$0x3] =	wrdreg s2  }
0xb1: {  	[dreg:$0x4] =	wrdreg s18  }
0xb2: {  	[dreg:$0x5] =	wrdreg $0xBB000  }
0xb3: {  	[dreg:$0x6] =	wrdreg $0x9  }
0xb4: {  	_ =	task.clear_ibuf [dreg:s8], $0x7FFFF;
	_ =	strace $0x90000046  }
0xb5: {  	s29 =	simm.s32 $0x9;
	_ =	strace $0x80000048  }
0xb6: {  	_ =	swait.ge [sflag:s29], $0x1  }
0xb7: {  	[sflag:s29] =	ssyncadd.s32 $0xFFFFFFFF  }
0xb8: {  	_ =	strace $0x90000048  }
0xb9: {  	_ =	sfence  }
0xba: {  	s30 =	sld [smem:$0x0];
	_ =	sdelay $0x2  }
0xbb: {  	s31 =	sshll.u32 s1, $0xD;
	s1 =	sshrl.u32 s1, $0x2  }
0xbc: {  	s3 =	sand.u32 $0x4000, s31;
	s1 =	sadd.s32 s1, s30  }
0xbd: {  	s0 =	sor.u32 s3, s0;
	s1 =	sshll.u32 s1, $0x11  }
0xbe: {  	s0 =	sor.u32 s1, s0  }
0xbf: {  	s0 =	sadd.s32 $0x8F2B, s0  }
0xc0: {  	[sflag:s0] =	ssyncadd.remote.s32 $0x1  }
0xc1: {  	_ =	sfence.sel $0xFFFF  }
0xc2: {  	[dreg:$0x0] =	wrdreg $0xFFFFFFFF;
	(pc) =	sbr.abs _section_cstart, $3  }
0xc3: {  	[dreg:$0x1] =	wrdreg $0xFFFFFFFF  }
0xc4: {  	_ =	task.clear_ibuf [dreg:s8], $0x2FFFF;
	_ =	strace $0x9FFFFFFF  }
0xc5: {  	(tm) =	ssettm $0x7FFFFFFF  }
tec
execute0_lowered:
.L_overlay_start_1:
0x0: {  	(tag) =	ssettag $0x1  }
0x1: {  	s0 =	rddreg [dreg:$0x0]  }
0x2: {  	s1 =	rddreg [dreg:$0x1]  }
0x3: {  	s9 =	rddreg [dreg:$0x2]  }
0x4: {  	s3 =	rddreg [dreg:$0x3]  }
0x5: {  	s4 =	srdreg.scid;
	s2 =	stileid.u32  }
0x6: {  	s5 =	simm.s32 $0x0;
	s11 =	sand.u32 $0x1, s4;
	s29 =	smul.u32 $0x14000, s2  }
0x7: {  	[smem:$0x7FF] =	sst s5;
	s8 =	sadd.s32 $0x7A400, s0;
	s13 =	smul.u32 $0x50000, s2  }
0x8: {  	s31 =	sadd.s32 $0x2A400, s0;
	_ =	strace $0x80000047;
	[dreg:$0x7] =	wrdreg s8  }
0x9: {  	s6 =	sadd.s32 $0x2400, s0;
	s15 =	smul.u32 $0x5000, s2;
	[dreg:$0x8] =	wrdreg s31  }
0xa: {  	s7 =	smul.u32 $0x140000, s11;
	[dreg:$0x6] =	wrdreg s6  }
0xb: {  	s8 =	sshll.u32 s11, $0x4;
	s13 =	sshrl.u32 s13, $0x2;
	[dreg:$0x9] =	wrdreg s15  }
0xc: {  	s1 =	sadd.s32 s1, s8;
	[dreg:$0x5] =	wrdreg s29;
	s26 =	sshrl.u32 s29, $0x3  }
0xd: {  	s7 =	sadd.s32 s29, s7;
	[dreg:$0xa] =	wrdreg s1;
	s29 =	sadd.s32 s6, s26  }
0xe: {  	s3 =	sadd.s32 s13, s3;
	[dreg:$0x15] =	wrdreg s29  }
0xf: {  	s21 =	smul.u32 $0x2800, s2;
	s16 =	sadd.s32 $0x2000, s3;
	[dreg:$0xb] =	wrdreg s3  }
0x10: {  	s30 =	ssub.s32 $0x2, s11;
	s17 =	sadd.s32 $0x4000, s3;
	[dreg:$0xc] =	wrdreg s16  }
0x11: {  	s14 =	smul.u32 $0x2800, s11;
	s19 =	sadd.s32 $0x6000, s3;
	[dreg:$0xd] =	wrdreg s17  }
0x12: {  	s18 =	smul.u32 $0x28000, s11;
	s20 =	sadd.s32 $0x8000, s3;
	[dreg:$0xe] =	wrdreg s19  }
0x13: {  	s12 =	sshrl.u32 s30, $0x1;
	s22 =	sadd.s32 $0xA000, s3;
	[dreg:$0xf] =	wrdreg s20  }
0x14: {  	s12 =	ssub.s32 s30, s12;
	s23 =	sadd.s32 $0xC000, s3;
	[dreg:$0x10] =	wrdreg s22  }
0x15: {  	s1 =	sadd.s32 s21, s18;
	s24 =	sadd.s32 $0xE000, s3;
	[dreg:$0x11] =	wrdreg s23  }
0x16: {  	v1 =	vimm.s32 $0xECA86420;
	v3 =	vlaneseq.u32;
	vm0 =	vmmov $0xff;
	s10 =	sshrl.u32 s7, $0x3;
	s25 =	sadd.s32 $0x10000, s3;
	[dreg:$0x12] =	wrdreg s24  }
.Ltmp0:
0x17: {  	v4 =	vimm.s32 $0x0;
	vm1 =	vcmask $0xB08;
	vm2 =	vcmask $0x1310;
	s28 =	sadd.s32 $0x12000, s3;
	[dreg:$0x13] =	wrdreg s25;
	(pc) =	sbr.rel .LBB2_1-.Ltmp0, $4  }
0x18: {  	vm7 =	vcmask $0x3330;
	vm15 =	vcmask $0x2724;
	vm11 =	vcmask $0x2F2C;
	s1 =	sshrl.u32 s1, $0x3;
	s31 =	smax.u32 s12, $0x1;
	[dreg:$0x14] =	wrdreg s28  }
0x19: {  	vm6 =	vcmask $0x3B38;
	v2 =	vunpack.c.l.s4.s8 v1;
	v1 =	vimm.f32 $0.0e+00;
	s0 =	sadd.s32 s10, s0;
	s30 =	sadd.s32 s9, s1;
	[dreg:$0x18] =	wrdreg s31  }
0x1a: {  	v3 =	vmul.u32 $0x2, v3;
	v4 =	vsel vm0, $0xFFFFFFFF, v4;
	vm0 =	vcmask $0x1B18;
	s0 =	sadd.s32 $0xCA400, s0;
	[dreg:$0x17] =	wrdreg s30  }
0x1b: {  	[tilespmem:$0x1FFF0] =	vst v4;
	v4 =	vimm.s32 $0x0;
	v2 =	vunpack.c.0.s8.s32 v2;
	v0 =	vmov s14;
	s25 =	simm.s32 $0x3;
	[dreg:$0x16] =	wrdreg s0;
	s0 =	simm.s32 $0x0  }
.LBB2_14:
0x1c: {  	s1 =	stileid.u32;
	[bflag:$0x0] =	sbarrier.arrive $0xFFFF  }
0x1d: {  	s1 =	sshll.u32 s1, $0x6;
	s3 =	rddreg [dreg:$0xb]  }
0x1e: {  	s4 =	rddreg [dreg:$0x16];
	s1 =	sor.u32 $0x1C03, s1;
	s2 =	sshrl.u32 s3, $0x3  }
0x1f: {  	[hbm:s4], [sflag:s1] =	dma.local [spmem:s2], $0x2800  }
0x20: {  	_ =	swait.ge [sflag:s25], $0x2800  }
0x21: {  	[sflag:s25] =	ssyncset.done $0x0  }
0x22: {  	s5 =	simm.s32 $0x0;
	s30 =	rddreg [dreg:$0x17];
	[sflag:s25] =	ssyncadd.s32 $0xFFFFD800  }
0x23: {  	[hbm4b:s30+s5] =	stream.linear.scatter [tilespmem:s6], [sflag:$0x3], $0x2800, $0x38;
	[tilespmem:$0x1FB00] =	vst v63  }
0x24: {  	_ =	swait.ge [sflag:s25], $0x2800  }
0x25: {  	s0 =	rddreg [dreg:$0x19]  }
0x26: {  	s31 =	rddreg [dreg:$0x18];
	s0 =	sadd.s32 $0x1, s0  }
0x27: {  	p0 =	sne.s32 s0, s31  }
.Ltmp1:
0x28: {  	_ = 	snop;
	(pc) =	sbr.rel @!p0 .LBB2_15-.Ltmp1, $3  }
0x29: {  	_ =	sdelay $0x1  }
0x2a: {  	[sflag:s25] =	ssyncset.done $0x0  }
0x2b: {  	[sflag:s25] =	ssyncadd.s32 $0xFFFFD800  }
.LBB2_1:
0x2c: {  	s9 =	smul.u32 $0xCCCD, s5;
	s1 =	rddreg [dreg:$0xa];
	s2 =	simm.s32 $0x9280  }
0x2d: {  	[tilespmem:s2], [sflag:$0x3] =	stream.linear.gather [hbm4b:s1+s5], $0x80, $0x38;
	[tilespmem:$0x1FB00] =	vst v63  }
0x2e: {  	s30 =	sshrl.u32 s9, $0x16  }
0x2f: {  	s1 =	simm.s32 $0x1;
	_ =	swait.ge [sflag:s25], $0x80;
	s11 =	smul.u32 $0x50, s30  }
0x30: {  	s13 =	sshrl.u32 s9, $0x19;
	s31 =	sshrl.u32 s9, $0xF;
	s9 =	smul.u32 $0xCCCD, s1  }
0x31: {  	[sflag:s25] =	ssyncset.done $0x0;
	s15 =	smul.u32 $0xA000, s13;
	s12 =	ssub.s32 $0x0, s11  }
0x32: {  	s13 =	sand.u32 $0x380, s31;
	[sflag:s25] =	ssyncadd.s32 $0xFFFFFF80;
	s14 =	sshll.u32 s12, $0x7  }
0x33: {  	s11 =	simm.s32 $0x2;
	s15 =	sshrl.u32 s15, $0x2;
	s14 =	sand.u32 $0x3C00, s14  }
.LBB2_2:
0x34: {  	p0 =	sne.s32 s11, $0x27F  }
0x35: {  	s12 =	sshll.u32 s12, $0x4;
	s14 =	sadd.s32 s14, s15;
	s15 =	sshrl.u32 s9, $0x16  }
0x36: {  	s12 =	sand.u32 $0x70, s12;
	s13 =	sor.u32 s13, s14;
	s14 =	smul.u32 $0x50, s15  }
.Ltmp2:
0x37: {  	s12 =	sor.u32 s12, s13;
	(pc) =	sbr.rel @p0 .LBB2_2-.Ltmp2, $4  }
0x38: {  	s13 =	sshrl.u32 s9, $0x19;
	[tilespmem:s12+$0x9300] =	vst v1;
	s12 =	smov.u32 s1;
	s1 =	smov.u32 s11  }
0x39: {  	s15 =	smul.u32 $0xA000, s13;
	s12 =	ssub.s32 s12, s14;
	s14 =	sshrl.u32 s9, $0xF  }
0x3a: {  	s9 =	smul.u32 $0xCCCD, s11;
	s16 =	sshll.u32 s12, $0x7;
	s13 =	sand.u32 $0x380, s14  }
0x3b: {  	s11 =	sadd.s32 $0x1, s11;
	s15 =	sshrl.u32 s15, $0x2;
	s14 =	sand.u32 $0x3C00, s16  }
0x3c: {  	s11 =	sshrl.u32 s9, $0x16  }
0x3d: {  	s14 =	sadd.s32 s14, s15;
	s11 =	smul.u32 $0x50, s11  }
0x3e: {  	s12 =	sshll.u32 s12, $0x4;
	s22 =	sshrl.u32 s9, $0x19;
	s24 =	sshrl.u32 s9, $0xF  }
0x3f: {  	s13 =	sor.u32 s13, s14;
	s23 =	smul.u32 $0xA000, s22;
	s1 =	ssub.s32 s1, s11  }
0x40: {  	s12 =	sand.u32 $0x70, s12;
	s9 =	sand.u32 $0x380, s24;
	s26 =	sshll.u32 s1, $0x7  }
0x41: {  	s12 =	sor.u32 s12, s13;
	s11 =	sshrl.u32 s23, $0x2;
	s13 =	sand.u32 $0x3C00, s26  }
0x42: {  	s28 =	sshll.u32 s1, $0x4;
	s1 =	simm.s32 $0x0;
	s11 =	sadd.s32 s13, s11  }
0x43: {  	s29 =	sand.u32 $0x70, s28;
	s30 =	sand.u32 $0x7E00, s1;
	s9 =	sor.u32 s9, s11  }
0x44: {  	[tilespmem:s12+$0x9300] =	vst v1;
	s31 =	sand.u32 $0x70, s1;
	s11 =	sshrl.u32 s30, $0x2;
	s9 =	sor.u32 s29, s9  }
0x45: {  	[dreg:$0x19] =	wrdreg s0;
	s11 =	sor.u32 s31, s11;
	[tilespmem:s9+$0x9300] =	vst v1;
	s9 =	simm.s32 $0x40  }
.LBB2_4:
0x46: {  	p0 =	sne.s32 s9, $0x7FC0  }
0x47: {  	[tilespmem:s11+$0x1200] =	vst v1;
	s1 =	sadd.s32 $0x10, s1;
	s11 =	smov.u32 s9;
	s9 =	sadd.s32 $0x40, s9  }
.Ltmp3:
0x48: {  	(pc) =	sbr.rel @p0 .LBB2_4-.Ltmp3, $4  }
0x49: {  	_ = 	snop  }
0x4a: {  	s11 =	sand.u32 $0x7E00, s11  }
0x4b: {  	s12 =	sand.u32 $0x70, s1;
	s11 =	sshrl.u32 s11, $0x2  }
0x4c: {  	s11 =	sor.u32 s12, s11  }
0x4d: {  	[tilespmem:s11+$0x1200] =	vst v1;
	s2 =	simm.s32 $0x1200  }
0x4e: {  	[spmem:s3] =	stream.linear.scatter [tilespmem:s2], [sflag:$0x3], $0x2000, $0x38;
	[tilespmem:$0x1FB00] =	vst v63  }
0x4f: {  	_ =	swait.ge [sflag:s25], $0x2000  }
0x50: {  	[sflag:s25] =	ssyncset.done $0x0  }
0x51: {  	s1 =	rddreg [dreg:$0xc];
	[sflag:s25] =	ssyncadd.s32 $0xFFFFE000  }
0x52: {  	[spmem:s1] =	stream.linear.scatter [tilespmem:s2], [sflag:$0x3], $0x2000, $0x38;
	[tilespmem:$0x1FB00] =	vst v63  }
0x53: {  	_ =	swait.ge [sflag:s25], $0x2000  }
0x54: {  	[sflag:s25] =	ssyncset.done $0x0  }
0x55: {  	s17 =	rddreg [dreg:$0xd];
	[sflag:s25] =	ssyncadd.s32 $0xFFFFE000  }
0x56: {  	[spmem:s17] =	stream.linear.scatter [tilespmem:s2], [sflag:$0x3], $0x2000, $0x38;
	[tilespmem:$0x1FB00] =	vst v63  }
0x57: {  	_ =	swait.ge [sflag:s25], $0x2000  }
0x58: {  	[sflag:s25] =	ssyncset.done $0x0  }
0x59: {  	s18 =	rddreg [dreg:$0xe];
	[sflag:s25] =	ssyncadd.s32 $0xFFFFE000  }
0x5a: {  	[spmem:s18] =	stream.linear.scatter [tilespmem:s2], [sflag:$0x3], $0x2000, $0x38;
	[tilespmem:$0x1FB00] =	vst v63  }
0x5b: {  	_ =	swait.ge [sflag:s25], $0x2000  }
0x5c: {  	[sflag:s25] =	ssyncset.done $0x0  }
0x5d: {  	s19 =	rddreg [dreg:$0xf];
	[sflag:s25] =	ssyncadd.s32 $0xFFFFE000  }
0x5e: {  	[spmem:s19] =	stream.linear.scatter [tilespmem:s2], [sflag:$0x3], $0x2000, $0x38;
	[tilespmem:$0x1FB00] =	vst v63  }
0x5f: {  	_ =	swait.ge [sflag:s25], $0x2000  }
0x60: {  	[sflag:s25] =	ssyncset.done $0x0  }
0x61: {  	s20 =	rddreg [dreg:$0x10];
	[sflag:s25] =	ssyncadd.s32 $0xFFFFE000  }
0x62: {  	[spmem:s20] =	stream.linear.scatter [tilespmem:s2], [sflag:$0x3], $0x2000, $0x38;
	[tilespmem:$0x1FB00] =	vst v63  }
0x63: {  	_ =	swait.ge [sflag:s25], $0x2000  }
0x64: {  	[sflag:s25] =	ssyncset.done $0x0  }
0x65: {  	s21 =	rddreg [dreg:$0x11];
	[sflag:s25] =	ssyncadd.s32 $0xFFFFE000  }
0x66: {  	[spmem:s21] =	stream.linear.scatter [tilespmem:s2], [sflag:$0x3], $0x2000, $0x38;
	[tilespmem:$0x1FB00] =	vst v63  }
0x67: {  	_ =	swait.ge [sflag:s25], $0x2000  }
0x68: {  	[sflag:s25] =	ssyncset.done $0x0  }
0x69: {  	s22 =	rddreg [dreg:$0x12];
	[sflag:s25] =	ssyncadd.s32 $0xFFFFE000  }
0x6a: {  	[spmem:s22] =	stream.linear.scatter [tilespmem:s2], [sflag:$0x3], $0x2000, $0x38;
	[tilespmem:$0x1FB00] =	vst v63  }
0x6b: {  	_ =	swait.ge [sflag:s25], $0x2000  }
0x6c: {  	[sflag:s25] =	ssyncset.done $0x0  }
0x6d: {  	s23 =	rddreg [dreg:$0x13];
	[sflag:s25] =	ssyncadd.s32 $0xFFFFE000  }
0x6e: {  	[spmem:s23] =	stream.linear.scatter [tilespmem:s2], [sflag:$0x3], $0x2000, $0x38;
	[tilespmem:$0x1FB00] =	vst v63  }
0x6f: {  	_ =	swait.ge [sflag:s25], $0x2000  }
0x70: {  	[sflag:s25] =	ssyncset.done $0x0  }
0x71: {  	s24 =	rddreg [dreg:$0x14];
	[sflag:s25] =	ssyncadd.s32 $0xFFFFE000  }
0x72: {  	[spmem:s24] =	stream.linear.scatter [tilespmem:s2], [sflag:$0x3], $0x2000, $0x38;
	[tilespmem:$0x1FB00] =	vst v63  }
0x73: {  	_ =	swait.ge [sflag:s25], $0x2000  }
0x74: {  	[sflag:s25] =	ssyncset.done $0x0  }
0x75: {  	[sflag:s25] =	ssyncadd.s32 $0xFFFFE000  }
0x76: {  	[bflag:$0x0] =	sbarrier.arrive $0xFFFF  }
0x77: {  	s9 =	simm.s32 $0x0;
	s26 =	rddreg [dreg:$0x15]  }
0x78: {  	[tilespmem:s9], [sflag:$0x3] =	stream.linear.gather [hbm4b:s26+s9], $0x800, $0x38;
	[tilespmem:$0x1FB00] =	vst v63  }
0x79: {  	_ =	swait.ge [sflag:s25], $0x800  }
0x7a: {  	[sflag:s25] =	ssyncset.done $0x0  }
0x7b: {  	[sflag:s25] =	ssyncadd.s32 $0xFFFFF800  }
0x7c: {  	v5 =	vld [tilespmem:$0x0]  }
0x7d: {  	v6 =	vld [tilespmem:$0x80]  }
0x7e: {  	v7 =	vld [tilespmem:$0x10]  }
0x7f: {  	v8 =	vld [tilespmem:$0x90]  }
0x80: {  	v9 =	vld [tilespmem:$0x20]  }
0x81: {  	v10 =	vld [tilespmem:$0xA0];
	v5 =	vadd.s32 v0, v5  }
0x82: {  	[tilespmem:$0x1000] =	vst v5;
	v5 =	vadd.s32 v0, v6;
	v6 =	vld [tilespmem:$0x30]  }
0x83: {  	[tilespmem:$0x1080] =	vst v5;
	v5 =	vadd.s32 v0, v7;
	v7 =	vld [tilespmem:$0xB0]  }
0x84: {  	[tilespmem:$0x1010] =	vst v5;
	v5 =	vadd.s32 v0, v8  }
0x85: {  	[tilespmem:$0x1090] =	vst v5;
	v5 =	vadd.s32 v0, v9  }
0x86: {  	[tilespmem:$0x1020] =	vst v5;
	v5 =	vadd.s32 v0, v10  }
0x87: {  	[tilespmem:$0x10A0] =	vst v5;
	v5 =	vadd.s32 v0, v6  }
0x88: {  	[tilespmem:$0x1030] =	vst v5;
	v5 =	vadd.s32 v0, v7  }
0x89: {  	s29 =	simm.s32 $0x40;
	s0 =	simm.s32 $0x1000;
	s28 =	rddreg [dreg:$0x7];
	[tilespmem:$0x10B0] =	vst v5  }
0x8a: {  	[tilespmem:s2], [sflag:$0x1] =	stream.indirect.gather [hbm4b:s28+s29], $0x80, s0, s29, $0xb8;
	[tilespmem:$0x1FB00] =	vst v63  }
0x8b: {  	s31 =	simm.s32 $0x1080;
	s4 =	simm.s32 $0x5200;
	s30 =	rddreg [dreg:$0x8]  }
0x8c: {  	[tilespmem:s4], [sflag:$0x1] =	stream.indirect.gather [hbm4b:s30+s29], $0x80, s31, s29, $0xb8;
	[tilespmem:$0x1FB00] =	vst v63  }
.LBB2_6:
0x8d: {  	s1 =	sand.u32 $0x7, s9;
	p0 =	sgt.u32 s9, $0x137  }
0x8e: {  	p1 =	sne.s32 @!p0 s1, $0x0  }
0x8f: {  	p0 =	por p0, p1  }
.Ltmp4:
0x90: {  	_ = 	snop;
	(pc) =	sbr.rel @p0 .LBB2_8-.Ltmp4, $2  }
0x91: {  	_ =	sdelay $0x2  }
0x92: {  	s31 =	sshll.u32 s9, $0x8;
	s1 =	sand.u32 $0x1, s9  }
0x93: {  	s11 =	sadd.s32 $0x800, s31;
	s2 =	rddreg [dreg:$0x5]  }
0x94: {  	s12 =	sadd.s32 s2, s11  }
0x95: {  	s28 =	rddreg [dreg:$0x6];
	s12 =	sshrl.u32 s12, $0x3  }
0x96: {  	s30 =	simm.s32 $0x0;
	s11 =	sand.u32 $0x800, s11;
	s12 =	sadd.s32 s28, s12  }
0x97: {  	[tilespmem:s11], [sflag:$0x3] =	stream.linear.gather [hbm4b:s12+s30], $0x800, $0x38;
	[tilespmem:$0x1FB00] =	vst v63  }
0x98: {  	_ =	swait.ge [sflag:s25], $0x800  }
0x99: {  	[sflag:s25] =	ssyncset.done $0x0  }
0x9a: {  	s29 =	sor.u32 $0x1, s9;
	[sflag:s25] =	ssyncadd.s32 $0xFFFFF800  }
.LBB2_10:
0x9b: {  	s11 =	sshll.u32 s29, $0x8  }
0x9c: {  	s11 =	sand.u32 $0xF00, s11  }
0x9d: {  	v5 =	vld [tilespmem:s11+$0x0];
	_ =	sdelay $0x3  }
0x9e: {  	s12 =	sxor.u32 $0x1, s1  }
0x9f: {  	s13 =	sshll.u32 s12, $0x8;
	v5 =	vadd.s32 v0, v5  }
0xa0: {  	[tilespmem:s13+$0x1000] =	vst v5  }
0xa1: {  	v5 =	vld [tilespmem:s11+$0x80];
	_ =	sdelay $0x4  }
0xa2: {  	v5 =	vadd.s32 v0, v5  }
0xa3: {  	[tilespmem:s13+$0x1080] =	vst v5  }
0xa4: {  	v5 =	vld [tilespmem:s11+$0x10];
	_ =	sdelay $0x4  }
0xa5: {  	v5 =	vadd.s32 v0, v5  }
0xa6: {  	[tilespmem:s13+$0x1010] =	vst v5  }
0xa7: {  	v5 =	vld [tilespmem:s11+$0x90];
	_ =	sdelay $0x4  }
0xa8: {  	v5 =	vadd.s32 v0, v5  }
0xa9: {  	[tilespmem:s13+$0x1090] =	vst v5  }
0xaa: {  	v5 =	vld [tilespmem:s11+$0x20];
	_ =	sdelay $0x4  }
0xab: {  	v5 =	vadd.s32 v0, v5  }
0xac: {  	[tilespmem:s13+$0x1020] =	vst v5  }
0xad: {  	v5 =	vld [tilespmem:s11+$0xA0];
	_ =	sdelay $0x4  }
0xae: {  	v5 =	vadd.s32 v0, v5  }
0xaf: {  	[tilespmem:s13+$0x10A0] =	vst v5  }
0xb0: {  	v5 =	vld [tilespmem:s11+$0x30];
	_ =	sdelay $0x4  }
0xb1: {  	v5 =	vadd.s32 v0, v5  }
0xb2: {  	[tilespmem:s13+$0x1030] =	vst v5  }
0xb3: {  	v5 =	vld [tilespmem:s11+$0xB0];
	_ =	sdelay $0x4  }
0xb4: {  	s2 =	rddreg [dreg:$0x7];
	s3 =	simm.s32 $0x40;
	s28 =	sshll.u32 s12, $0xD;
	v5 =	vadd.s32 v0, v5  }
0xb5: {  	s12 =	sadd.s32 $0x1, s12;
	s14 =	sor.u32 $0x1000, s13;
	s15 =	sor.u32 $0x1200, s28;
	[tilespmem:s13+$0x10B0] =	vst v5  }
0xb6: {  	[tilespmem:s15], [sflag:s12] =	stream.indirect.gather [hbm4b:s2+s3], $0x80, s14, s3, $0xb8;
	[tilespmem:$0x1FB00] =	vst v63  }
0xb7: {  	s30 =	rddreg [dreg:$0x8];
	s11 =	sor.u32 $0x5200, s28;
	s13 =	sor.u32 $0x1080, s13  }
0xb8: {  	[tilespmem:s11], [sflag:s12] =	stream.indirect.gather [hbm4b:s30+s3], $0x80, s13, s3, $0xb8;
	[tilespmem:$0x1FB00] =	vst v63  }
.LBB2_11:
0xb9: {  	s11 =	sadd.s32 $0x1, s1  }
0xba: {  	_ =	swait.ge [sflag:s11], $0x2000  }
0xbb: {  	[sflag:s11] =	ssyncset.done $0x0  }
0xbc: {  	[sflag:s11] =	ssyncadd.s32 $0xFFFFE000  }
0xbd: {  	_ =	swait.ge [sflag:s11], $0x2000  }
0xbe: {  	s30 =	sshll.u32 s1, $0xD;
	[sflag:s11] =	ssyncset.done $0x0  }
0xbf: {  	s1 =	sor.u32 $0x5280, s30;
	[sflag:s11] =	ssyncadd.s32 $0xFFFFE000  }
0xc0: {  	s28 =	sor.u32 $0x1280, s30;
	v7 =	vmov s1;
	v6 =	vld [tilespmem:$0x9280]  }
0xc1: {  	v5 =	vmov s28;
	v8 =	vld [tilespmem:$0x9290]  }
0xc2: {  	v9 =	vld [tilespmem:$0x92A0]  }
0xc3: {  	v10 =	vld [tilespmem:$0x92B0]  }
0xc4: {  	s1 =	simm.s32 $0x0;
	v11 =	vld [tilespmem:$0x92C0]  }
0xc5: {  	v12 =	vld.idx.msk [tilespmem:v7+s1+$0x0 ss:$0x1], $0xffff  }
0xc6: {  	v13 =	vld.idx.msk [tilespmem:v5+s1+$0x0 ss:$0x1], $0xffff  }
0xc7: {  	v14 =	vld.idx.msk [tilespmem:v7+s1+$0x10 ss:$0x1], $0xffff  }
0xc8: {  	v15 =	vld.idx.msk [tilespmem:v5+s1+$0x10 ss:$0x1], $0xffff  }
0xc9: {  	v16 =	vld.idx.msk [tilespmem:v7+s1+$0x20 ss:$0x1], $0xffff  }
0xca: {  	v17 =	vld.idx.msk [tilespmem:v5+s1+$0x20 ss:$0x1], $0xffff  }
0xcb: {  	v18 =	vld.idx.msk [tilespmem:v7+s1+$0x30 ss:$0x1], $0xffff;
	v12 =	vadd.f32 v12, v13  }
0xcc: {  	v13 =	vld.idx.msk [tilespmem:v5+s1+$0x30 ss:$0x1], $0xffff  }
0xcd: {  	v19 =	vld.idx.msk [tilespmem:v7+s1+$0x40 ss:$0x1], $0xffff;
	v14 =	vadd.f32 v14, v15;
	v20 =	vmul.f32 $2.000000030e-01, v12  }
0xce: {  	v15 =	vld.idx.msk [tilespmem:v5+s1+$0x40 ss:$0x1], $0xffff;
	vm9 =	vge.f32 v12, $0.0e+00  }
0xcf: {  	v21 =	vld.idx.msk [tilespmem:v7+s1+$0x50 ss:$0x1], $0xffff;
	v16 =	vadd.f32 v16, v17;
	v12 =	vsel vm9, v12, v20;
	v20 =	vmul.f32 $2.000000030e-01, v14  }
0xd0: {  	v17 =	vld.idx.msk [tilespmem:v5+s1+$0x50 ss:$0x1], $0xffff;
	vm9 =	vge.f32 v14, $0.0e+00;
	v12 =	vmul.f32 v12, v6  }
0xd1: {  	v22 =	vld.idx.msk [tilespmem:v7+s1+$0x60 ss:$0x1], $0xffff;
	v13 =	vadd.f32 v18, v13;
	v14 =	vsel vm9, v14, v20;
	v20 =	vmul.f32 $2.000000030e-01, v16  }
0xd2: {  	v18 =	vld.idx.msk [tilespmem:v5+s1+$0x60 ss:$0x1], $0xffff;
	vm9 =	vge.f32 v16, $0.0e+00;
	v12 =	vadd.f32 $0.0e+00, v12;
	v14 =	vmul.f32 v14, v8  }
0xd3: {  	v23 =	vld.idx.msk [tilespmem:v7+s1+$0x70 ss:$0x1], $0xffff;
	v15 =	vadd.f32 v19, v15;
	v16 =	vsel vm9, v16, v20;
	v20 =	vmul.f32 $2.000000030e-01, v13  }
0xd4: {  	v19 =	vld.idx.msk [tilespmem:v5+s1+$0x70 ss:$0x1], $0xffff;
	vm9 =	vge.f32 v13, $0.0e+00;
	v14 =	vadd.f32 v14, v12;
	v16 =	vmul.f32 v16, v9  }
0xd5: {  	v17 =	vadd.f32 v21, v17;
	v12 =	vld [tilespmem:$0x92D0];
	v13 =	vsel vm9, v13, v20;
	v20 =	vmul.f32 $2.000000030e-01, v15  }
0xd6: {  	vm9 =	vge.f32 v15, $0.0e+00;
	v14 =	vadd.f32 v16, v14;
	v16 =	vmul.f32 v13, v10  }
0xd7: {  	v18 =	vadd.f32 v22, v18;
	v13 =	vld [tilespmem:$0x92E0];
	v15 =	vsel vm9, v15, v20;
	v20 =	vmul.f32 $2.000000030e-01, v17  }
0xd8: {  	vm9 =	vge.f32 v17, $0.0e+00;
	v16 =	vadd.f32 v16, v14;
	v15 =	vmul.f32 v15, v11  }
0xd9: {  	v19 =	vadd.f32 v23, v19;
	v14 =	vld [tilespmem:$0x92F0];
	v17 =	vsel vm9, v17, v20;
	v20 =	vmul.f32 $2.000000030e-01, v18  }
0xda: {  	vm9 =	vge.f32 v18, $0.0e+00;
	v15 =	vadd.f32 v15, v16;
	v16 =	vmul.f32 v17, v12  }
0xdb: {  	v17 =	vsel vm9, v18, v20;
	v18 =	vmul.f32 $2.000000030e-01, v19  }
0xdc: {  	vm9 =	vge.f32 v19, $0.0e+00;
	v15 =	vadd.f32 v16, v15;
	v16 =	vmul.f32 v17, v13  }
0xdd: {  	v17 =	vsel vm9, v19, v18  }
0xde: {  	v15 =	vadd.f32 v16, v15;
	v16 =	vmul.f32 v17, v14;
	_ =	sdelay $0x1  }
0xdf: {  	v15 =	vadd.f32 v16, v15;
	_ =	sdelay $0x1  }
0xe0: {  	v20 =	vld.idx.msk [tilespmem:v5+s1+$0xFFFFFFA0 ss:$0x1], $0xffff;
	(xrf2) =	vadd.scan.msk.f32 $0xffff, v15  }
0xe1: {  	v16 =	vld.idx.msk [tilespmem:v5+s1+$0xFFFFFF80 ss:$0x1], $0xffff  }
0xe2: {  	v15 =	vld.idx.msk [tilespmem:v7+s1+$0xFFFFFF80 ss:$0x1], $0xffff  }
0xe3: {  	v18 =	vld.idx.msk [tilespmem:v5+s1+$0xFFFFFF90 ss:$0x1], $0xffff  }
0xe4: {  	v17 =	vld.idx.msk [tilespmem:v7+s1+$0xFFFFFF90 ss:$0x1], $0xffff  }
0xe5: {  	v19 =	vld.idx.msk [tilespmem:v7+s1+$0xFFFFFFA0 ss:$0x1], $0xffff  }
0xe6: {  	v21 =	vld.idx.msk [tilespmem:v7+s1+$0xFFFFFFB0 ss:$0x1], $0xffff  }
0xe7: {  	v22 =	vld.idx.msk [tilespmem:v5+s1+$0xFFFFFFB0 ss:$0x1], $0xffff;
	v15 =	vadd.f32 v15, v16;
	_ =	sdelay $0x1  }
0xe8: {  	v17 =	vadd.f32 v17, v18;
	v23 =	vmul.f32 $2.000000030e-01, v15  }
0xe9: {  	v19 =	vadd.f32 v19, v20;
	vm9 =	vge.f32 v15, $0.0e+00;
	v24, _, _ =	vpop (xrf2)  }
0xea: {  	v25 =	vld.idx.msk [tilespmem:v7+s1+$0xFFFFFFC0 ss:$0x1], $0xffff;
	v15 =	vsel vm9, v15, v23;
	v23 =	vmul.f32 $2.000000030e-01, v17;
	v24 =	vmul.f32 $1.442695020e+00, v24  }
0xeb: {  	v26 =	vld.idx.msk [tilespmem:v5+s1+$0xFFFFFFC0 ss:$0x1], $0xffff;
	v21 =	vadd.f32 v21, v22;
	vm9 =	vge.f32 v17, $0.0e+00;
	v15 =	vmul.f32 v15, v6  }
0xec: {  	v27 =	vld.idx.msk [tilespmem:v7+s1+$0xFFFFFFD0 ss:$0x1], $0xffff;
	v29 =	vmul.f32 $2.000000030e-01, v19;
	v17 =	vsel vm9, v17, v23;
	v24 =	vbroadcast v24, $0xF  }
0xed: {  	v28 =	vld.idx.msk [tilespmem:v5+s1+$0xFFFFFFD0 ss:$0x1], $0xffff;
	vm9 =	vge.f32 v19, $0.0e+00;
	v15 =	vadd.f32 $0.0e+00, v15;
	v17 =	vmul.f32 v17, v8  }
0xee: {  	v57 =	vld.idx.msk [tilespmem:v5+s1+$0xFFFFFFE0 ss:$0x1], $0xffff;
	v58 =	vmul.f32 $2.000000030e-01, v21;
	v19 =	vsel vm9, v19, v29;
	(erf) = vpow2.f32 v24  }
0xef: {  	v23 =	vld.idx.msk [tilespmem:v7+s1+$0xFFFFFFE0 ss:$0x1], $0xffff;
	vm9 =	vge.f32 v21, $0.0e+00;
	v15 =	vadd.f32 v17, v15;
	v17 =	vmul.f32 v19, v9  }
0xf0: {  	v25 =	vadd.f32 v25, v26;
	v21 =	vsel vm9, v21, v58  }
0xf1: {  	v30 =	vld.idx.msk [tilespmem:v7+s1+$0xFFFFFFF0 ss:$0x1], $0xffff;
	v15 =	vadd.f32 v17, v15;
	v17 =	vmul.f32 v21, v10  }
0xf2: {  	v27 =	vadd.f32 v27, v28;
	v59 =	vmul.f32 $2.000000030e-01, v25;
	v19 =	vld.idx.msk [tilespmem:v5+s1+$0xFFFFFFF0 ss:$0x1], $0xffff  }
0xf3: {  	vm9 =	vge.f32 v25, $0.0e+00;
	v15 =	vadd.f32 v17, v15  }
0xf4: {  	s9 =	sshll.u32 s9, $0x6;
	s2 =	rddreg [dreg:$0x9];
	v60 =	vmul.f32 $2.000000030e-01, v27;
	v21 =	vsel vm9, v25, v59;
	v23 =	vadd.f32 v23, v57  }
0xf5: {  	s9 =	sadd.s32 s2, s9;
	v61 =	vld.idx.msk [tilespmem:v5+s1+$0x0 ss:$0x1], $0xffff;
	vm9 =	vge.f32 v27, $0.0e+00;
	v17 =	vmul.f32 v21, v11  }
0xf6: {  	s11 =	simm.f32 $1.000000000e+00;
	p0 =	slt.u32 s9, $0x4E200;
	v25 =	vsel vm9, v27, v60;
	v21 =	vmul.f32 $2.000000030e-01, v23  }
0xf7: {  	s11 =	simm.s32 @!p0 $0x0;
	vm9 =	vge.f32 v23, $0.0e+00;
	v62 =	vadd.f32 v30, v19;
	v17 =	vadd.f32 v17, v15;
	v15 =	vpop (erf)  }
0xf8: {  	v25 =	vmul.f32 v25, v12;
	v21 =	vsel vm9, v23, v21;
	v15 =	vmul.f32 s11, v15  }
0xf9: {  	v23 =	vmul.f32 $2.000000030e-01, v62;
	v21 =	vmul.f32 v21, v13  }
0xfa: {  	vm9 =	vge.f32 v62, $0.0e+00;
	v17 =	vadd.f32 v25, v17;
	v63 =	vmul.f32 v15, v61  }
0xfb: {  	v23 =	vsel vm9, v62, v23  }
0xfc: {  	v17 =	vadd.f32 v21, v17;
	v21 =	vmul.f32 v23, v14;
	[tilespmem:v5+s1+$0x0 ss:$0x1] =	vst.idx.msk $0xffff, v63  }
0xfd: {  	v23 =	vld.idx.msk [tilespmem:v5+s1+$0x10 ss:$0x1], $0xffff  }
0xfe: {  	v17 =	vadd.f32 v21, v17;
	_ =	sdelay $0x1  }
0xff: {  	(xrf2) =	vadd.scan.msk.f32 $0xffff, v17;
	_ =	sdelay $0x1  }
0x100: {  	v17 =	vmul.f32 v15, v23;
	_ =	sdelay $0x1  }
0x101: {  	[tilespmem:v5+s1+$0x10 ss:$0x1] =	vst.idx.msk $0xffff, v17  }
0x102: {  	v17 =	vld.idx.msk [tilespmem:v5+s1+$0x20 ss:$0x1], $0xffff;
	_ =	sdelay $0x4  }
0x103: {  	v21, _, _ =	vpop (xrf2);
	v17 =	vmul.f32 v15, v17  }
0x104: {  	v21 =	vmul.f32 $1.442695020e+00, v21  }
0x105: {  	[tilespmem:v5+s1+$0x20 ss:$0x1] =	vst.idx.msk $0xffff, v17  }
0x106: {  	v17 =	vbroadcast v21, $0xF;
	v21 =	vld.idx.msk [tilespmem:v5+s1+$0x30 ss:$0x1], $0xffff;
	_ =	sdelay $0x1  }
0x107: {  	(erf) = vpow2.f32 v17;
	_ =	sdelay $0x2  }
0x108: {  	v17 =	vmul.f32 v15, v21;
	_ =	sdelay $0x1  }
0x109: {  	[tilespmem:v5+s1+$0x30 ss:$0x1] =	vst.idx.msk $0xffff, v17  }
0x10a: {  	v17 =	vld.idx.msk [tilespmem:v5+s1+$0x40 ss:$0x1], $0xffff;
	_ =	sdelay $0x2  }
0x10b: {  	v21 =	vpop (erf)  }
0x10c: {  	v23 =	vmul.f32 s11, v21  }
0x10d: {  	v17 =	vmul.f32 v17, v15  }
0x10e: {  	v16 =	vmul.f32 v23, v16  }
0x10f: {  	v18 =	vmul.f32 v23, v18;
	[tilespmem:v5+s1+$0x40 ss:$0x1] =	vst.idx.msk $0xffff, v17  }
0x110: {  	v17 =	vmul.f32 v23, v20;
	[tilespmem:v5+s1+$0xFFFFFF80 ss:$0x1] =	vst.idx.msk $0xffff, v16  }
0x111: {  	v16 =	vmul.f32 v23, v22;
	[tilespmem:v5+s1+$0xFFFFFF90 ss:$0x1] =	vst.idx.msk $0xffff, v18  }
0x112: {  	v18 =	vmul.f32 v23, v26;
	v20 =	vld.idx.msk [tilespmem:v5+s1+$0x50 ss:$0x1], $0xffff;
	[tilespmem:v5+s1+$0xFFFFFFA0 ss:$0x1] =	vst.idx.msk $0xffff, v17  }
0x113: {  	v17 =	vmul.f32 v23, v28;
	[tilespmem:v5+s1+$0xFFFFFFB0 ss:$0x1] =	vst.idx.msk $0xffff, v16  }
0x114: {  	v16 =	vmul.f32 v23, v57;
	[tilespmem:v5+s1+$0xFFFFFFC0 ss:$0x1] =	vst.idx.msk $0xffff, v18  }
0x115: {  	v18 =	vmul.f32 v23, v19;
	[tilespmem:v5+s1+$0xFFFFFFD0 ss:$0x1] =	vst.idx.msk $0xffff, v17  }
0x116: {  	[tilespmem:v5+s1+$0xFFFFFFE0 ss:$0x1] =	vst.idx.msk $0xffff, v16  }
0x117: {  	s12 =	simm.s32 $0x9201;
	s13 =	simm.s32 $0x400;
	s11 =	simm.s32 $0x9201;
	v16 =	vmul.f32 v20, v15;
	[tilespmem:v5+s1+$0xFFFFFFF0 ss:$0x1] =	vst.idx.msk $0xffff, v18  }
.LBB2_12:
0x118: {  	_ = 	snop  }
0x119: {  	p0 =	sne.s32 s13, $0x7C00;
	s12 =	sadd.s32 $0x2, s12;
	s9 =	sadd.s32 $0x2, s9;
	[tilespmem:v5+s1+$0x50 ss:$0x1] =	vst.idx.msk $0xffff, v16  }
0x11a: {  	s14 =	smov.u32 s13;
	s13 =	sadd.s32 $0x400, s13;
	v16 =	vld.idx.msk [tilespmem:v5+s1+$0x60 ss:$0x1], $0xffff;
	_ =	sdelay $0x2  }
0x11b: {  	s14 =	sshra.s32 s14, $0x2;
	_ =	sdelay $0x2  }
0x11c: {  	v16 =	vmul.f32 v16, v15;
	_ =	sdelay $0x1  }
0x11d: {  	[tilespmem:v5+s1+$0x60 ss:$0x1] =	vst.idx.msk $0xffff, v16  }
0x11e: {  	v16 =	vld.idx.msk [tilespmem:v5+s1+$0x70 ss:$0x1], $0xffff;
	_ =	sdelay $0x5  }
0x11f: {  	v16 =	vmul.f32 v16, v15;
	_ =	sdelay $0x1  }
0x120: {  	[tilespmem:v5+s1+$0x70 ss:$0x1] =	vst.idx.msk $0xffff, v16;
	s1 =	smov.u32 s14  }
0x121: {  	[tilespmem:s11+$0xFFFFFFFF] =	vst.msk $0x1, v23  }
0x122: {  	[tilespmem:s11+$0x0] =	vst.msk $0x1, v15;
	s11 =	smov.u32 s12  }
0x123: {  	v15 =	vld.idx.msk [tilespmem:v7+s1+$0x0 ss:$0x1], $0xffff  }
0x124: {  	v16 =	vld.idx.msk [tilespmem:v5+s1+$0x0 ss:$0x1], $0xffff  }
0x125: {  	v17 =	vld.idx.msk [tilespmem:v7+s1+$0x10 ss:$0x1], $0xffff  }
0x126: {  	v18 =	vld.idx.msk [tilespmem:v5+s1+$0x10 ss:$0x1], $0xffff  }
0x127: {  	v19 =	vld.idx.msk [tilespmem:v7+s1+$0x20 ss:$0x1], $0xffff  }
0x128: {  	v20 =	vld.idx.msk [tilespmem:v5+s1+$0x20 ss:$0x1], $0xffff  }
0x129: {  	v21 =	vld.idx.msk [tilespmem:v7+s1+$0x30 ss:$0x1], $0xffff  }
0x12a: {  	v15 =	vadd.f32 v15, v16;
	v16 =	vld.idx.msk [tilespmem:v5+s1+$0x30 ss:$0x1], $0xffff  }
0x12b: {  	v22 =	vld.idx.msk [tilespmem:v7+s1+$0x40 ss:$0x1], $0xffff  }
0x12c: {  	v23 =	vmul.f32 $2.000000030e-01, v15;
	v17 =	vadd.f32 v17, v18;
	v18 =	vld.idx.msk [tilespmem:v5+s1+$0x40 ss:$0x1], $0xffff  }
0x12d: {  	vm9 =	vge.f32 v15, $0.0e+00;
	v24 =	vld.idx.msk [tilespmem:v7+s1+$0x50 ss:$0x1], $0xffff  }
0x12e: {  	v15 =	vsel vm9, v15, v23;
	v23 =	vmul.f32 $2.000000030e-01, v17;
	v19 =	vadd.f32 v19, v20;
	v20 =	vld.idx.msk [tilespmem:v5+s1+$0x50 ss:$0x1], $0xffff  }
0x12f: {  	vm9 =	vge.f32 v17, $0.0e+00;
	v15 =	vmul.f32 v15, v6;
	v25 =	vld.idx.msk [tilespmem:v7+s1+$0x60 ss:$0x1], $0xffff  }
0x130: {  	v17 =	vsel vm9, v17, v23;
	v23 =	vmul.f32 $2.000000030e-01, v19;
	v16 =	vadd.f32 v21, v16;
	v21 =	vld.idx.msk [tilespmem:v5+s1+$0x60 ss:$0x1], $0xffff  }
0x131: {  	vm9 =	vge.f32 v19, $0.0e+00;
	v15 =	vadd.f32 $0.0e+00, v15;
	v17 =	vmul.f32 v17, v8;
	v26 =	vld.idx.msk [tilespmem:v7+s1+$0x70 ss:$0x1], $0xffff  }
0x132: {  	v19 =	vsel vm9, v19, v23;
	v23 =	vmul.f32 $2.000000030e-01, v16;
	v18 =	vadd.f32 v22, v18;
	v22 =	vld.idx.msk [tilespmem:v5+s1+$0x70 ss:$0x1], $0xffff  }
0x133: {  	vm9 =	vge.f32 v16, $0.0e+00;
	v15 =	vadd.f32 v17, v15;
	v17 =	vmul.f32 v19, v9  }
0x134: {  	v16 =	vsel vm9, v16, v23;
	v19 =	vmul.f32 $2.000000030e-01, v18;
	v20 =	vadd.f32 v24, v20  }
0x135: {  	vm9 =	vge.f32 v18, $0.0e+00;
	v15 =	vadd.f32 v17, v15;
	v16 =	vmul.f32 v16, v10  }
0x136: {  	v17 =	vsel vm9, v18, v19;
	v18 =	vmul.f32 $2.000000030e-01, v20;
	v19 =	vadd.f32 v25, v21  }
0x137: {  	vm9 =	vge.f32 v20, $0.0e+00;
	v15 =	vadd.f32 v16, v15;
	v17 =	vmul.f32 v17, v11  }
0x138: {  	v18 =	vsel vm9, v20, v18;
	v20 =	vmul.f32 $2.000000030e-01, v19;
	v22 =	vadd.f32 v26, v22;
	v21 =	vld.idx.msk [tilespmem:v7+s1+$0xFFFFFF80 ss:$0x1], $0xffff  }
0x139: {  	vm9 =	vge.f32 v19, $0.0e+00;
	v15 =	vadd.f32 v17, v15;
	v18 =	vmul.f32 v18, v12;
	v16 =	vld.idx.msk [tilespmem:v5+s1+$0xFFFFFF80 ss:$0x1], $0xffff  }
0x13a: {  	v19 =	vsel vm9, v19, v20;
	vm9 =	vge.f32 v22, $0.0e+00;
	v20 =	vmul.f32 $2.000000030e-01, v22;
	v23 =	vld.idx.msk [tilespmem:v7+s1+$0xFFFFFF90 ss:$0x1], $0xffff  }
0x13b: {  	v15 =	vadd.f32 v18, v15;
	v19 =	vmul.f32 v19, v13;
	v17 =	vld.idx.msk [tilespmem:v5+s1+$0xFFFFFF90 ss:$0x1], $0xffff  }
0x13c: {  	v20 =	vsel vm9, v22, v20;
	v24 =	vld.idx.msk [tilespmem:v7+s1+$0xFFFFFFA0 ss:$0x1], $0xffff  }
0x13d: {  	v15 =	vadd.f32 v19, v15;
	v20 =	vmul.f32 v20, v14;
	v18 =	vld.idx.msk [tilespmem:v5+s1+$0xFFFFFFA0 ss:$0x1], $0xffff  }
0x13e: {  	v22 =	vld.idx.msk [tilespmem:v7+s1+$0xFFFFFFB0 ss:$0x1], $0xffff  }
0x13f: {  	v21 =	vadd.f32 v21, v16;
	v15 =	vadd.f32 v20, v15;
	v19 =	vld.idx.msk [tilespmem:v5+s1+$0xFFFFFFB0 ss:$0x1], $0xffff  }
0x140: {  	v25 =	vld.idx.msk [tilespmem:v7+s1+$0xFFFFFFC0 ss:$0x1], $0xffff  }
0x141: {  	v26 =	vmul.f32 $2.000000030e-01, v21;
	v23 =	vadd.f32 v23, v17;
	v20 =	vld.idx.msk [tilespmem:v5+s1+$0xFFFFFFC0 ss:$0x1], $0xffff;
	(xrf2) =	vadd.scan.msk.f32 $0xffff, v15  }
0x142: {  	vm9 =	vge.f32 v21, $0.0e+00;
	v15 =	vld.idx.msk [tilespmem:v7+s1+$0xFFFFFFD0 ss:$0x1], $0xffff  }
0x143: {  	v26 =	vsel vm9, v21, v26;
	v27 =	vmul.f32 $2.000000030e-01, v23;
	v24 =	vadd.f32 v24, v18;
	v21 =	vld.idx.msk [tilespmem:v5+s1+$0xFFFFFFD0 ss:$0x1], $0xffff  }
0x144: {  	vm9 =	vge.f32 v23, $0.0e+00;
	v26 =	vmul.f32 v26, v6;
	v28 =	vld.idx.msk [tilespmem:v7+s1+$0xFFFFFFE0 ss:$0x1], $0xffff  }
0x145: {  	v23 =	vsel vm9, v23, v27;
	v27 =	vmul.f32 $2.000000030e-01, v24;
	v29 =	vadd.f32 v22, v19;
	v22 =	vld.idx.msk [tilespmem:v5+s1+$0xFFFFFFE0 ss:$0x1], $0xffff  }
0x146: {  	vm9 =	vge.f32 v24, $0.0e+00;
	v26 =	vadd.f32 $0.0e+00, v26;
	v23 =	vmul.f32 v23, v8;
	v30 =	vld.idx.msk [tilespmem:v7+s1+$0xFFFFFFF0 ss:$0x1], $0xffff  }
0x147: {  	v24 =	vsel vm9, v24, v27;
	v27 =	vmul.f32 $2.000000030e-01, v29;
	v25 =	vadd.f32 v25, v20;
	v31 =	vld.idx.msk [tilespmem:v5+s1+$0x0 ss:$0x1], $0xffff  }
0x148: {  	vm9 =	vge.f32 v29, $0.0e+00;
	v23 =	vadd.f32 v23, v26;
	v24 =	vmul.f32 v24, v9;
	v26 =	vld.idx.msk [tilespmem:v5+s1+$0xFFFFFFF0 ss:$0x1], $0xffff  }
0x149: {  	v27 =	vsel vm9, v29, v27;
	v32 =	vmul.f32 $2.000000030e-01, v25;
	v15 =	vadd.f32 v15, v21  }
0x14a: {  	vm9 =	vge.f32 v25, $0.0e+00;
	v23 =	vadd.f32 v24, v23;
	v24 =	vmul.f32 v27, v10  }
0x14b: {  	v25 =	vsel vm9, v25, v32;
	v27 =	vmul.f32 $2.000000030e-01, v15;
	v28 =	vadd.f32 v28, v22;
	v29, _, _ =	vpop (xrf2)  }
0x14c: {  	v23 =	vadd.f32 v24, v23;
	v24 =	vmul.f32 v25, v11;
	v25 =	vmul.f32 $1.442695020e+00, v29  }
0x14d: {  	vm9 =	vge.f32 v15, $0.0e+00;
	vm10 =	vge.f32 v28, $0.0e+00;
	v29 =	vmul.f32 $2.000000030e-01, v28  }
0x14e: {  	v15 =	vsel vm9, v15, v27;
	v27 =	vadd.f32 v30, v26;
	v25 =	vbroadcast v25, $0xF  }
0x14f: {  	v23 =	vadd.f32 v24, v23;
	v15 =	vmul.f32 v15, v12;
	v24 =	vsel vm10, v28, v29  }
0x150: {  	v28 =	vmul.f32 $2.000000030e-01, v27;
	(erf) = vpow2.f32 v25  }
0x151: {  	v15 =	vadd.f32 v15, v23;
	v23 =	vmul.f32 v24, v13;
	vm9 =	vge.f32 v27, $0.0e+00  }
0x152: {  	v24 =	vsel vm9, v27, v28  }
0x153: {  	v15 =	vadd.f32 v23, v15;
	v23 =	vmul.f32 v24, v14;
	_ =	sdelay $0x1  }
0x154: {  	v15 =	vadd.f32 v23, v15;
	_ =	sdelay $0x1  }
0x155: {  	(xrf2) =	vadd.scan.msk.f32 $0xffff, v15  }
0x156: {  	p1 =	slt.u32 s9, $0x4E200;
	s14 =	simm.f32 $1.000000000e+00  }
0x157: {  	s14 =	simm.s32 @!p1 $0x0;
	v15 =	vpop (erf)  }
0x158: {  	v15 =	vmul.f32 s14, v15;
	_ =	sdelay $0x1  }
0x159: {  	v23 =	vmul.f32 v15, v31;
	_ =	sdelay $0x1  }
0x15a: {  	[tilespmem:v5+s1+$0x0 ss:$0x1] =	vst.idx.msk $0xffff, v23  }
0x15b: {  	v23 =	vld.idx.msk [tilespmem:v5+s1+$0x10 ss:$0x1], $0xffff;
	_ =	sdelay $0x1  }
0x15c: {  	v24, _, _ =	vpop (xrf2)  }
0x15d: {  	v24 =	vmul.f32 $1.442695020e+00, v24;
	_ =	sdelay $0x1  }
0x15e: {  	v24 =	vbroadcast v24, $0xF  }
0x15f: {  	v23 =	vmul.f32 v15, v23  }
0x160: {  	(erf) = vpow2.f32 v24  }
0x161: {  	[tilespmem:v5+s1+$0x10 ss:$0x1] =	vst.idx.msk $0xffff, v23  }
0x162: {  	v23 =	vld.idx.msk [tilespmem:v5+s1+$0x20 ss:$0x1], $0xffff;
	_ =	sdelay $0x5  }
0x163: {  	v23 =	vmul.f32 v15, v23  }
0x164: {  	v24 =	vpop (erf)  }
0x165: {  	[tilespmem:v5+s1+$0x20 ss:$0x1] =	vst.idx.msk $0xffff, v23  }
0x166: {  	v23 =	vld.idx.msk [tilespmem:v5+s1+$0x30 ss:$0x1], $0xffff;
	_ =	sdelay $0x5  }
0x167: {  	v23 =	vmul.f32 v15, v23;
	_ =	sdelay $0x1  }
0x168: {  	[tilespmem:v5+s1+$0x30 ss:$0x1] =	vst.idx.msk $0xffff, v23  }
0x169: {  	v25 =	vld.idx.msk [tilespmem:v5+s1+$0x40 ss:$0x1], $0xffff;
	_ =	sdelay $0x3  }
0x16a: {  	v23 =	vmul.f32 s14, v24;
	_ =	sdelay $0x1  }
0x16b: {  	v16 =	vmul.f32 v23, v16;
	v24 =	vmul.f32 v25, v15  }
0x16c: {  	v17 =	vmul.f32 v23, v17;
	v18 =	vmul.f32 v23, v18  }
0x16d: {  	v19 =	vmul.f32 v23, v19;
	v20 =	vmul.f32 v23, v20;
	[tilespmem:v5+s1+$0x40 ss:$0x1] =	vst.idx.msk $0xffff, v24  }
0x16e: {  	v21 =	vmul.f32 v23, v21;
	v22 =	vmul.f32 v23, v22  }
0x16f: {  	v24 =	vmul.f32 v23, v26;
	[tilespmem:v5+s1+$0xFFFFFF80 ss:$0x1] =	vst.idx.msk $0xffff, v16  }
0x170: {  	[tilespmem:v5+s1+$0xFFFFFF90 ss:$0x1] =	vst.idx.msk $0xffff, v17;
	v16 =	vld.idx.msk [tilespmem:v5+s1+$0x50 ss:$0x1], $0xffff  }
0x171: {  	[tilespmem:v5+s1+$0xFFFFFFA0 ss:$0x1] =	vst.idx.msk $0xffff, v18  }
.Ltmp5:
0x172: {  	[tilespmem:v5+s1+$0xFFFFFFB0 ss:$0x1] =	vst.idx.msk $0xffff, v19;
	(pc) =	sbr.rel @p0 .LBB2_12-.Ltmp5, $4  }
0x173: {  	[tilespmem:v5+s1+$0xFFFFFFC0 ss:$0x1] =	vst.idx.msk $0xffff, v20  }
0x174: {  	[tilespmem:v5+s1+$0xFFFFFFD0 ss:$0x1] =	vst.idx.msk $0xffff, v21  }
0x175: {  	[tilespmem:v5+s1+$0xFFFFFFE0 ss:$0x1] =	vst.idx.msk $0xffff, v22  }
0x176: {  	v16 =	vmul.f32 v16, v15;
	[tilespmem:v5+s1+$0xFFFFFFF0 ss:$0x1] =	vst.idx.msk $0xffff, v24  }
0x177: {  	_ =	sdelay $0x3  }
0x178: {  	[tilespmem:v5+s1+$0x50 ss:$0x1] =	vst.idx.msk $0xffff, v16  }
0x179: {  	v6 =	vld.idx.msk [tilespmem:v5+s1+$0x60 ss:$0x1], $0xffff;
	_ =	sdelay $0x4  }
0x17a: {  	v6 =	vmul.f32 v6, v15;
	_ =	sdelay $0x1  }
0x17b: {  	[tilespmem:v5+s1+$0x60 ss:$0x1] =	vst.idx.msk $0xffff, v6  }
0x17c: {  	v6 =	vld.idx.msk [tilespmem:v5+s1+$0x70 ss:$0x1], $0xffff;
	_ =	sdelay $0x4  }
0x17d: {  	v6 =	vmul.f32 v6, v15;
	_ =	sdelay $0x1  }
0x17e: {  	[tilespmem:v5+s1+$0x70 ss:$0x1] =	vst.idx.msk $0xffff, v6  }
0x17f: {  	[tilespmem:s11+$0xFFFFFFFF] =	vst.msk $0x1, v23  }
0x180: {  	s31 =	sand.u32 $0xF00, s31;
	[tilespmem:s11+$0x0] =	vst.msk $0x1, v15  }
0x181: {  	v5 =	vld [tilespmem:s31+$0x80];
	_ =	sdelay $0x4  }
0x182: {  	(v2sf) =	vpush v5, $0xD;
	_ =	sdelay $0x1  }
0x183: {  	(v2sf) =	vpush v5, $0xC;
	_ =	sdelay $0x1  }
0x184: {  	(v2sf) =	vpush v5, $0xE;
	_ =	sdelay $0x1  }
0x185: {  	(v2sf) =	vpush v5, $0xF;
	_ =	sdelay $0x1  }
0x186: {  	(v2sf) =	vpush v5, $0x9;
	_ =	sdelay $0x1  }
0x187: {  	(v2sf) =	vpush v5, $0x8;
	_ =	sdelay $0x1  }
0x188: {  	(v2sf) =	vpush v5, $0xA;
	_ =	sdelay $0x1  }
0x189: {  	(v2sf) =	vpush v5, $0xB  }
0x18a: {  	s4 =	spop (v2sf)  }
0x18b: {  	(v2sf) =	vpush v5, $0x0;
	s9 =	smulhi.u32 $0x66666667, s4;
	s1 =	sshra.s32 s4, $0x1F  }
0x18c: {  	s5 =	spop (v2sf);
	s1 =	smul.u32 $0x66666667, s1  }
0x18d: {  	(v2sf) =	vpush v5, $0x1;
	s12 =	smulhi.u32 $0x66666667, s5;
	s11 =	sshra.s32 s5, $0x1F  }
0x18e: {  	s13 =	spop (v2sf);
	s11 =	smul.u32 $0x66666667, s11  }
0x18f: {  	(v2sf) =	vpush v5, $0x2;
	s14 =	smulhi.u32 $0x66666667, s13;
	s13 =	sshra.s32 s13, $0x1F  }
0x190: {  	s15 =	spop (v2sf);
	(v2sf) =	vpush v5, $0x3;
	s13 =	smul.u32 $0x66666667, s13  }
0x191: {  	s16 =	smulhi.u32 $0x66666667, s15;
	s15 =	sshra.s32 s15, $0x1F;
	(v2sf) =	vpush v5, $0x4  }
0x192: {  	s17 =	spop (v2sf);
	s15 =	smul.u32 $0x66666667, s15;
	(v2sf) =	vpush v5, $0x5  }
0x193: {  	s18 =	smulhi.u32 $0x66666667, s17;
	s17 =	sshra.s32 s17, $0x1F;
	(v2sf) =	vpush v5, $0x6  }
0x194: {  	s19 =	spop (v2sf);
	s17 =	smul.u32 $0x66666667, s17;
	(v2sf) =	vpush v5, $0x7  }
0x195: {  	s20 =	smulhi.u32 $0x66666667, s19;
	s19 =	sshra.s32 s19, $0x1F  }
0x196: {  	s21 =	spop (v2sf);
	s19 =	smul.u32 $0x66666667, s19  }
0x197: {  	s22 =	smulhi.u32 $0x66666667, s21;
	s6 =	sshra.s32 s21, $0x1F  }
0x198: {  	s1 =	sadd.s32 s1, s9;
	s7 =	spop (v2sf);
	s23 =	smul.u32 $0x66666667, s6  }
0x199: {  	s12 =	sadd.s32 s11, s12;
	s10 =	smulhi.u32 $0x66666667, s7;
	s9 =	sshra.s32 s7, $0x1F  }
0x19a: {  	s26 =	sshrl.u32 s12, $0x1F;
	s24 =	smul.u32 $0x66666667, s9;
	s8 =	spop (v2sf)  }
0x19b: {  	s11 =	sadd.s32 s13, s14;
	s3 =	smulhi.u32 $0x66666667, s8;
	s14 =	sshra.s32 s8, $0x1F  }
0x19c: {  	s9 =	sadd.s32 s15, s16;
	s16 =	spop (v2sf);
	s2 =	smul.u32 $0x66666667, s14  }
0x19d: {  	s13 =	sadd.s32 s17, s18;
	s18 =	smulhi.u32 $0x66666667, s16;
	s14 =	sshra.s32 s16, $0x1F  }
0x19e: {  	s16 =	sadd.s32 s19, s20;
	s15 =	spop (v2sf);
	s6 =	smul.u32 $0x66666667, s14  }
0x19f: {  	s19 =	smulhi.u32 $0x66666667, s15;
	s20 =	sshra.s32 s15, $0x1F;
	s28 =	spop (v2sf)  }
0x1a0: {  	s14 =	sadd.s32 s23, s22;
	s22 =	smul.u32 $0x66666667, s20;
	s0 =	spop (v2sf)  }
0x1a1: {  	s4 =	smulhi.u32 $0x66666667, s28;
	s20 =	sshra.s32 s28, $0x1F;
	s5 =	spop (v2sf)  }
0x1a2: {  	s21 =	sshrl.u32 s1, $0x1F;
	s7 =	smul.u32 $0x66666667, s20;
	s20 =	spop (v2sf)  }
0x1a3: {  	s2 =	sadd.s32 s2, s3;
	s3 =	smulhi.u32 $0x66666667, s0;
	s8 =	spop (v2sf)  }
0x1a4: {  	s15 =	sadd.s32 s24, s10;
	s28 =	smulhi.u32 $0x66666667, s8;
	s24 =	sshra.s32 s8, $0x1F  }
0x1a5: {  	v7 =	vmov s26;
	s26 =	sshrl.u32 s14, $0x1F;
	s18 =	sadd.s32 s6, s18;
	s24 =	smul.u32 $0x66666667, s24  }
0x1a6: {  	s6 =	sshrl.u32 s11, $0x1F;
	s23 =	sshra.s32 s0, $0x1F;
	s0 =	sshrl.u32 s2, $0x1F  }
0x1a7: {  	vm4 =	vcmask $0x300;
	s19 =	sadd.s32 s22, s19;
	s23 =	smul.u32 $0x66666667, s23;
	s17 =	sadd.s32 s24, s28  }
0x1a8: {  	vm8 =	vcmask $0x704;
	vm12 =	vcmask $0xF0C;
	vm13 =	vcmask $0x1714;
	s10 =	smulhi.u32 $0x66666667, s5;
	s4 =	sadd.s32 s7, s4;
	s7 =	sshra.s32 s17, $0x1F  }
0x1a9: {  	vm5 =	vcmask $0x2B28;
	s5 =	sshra.s32 s5, $0x1F;
	v8 =	vmov s0;
	s0 =	sshra.s32 s18, $0x9;
	s28 =	sshra.s32 s2, $0x9;
	v6 =	vmov s7  }
0x1aa: {  	vm14 =	vcmask $0x1F1C;
	v7 =	vsel vm1, s21, v7;
	s21 =	sshra.s32 s18, $0x1F;
	s2 =	sshra.s32 s2, $0x1F;
	s24 =	sshrl.u32 s16, $0x1F;
	v6 =	vsel vm4, s28, v6  }
0x1ab: {  	v7 =	vsel vm2, s6, v7;
	s22 =	sshrl.u32 s19, $0x1F;
	s8 =	sshrl.u32 s13, $0x1F;
	s3 =	sadd.s32 s23, s3;
	v9 =	vmov s24;
	v6 =	vsel vm8, s2, v6  }
0x1ac: {  	v8 =	vnsel vm4, $0x0, v8;
	s7 =	sshrl.u32 s9, $0x1F;
	v9 =	vsel vm1, s8, v9;
	s2 =	smul.u32 $0x66666667, s5;
	s5 =	sshrl.u32 s18, $0x1F;
	v6 =	vsel vm1, s0, v6  }
0x1ad: {  	v7 =	vsel vm0, s7, v7;
	s7 =	sshra.s32 s20, $0x1F;
	v8 =	vsel vm1, s5, v8;
	s5 =	smulhi.u32 $0x66666667, s20;
	s20 =	sshra.s32 s19, $0x9;
	v6 =	vsel vm12, s21, v6  }
0x1ae: {  	s28 =	sshrl.u32 s15, $0x1F;
	v9 =	vsel vm2, s26, v9;
	s18 =	sshra.s32 s12, $0x9;
	v8 =	vsel vm2, s22, v8;
	s22 =	sshra.s32 s19, $0x1F;
	v6 =	vsel vm2, s20, v6  }
0x1af: {  	s1 =	sshra.s32 s1, $0x9;
	s23 =	sshrl.u32 s3, $0x1F;
	s24 =	sshra.s32 s4, $0x9;
	v9 =	vsel vm0, s28, v9;
	v46 =	vmov s18;
	v6 =	vsel vm13, s22, v6  }
0x1b0: {  	s0 =	sshrl.u32 s4, $0x1F;
	s4 =	sshra.s32 s4, $0x1F;
	v7 =	vcombine.low v9, v7;
	s19 =	sshra.s32 s16, $0x9;
	v9 =	vsel vm1, s1, v46;
	v6 =	vsel vm0, s24, v6  }
0x1b1: {  	s2 =	sadd.s32 s2, s10;
	s10 =	sshra.s32 s3, $0x9;
	s20 =	sshra.s32 s13, $0x9;
	v10 =	vmov s19;
	vm13 =	vcmask $0x2320;
	v6 =	vsel vm14, s4, v6  }
0x1b2: {  	s6 =	smul.u32 $0x66666667, s7;
	s3 =	sshra.s32 s3, $0x1F;
	v8 =	vsel vm0, s0, v8;
	s22 =	sshra.s32 s11, $0x9;
	v10 =	vsel vm1, s20, v10;
	v6 =	vsel vm13, s10, v6  }
0x1b3: {  	s0 =	sshrl.u32 s2, $0x1F;
	s21 =	sshra.s32 s2, $0x9;
	v8 =	vsel vm13, s23, v8;
	s23 =	sshra.s32 s14, $0x9;
	v9 =	vsel vm2, s22, v9;
	v6 =	vsel vm15, s3, v6  }
0x1b4: {  	s5 =	sadd.s32 s6, s5;
	s2 =	sshra.s32 s2, $0x1F;
	s24 =	sshra.s32 s9, $0x9;
	v8 =	vsel vm5, s0, v8;
	v10 =	vsel vm2, s23, v10;
	v6 =	vsel vm5, s21, v6  }
0x1b5: {  	v47 =	vld [tilespmem:$0x1FFF0];
	s26 =	sshra.s32 s15, $0x9;
	s6 =	sshrl.u32 s5, $0x1F;
	s28 =	sshra.s32 s5, $0x9;
	v9 =	vsel vm0, s24, v9;
	vm14 =	vcmask $0x3734;
	v6 =	vsel vm11, s2, v6  }
0x1b6: {  	s0 =	sshrl.u32 s17, $0x1F;
	v8 =	vsel vm7, s6, v8;
	v10 =	vsel vm0, s26, v10;
	s3 =	sshra.s32 s5, $0x1F;
	v6 =	vsel vm7, s28, v6  }
0x1b7: {  	s4 =	sshra.s32 s17, $0x9;
	v8 =	vsel vm6, s0, v8;
	v9 =	vcombine.low v10, v9;
	v6 =	vsel vm14, s3, v6  }
0x1b8: {  	v7 =	vperm.xlane v7, v2;
	v8 =	vperm.xlane v8, v3;
	v6 =	vsel vm6, s4, v6  }
0x1b9: {  	v9 =	vperm.xlane v9, v2;
	v6 =	vperm.xlane v6, v3  }
0x1ba: {  	vm3 =	vnez.u8 v47  }
0x1bb: {  	v7 =	vsel vm3, v8, v7;
	v6 =	vsel vm3, v6, v9  }
0x1bc: {  	v6 =	vadd.s32 v7, v6  }
0x1bd: {  	v7 =	vmul.u32 $0xFFFFFB00, v6;
	_ =	sdelay $0x1  }
0x1be: {  	v7 =	vadd.s32 v5, v7  }
0x1bf: {  	vm9 =	vlt.s32 v5, $0x1;
	vm10 =	vne.s32 v7, $0x0  }
0x1c0: {  	vm9 =	vmand vm9, vm10  }
0x1c1: {  	v5 =	vsel vm9, $0xFFFFFFFF, v4  }
0x1c2: {  	vm9 =	vlt.s32 v7, $0x0;
	v5 =	vadd.s32 v5, v6;
	v6 =	vadd.s32 $0x500, v7  }
0x1c3: {  	v6 =	vsel vm9, v6, v7;
	v7 =	vshrl.u32 v5, $0x3  }
0x1c4: {  	v7 =	vmul.u32 $0x2800, v7;
	v48 =	vshll.u32 v6, $0x3  }
0x1c5: {  	v5 =	vshll.u32 v5, $0x7;
	v8 =	vand.u32 $0xFFFFFC00, v48  }
0x1c6: {  	v5 =	vand.u32 $0x380, v5;
	v7 =	vadd.s32 v8, v7  }
0x1c7: {  	v6 =	vand.u32 $0x7F, v6;
	v5 =	vor.u32 v5, v7  }
0x1c8: {  	v7 =	vld [tilespmem:$0x9200];
	v5 =	vor.u32 v6, v5;
	_ =	sdelay $0x3  }
0x1c9: {  	s0 =	simm.s32 $0x9300  }
0x1ca: {  	[tilespmem:v5+s0+$0x0] =	vst.idx.add.f32.msk $0xffff, v7  }
0x1cb: {  	v5 =	vld [tilespmem:s31+$0x90];
	_ =	sdelay $0x4  }
0x1cc: {  	(v2sf) =	vpush v5, $0xD;
	_ =	sdelay $0x1  }
0x1cd: {  	(v2sf) =	vpush v5, $0xC;
	_ =	sdelay $0x1  }
0x1ce: {  	(v2sf) =	vpush v5, $0xE;
	_ =	sdelay $0x1  }
0x1cf: {  	(v2sf) =	vpush v5, $0xF;
	_ =	sdelay $0x1  }
0x1d0: {  	(v2sf) =	vpush v5, $0x9  }
0x1d1: {  	(v2sf) =	vpush v5, $0x8;
	_ =	sdelay $0x2  }
0x1d2: {  	(v2sf) =	vpush v5, $0xA;
	_ =	sdelay $0x1  }
0x1d3: {  	(v2sf) =	vpush v5, $0xB  }
0x1d4: {  	s5 =	spop (v2sf)  }
0x1d5: {  	(v2sf) =	vpush v5, $0x0;
	s6 =	smulhi.u32 $0x66666667, s5;
	s1 =	sshra.s32 s5, $0x1F  }
0x1d6: {  	s7 =	spop (v2sf);
	s1 =	smul.u32 $0x66666667, s1  }
0x1d7: {  	(v2sf) =	vpush v5, $0x1;
	s8 =	smulhi.u32 $0x66666667, s7;
	s3 =	sshra.s32 s7, $0x1F  }
0x1d8: {  	(v2sf) =	vpush v5, $0x2;
	s10 =	spop (v2sf);
	s3 =	smul.u32 $0x66666667, s3  }
0x1d9: {  	(v2sf) =	vpush v5, $0x3;
	s11 =	smulhi.u32 $0x66666667, s10;
	s5 =	sshra.s32 s10, $0x1F  }
0x1da: {  	(v2sf) =	vpush v5, $0x4;
	s21 =	spop (v2sf);
	s5 =	smul.u32 $0x66666667, s5  }
0x1db: {  	(v2sf) =	vpush v5, $0x5;
	s22 =	smulhi.u32 $0x66666667, s21;
	s7 =	sshra.s32 s21, $0x1F  }
0x1dc: {  	s13 =	spop (v2sf);
	(v2sf) =	vpush v5, $0x6;
	s7 =	smul.u32 $0x66666667, s7  }
0x1dd: {  	s10 =	smulhi.u32 $0x66666667, s13;
	s9 =	sshra.s32 s13, $0x1F;
	s14 =	spop (v2sf);
	(v2sf) =	vpush v5, $0x7  }
0x1de: {  	s13 =	smul.u32 $0x66666667, s9  }
0x1df: {  	s1 =	sadd.s32 s1, s6;
	s15 =	smulhi.u32 $0x66666667, s14;
	s9 =	sshra.s32 s14, $0x1F  }
0x1e0: {  	s18 =	sshrl.u32 s1, $0x1F;
	s24 =	spop (v2sf);
	s23 =	smul.u32 $0x66666667, s9  }
0x1e1: {  	s12 =	sadd.s32 s3, s8;
	s2 =	smulhi.u32 $0x66666667, s24;
	s9 =	sshra.s32 s24, $0x1F  }
0x1e2: {  	s1 =	sshra.s32 s1, $0x9;
	s26 =	spop (v2sf);
	s17 =	smul.u32 $0x66666667, s9  }
0x1e3: {  	s11 =	sadd.s32 s5, s11;
	s28 =	smulhi.u32 $0x66666667, s26;
	s16 =	sshra.s32 s26, $0x1F  }
0x1e4: {  	s20 =	spop (v2sf);
	s9 =	sadd.s32 s7, s22;
	s4 =	smul.u32 $0x66666667, s16  }
0x1e5: {  	s13 =	sadd.s32 s13, s10;
	s5 =	smulhi.u32 $0x66666667, s20;
	s21 =	sshra.s32 s20, $0x1F  }
0x1e6: {  	s22 =	spop (v2sf);
	s16 =	sadd.s32 s23, s15;
	s6 =	smul.u32 $0x66666667, s21  }
0x1e7: {  	s8 =	smulhi.u32 $0x66666667, s22;
	s7 =	sshra.s32 s22, $0x1F;
	s23 =	spop (v2sf)  }
0x1e8: {  	s7 =	smul.u32 $0x66666667, s7;
	s10 =	sshra.s32 s23, $0x1F;
	s24 =	spop (v2sf)  }
0x1e9: {  	s14 =	sadd.s32 s17, s2;
	s2 =	smul.u32 $0x66666667, s10;
	s10 =	spop (v2sf)  }
0x1ea: {  	s20 =	smulhi.u32 $0x66666667, s23;
	s15 =	sadd.s32 s4, s28;
	s22 =	spop (v2sf)  }
0x1eb: {  	s17 =	smulhi.u32 $0x66666667, s24;
	s26 =	sshra.s32 s24, $0x1F;
	s4 =	spop (v2sf)  }
0x1ec: {  	s19 =	sshrl.u32 s12, $0x1F;
	s28 =	smul.u32 $0x66666667, s26;
	s24 =	spop (v2sf)  }
0x1ed: {  	v7 =	vmov s19;
	s19 =	sshrl.u32 s16, $0x1F;
	s26 =	smulhi.u32 $0x66666667, s24;
	s21 =	sshra.s32 s24, $0x1F  }
0x1ee: {  	s23 =	sshrl.u32 s11, $0x1F;
	s5 =	sadd.s32 s6, s5;
	s21 =	smul.u32 $0x66666667, s21  }
0x1ef: {  	s7 =	sadd.s32 s7, s8;
	s2 =	sadd.s32 s2, s20;
	s20 =	sshrl.u32 s5, $0x1F  }
0x1f0: {  	v49 =	vmov s20;
	s20 =	sshra.s32 s7, $0x9;
	s3 =	sadd.s32 s28, s17;
	s17 =	sadd.s32 s21, s26  }
0x1f1: {  	s6 =	smulhi.u32 $0x66666667, s10;
	s10 =	sshra.s32 s10, $0x1F;
	s28 =	sshra.s32 s17, $0x1F  }
0x1f2: {  	s10 =	smul.u32 $0x66666667, s10;
	s8 =	sshra.s32 s22, $0x1F;
	s21 =	sshra.s32 s5, $0x9;
	v6 =	vmov s28  }
0x1f3: {  	vm9 =	vmmov vm5;
	v7 =	vsel vm1, s18, v7;
	s24 =	smulhi.u32 $0x66666667, s22;
	s22 =	sshrl.u32 s9, $0x1F;
	s5 =	sshra.s32 s5, $0x1F;
	v6 =	vsel vm4, s21, v6  }
0x1f4: {  	v7 =	vsel vm2, s23, v7;
	v8 =	vnsel vm4, $0x0, v49;
	s23 =	sshrl.u32 s3, $0x1F;
	v6 =	vsel vm8, s5, v6;
	s5 =	smul.u32 $0x66666667, s8;
	s8 =	sshrl.u32 s7, $0x1F  }
0x1f5: {  	v50 =	vmov s19;
	s6 =	sadd.s32 s10, s6;
	s7 =	sshra.s32 s7, $0x1F;
	v6 =	vsel vm1, s20, v6;
	s20 =	sshrl.u32 s2, $0x1F;
	v8 =	vsel vm1, s8, v8  }
0x1f6: {  	s10 =	sshra.s32 s12, $0x9;
	v7 =	vsel vm0, s22, v7;
	s22 =	sshra.s32 s2, $0x9;
	s26 =	sshrl.u32 s13, $0x1F;
	v6 =	vsel vm12, s7, v6;
	v8 =	vsel vm2, s20, v8  }
0x1f7: {  	vm4 =	vcmask $0x1714;
	s2 =	sshra.s32 s2, $0x1F;
	s5 =	sadd.s32 s5, s24;
	v6 =	vsel vm2, s22, v6;
	v8 =	vsel vm0, s23, v8;
	s23 =	sshrl.u32 s6, $0x1F  }
0x1f8: {  	s12 =	sshra.s32 s16, $0x9;
	v9 =	vsel vm1, s26, v50;
	s24 =	sshra.s32 s3, $0x9;
	s26 =	sshrl.u32 s5, $0x1F;
	v6 =	vsel vm4, s2, v6;
	v8 =	vsel vm13, s23, v8  }
0x1f9: {  	s28 =	sshrl.u32 s15, $0x1F;
	s21 =	sshrl.u32 s14, $0x1F;
	s3 =	sshra.s32 s3, $0x1F;
	v6 =	vsel vm0, s24, v6;
	v8 =	vsel vm5, s26, v8;
	vm5 =	vcmask $0x1F1C  }
0x1fa: {  	v51 =	vmov s10;
	v9 =	vsel vm2, s21, v9;
	s8 =	sshra.s32 s6, $0x9;
	s7 =	smulhi.u32 $0x66666667, s4;
	s4 =	sshra.s32 s4, $0x1F;
	v6 =	vsel vm5, s3, v6  }
0x1fb: {  	s18 =	sshra.s32 s13, $0x9;
	s16 =	sshra.s32 s6, $0x1F;
	v52 =	vmov s12;
	v9 =	vsel vm0, s28, v9;
	s4 =	smul.u32 $0x66666667, s4;
	v6 =	vsel vm13, s8, v6  }
0x1fc: {  	s21 =	sshra.s32 s14, $0x9;
	v7 =	vcombine.low v9, v7;
	v9 =	vsel vm1, s1, v51;
	s20 =	sshra.s32 s11, $0x9;
	s19 =	sshra.s32 s5, $0x9;
	v6 =	vsel vm15, s16, v6  }
0x1fd: {  	v10 =	vsel vm1, s18, v52;
	s22 =	sshra.s32 s5, $0x1F;
	v9 =	vsel vm2, s20, v9;
	s23 =	sshra.s32 s9, $0x9;
	s4 =	sadd.s32 s4, s7;
	v6 =	vsel vm9, s19, v6  }
0x1fe: {  	v10 =	vsel vm2, s21, v10;
	s24 =	sshra.s32 s15, $0x9;
	v9 =	vsel vm0, s23, v9;
	s7 =	sshrl.u32 s4, $0x1F;
	s26 =	sshra.s32 s4, $0x9;
	v6 =	vsel vm11, s22, v6  }
0x1ff: {  	s28 =	sshrl.u32 s17, $0x1F;
	v10 =	vsel vm0, s24, v10;
	s3 =	sshra.s32 s4, $0x1F;
	v8 =	vsel vm7, s7, v8;
	v6 =	vsel vm7, s26, v6  }
0x200: {  	s4 =	sshra.s32 s17, $0x9;
	v9 =	vcombine.low v10, v9;
	v8 =	vsel vm6, s28, v8;
	v6 =	vsel vm14, s3, v6  }
0x201: {  	v7 =	vperm.xlane v7, v2;
	v8 =	vperm.xlane v8, v3;
	v6 =	vsel vm6, s4, v6  }
0x202: {  	v9 =	vperm.xlane v9, v2;
	v6 =	vperm.xlane v6, v3;
	_ =	sdelay $0x1  }
0x203: {  	v7 =	vsel vm3, v8, v7;
	v6 =	vsel vm3, v6, v9  }
0x204: {  	v6 =	vadd.s32 v7, v6  }
0x205: {  	v7 =	vmul.u32 $0xFFFFFB00, v6;
	_ =	sdelay $0x1  }
0x206: {  	v7 =	vadd.s32 v5, v7  }
0x207: {  	vm9 =	vlt.s32 v5, $0x1;
	vm10 =	vne.s32 v7, $0x0  }
0x208: {  	vm9 =	vmand vm9, vm10  }
0x209: {  	v5 =	vsel vm9, $0xFFFFFFFF, v4  }
0x20a: {  	vm9 =	vlt.s32 v7, $0x0;
	v5 =	vadd.s32 v5, v6;
	v6 =	vadd.s32 $0x500, v7  }
0x20b: {  	v6 =	vsel vm9, v6, v7;
	v7 =	vshrl.u32 v5, $0x3  }
0x20c: {  	v7 =	vmul.u32 $0x2800, v7;
	v53 =	vshll.u32 v6, $0x3  }
0x20d: {  	v5 =	vshll.u32 v5, $0x7;
	v8 =	vand.u32 $0xFFFFFC00, v53  }
0x20e: {  	v5 =	vand.u32 $0x380, v5;
	v7 =	vadd.s32 v8, v7  }
0x20f: {  	v6 =	vand.u32 $0x7F, v6;
	v5 =	vor.u32 v5, v7  }
0x210: {  	v7 =	vld [tilespmem:$0x9210];
	v5 =	vor.u32 v6, v5;
	_ =	sdelay $0x4  }
0x211: {  	[tilespmem:v5+s0+$0x0] =	vst.idx.add.f32.msk $0xffff, v7  }
0x212: {  	v5 =	vld [tilespmem:s31+$0xA0];
	_ =	sdelay $0x4  }
0x213: {  	(v2sf) =	vpush v5, $0xD;
	_ =	sdelay $0x1  }
0x214: {  	(v2sf) =	vpush v5, $0xC;
	_ =	sdelay $0x1  }
0x215: {  	(v2sf) =	vpush v5, $0xE;
	_ =	sdelay $0x1  }
0x216: {  	(v2sf) =	vpush v5, $0xF;
	_ =	sdelay $0x1  }
0x217: {  	(v2sf) =	vpush v5, $0x9;
	_ =	sdelay $0x1  }
0x218: {  	(v2sf) =	vpush v5, $0x8;
	_ =	sdelay $0x1  }
0x219: {  	(v2sf) =	vpush v5, $0xA;
	_ =	sdelay $0x1  }
0x21a: {  	(v2sf) =	vpush v5, $0xB  }
0x21b: {  	s5 =	spop (v2sf)  }
0x21c: {  	(v2sf) =	vpush v5, $0x0;
	s6 =	smulhi.u32 $0x66666667, s5;
	s1 =	sshra.s32 s5, $0x1F  }
0x21d: {  	s7 =	spop (v2sf);
	s1 =	smul.u32 $0x66666667, s1  }
0x21e: {  	(v2sf) =	vpush v5, $0x1;
	s8 =	smulhi.u32 $0x66666667, s7;
	s3 =	sshra.s32 s7, $0x1F  }
0x21f: {  	s10 =	spop (v2sf);
	s3 =	smul.u32 $0x66666667, s3  }
0x220: {  	(v2sf) =	vpush v5, $0x2;
	s11 =	smulhi.u32 $0x66666667, s10;
	s5 =	sshra.s32 s10, $0x1F  }
0x221: {  	(v2sf) =	vpush v5, $0x3;
	s21 =	spop (v2sf);
	s5 =	smul.u32 $0x66666667, s5  }
0x222: {  	(v2sf) =	vpush v5, $0x4;
	s22 =	smulhi.u32 $0x66666667, s21;
	s7 =	sshra.s32 s21, $0x1F  }
0x223: {  	s13 =	spop (v2sf);
	(v2sf) =	vpush v5, $0x5;
	s7 =	smul.u32 $0x66666667, s7  }
0x224: {  	s10 =	smulhi.u32 $0x66666667, s13;
	s9 =	sshra.s32 s13, $0x1F;
	(v2sf) =	vpush v5, $0x6  }
0x225: {  	s14 =	spop (v2sf);
	s13 =	smul.u32 $0x66666667, s9;
	(v2sf) =	vpush v5, $0x7  }
0x226: {  	s15 =	smulhi.u32 $0x66666667, s14;
	s9 =	sshra.s32 s14, $0x1F  }
0x227: {  	s24 =	spop (v2sf);
	s23 =	smul.u32 $0x66666667, s9  }
0x228: {  	s2 =	smulhi.u32 $0x66666667, s24;
	s9 =	sshra.s32 s24, $0x1F  }
0x229: {  	s1 =	sadd.s32 s1, s6;
	s26 =	spop (v2sf);
	s17 =	smul.u32 $0x66666667, s9  }
0x22a: {  	s18 =	sshrl.u32 s1, $0x1F;
	s28 =	smulhi.u32 $0x66666667, s26;
	s16 =	sshra.s32 s26, $0x1F  }
0x22b: {  	s12 =	sadd.s32 s3, s8;
	s20 =	spop (v2sf);
	s4 =	smul.u32 $0x66666667, s16  }
0x22c: {  	s11 =	sadd.s32 s5, s11;
	s5 =	smulhi.u32 $0x66666667, s20;
	s21 =	sshra.s32 s20, $0x1F  }
0x22d: {  	s9 =	sadd.s32 s7, s22;
	s6 =	smul.u32 $0x66666667, s21;
	s22 =	spop (v2sf)  }
0x22e: {  	s13 =	sadd.s32 s13, s10;
	s8 =	smulhi.u32 $0x66666667, s22;
	s7 =	sshra.s32 s22, $0x1F  }
0x22f: {  	s16 =	sadd.s32 s23, s15;
	s23 =	spop (v2sf);
	s7 =	smul.u32 $0x66666667, s7  }
0x230: {  	s20 =	smulhi.u32 $0x66666667, s23;
	s10 =	sshra.s32 s23, $0x1F;
	s24 =	spop (v2sf)  }
0x231: {  	s14 =	sadd.s32 s17, s2;
	s2 =	smul.u32 $0x66666667, s10;
	s10 =	spop (v2sf)  }
0x232: {  	s17 =	smulhi.u32 $0x66666667, s24;
	s26 =	sshra.s32 s24, $0x1F;
	s22 =	spop (v2sf)  }
0x233: {  	s15 =	sadd.s32 s4, s28;
	s28 =	smul.u32 $0x66666667, s26;
	s4 =	spop (v2sf)  }
0x234: {  	s5 =	sadd.s32 s6, s5;
	s6 =	smulhi.u32 $0x66666667, s10;
	s24 =	spop (v2sf)  }
0x235: {  	s19 =	sshrl.u32 s12, $0x1F;
	s26 =	smulhi.u32 $0x66666667, s24;
	s21 =	sshra.s32 s24, $0x1F  }
0x236: {  	v7 =	vmov s19;
	s19 =	sshrl.u32 s16, $0x1F;
	s23 =	sshrl.u32 s11, $0x1F;
	s21 =	smul.u32 $0x66666667, s21  }
0x237: {  	s7 =	sadd.s32 s7, s8;
	s10 =	sshra.s32 s10, $0x1F;
	s2 =	sadd.s32 s2, s20  }
0x238: {  	s20 =	sshrl.u32 s5, $0x1F;
	s3 =	sadd.s32 s28, s17;
	s17 =	sadd.s32 s21, s26  }
0x239: {  	vm9 =	vcmask $0x300;
	s10 =	smul.u32 $0x66666667, s10;
	s8 =	sshra.s32 s22, $0x1F;
	s28 =	sshra.s32 s17, $0x1F  }
0x23a: {  	v7 =	vsel vm1, s18, v7;
	v54 =	vmov s20;
	s20 =	sshra.s32 s7, $0x9;
	s18 =	sshrl.u32 s2, $0x1F;
	s21 =	sshra.s32 s5, $0x9;
	v6 =	vmov s28  }
0x23b: {  	v55 =	vmov s19;
	v7 =	vsel vm2, s23, v7;
	s23 =	sshra.s32 s2, $0x9;
	s5 =	sshra.s32 s5, $0x1F;
	s26 =	sshrl.u32 s13, $0x1F;
	v6 =	vsel vm9, s21, v6  }
0x23c: {  	s24 =	smulhi.u32 $0x66666667, s22;
	s22 =	sshrl.u32 s9, $0x1F;
	v9 =	vsel vm1, s26, v55;
	s26 =	sshra.s32 s16, $0x9;
	v6 =	vsel vm8, s5, v6  }
0x23d: {  	v8 =	vnsel vm9, $0x0, v54;
	s5 =	smul.u32 $0x66666667, s8;
	s8 =	sshrl.u32 s7, $0x1F;
	s7 =	sshra.s32 s7, $0x1F;
	v6 =	vsel vm1, s20, v6  }
0x23e: {  	s2 =	sshra.s32 s2, $0x1F;
	s6 =	sadd.s32 s10, s6;
	v7 =	vsel vm0, s22, v7;
	v57 =	vmov s26;
	s21 =	sshrl.u32 s14, $0x1F;
	v6 =	vsel vm12, s7, v6  }
0x23f: {  	s22 =	smulhi.u32 $0x66666667, s4;
	s4 =	sshra.s32 s4, $0x1F;
	s28 =	sshrl.u32 s15, $0x1F;
	v9 =	vsel vm2, s21, v9;
	v8 =	vsel vm1, s8, v8;
	v6 =	vsel vm2, s23, v6  }
0x240: {  	s19 =	sshra.s32 s3, $0x9;
	s4 =	smul.u32 $0x66666667, s4;
	s21 =	sshra.s32 s3, $0x1F;
	v9 =	vsel vm0, s28, v9;
	v8 =	vsel vm2, s18, v8;
	v6 =	vsel vm4, s2, v6  }
0x241: {  	s20 =	sshrl.u32 s3, $0x1F;
	s5 =	sadd.s32 s5, s24;
	vm12 =	vmmov vm4;
	v7 =	vcombine.low v9, v7;
	s24 =	sshra.s32 s12, $0x9;
	v6 =	vsel vm0, s19, v6  }
0x242: {  	s1 =	sshra.s32 s1, $0x9;
	s18 =	sshrl.u32 s6, $0x1F;
	v8 =	vsel vm0, s20, v8;
	s23 =	sshra.s32 s6, $0x9;
	v56 =	vmov s24;
	v6 =	vsel vm5, s21, v6  }
0x243: {  	s4 =	sadd.s32 s4, s22;
	s28 =	sshra.s32 s6, $0x1F;
	s6 =	sshra.s32 s13, $0x9;
	v8 =	vsel vm13, s18, v8;
	vm4 =	vcmask $0x2B28;
	v6 =	vsel vm13, s23, v6  }
0x244: {  	s8 =	sshra.s32 s11, $0x9;
	s20 =	sshrl.u32 s5, $0x1F;
	s7 =	sshra.s32 s5, $0x9;
	v9 =	vsel vm1, s1, v56;
	v10 =	vsel vm1, s6, v57;
	v6 =	vsel vm15, s28, v6  }
0x245: {  	s10 =	sshra.s32 s14, $0x9;
	s22 =	sshrl.u32 s4, $0x1F;
	s11 =	sshra.s32 s5, $0x1F;
	v8 =	vsel vm4, s20, v8;
	v9 =	vsel vm2, s8, v9;
	v6 =	vsel vm4, s7, v6  }
0x246: {  	s14 =	sshra.s32 s4, $0x9;
	s12 =	sshra.s32 s9, $0x9;
	s13 =	sshra.s32 s15, $0x9;
	v10 =	vsel vm2, s10, v10;
	v8 =	vsel vm7, s22, v8;
	v6 =	vsel vm11, s11, v6  }
0x247: {  	s16 =	sshra.s32 s4, $0x1F;
	s15 =	sshrl.u32 s17, $0x1F;
	v9 =	vsel vm0, s12, v9;
	v10 =	vsel vm0, s13, v10;
	v6 =	vsel vm7, s14, v6  }
0x248: {  	s17 =	sshra.s32 s17, $0x9;
	v8 =	vsel vm6, s15, v8;
	v9 =	vcombine.low v10, v9;
	v6 =	vsel vm14, s16, v6  }
0x249: {  	v7 =	vperm.xlane v7, v2;
	v8 =	vperm.xlane v8, v3;
	v6 =	vsel vm6, s17, v6  }
0x24a: {  	v9 =	vperm.xlane v9, v2;
	v6 =	vperm.xlane v6, v3;
	_ =	sdelay $0x1  }
0x24b: {  	v7 =	vsel vm3, v8, v7;
	v6 =	vsel vm3, v6, v9  }
0x24c: {  	v6 =	vadd.s32 v7, v6  }
0x24d: {  	v7 =	vmul.u32 $0xFFFFFB00, v6;
	_ =	sdelay $0x1  }
0x24e: {  	v7 =	vadd.s32 v5, v7  }
0x24f: {  	vm8 =	vmmov vm9;
	vm9 =	vlt.s32 v5, $0x1;
	vm10 =	vne.s32 v7, $0x0  }
0x250: {  	vm9 =	vmand vm9, vm10  }
0x251: {  	v5 =	vsel vm9, $0xFFFFFFFF, v4  }
0x252: {  	vm9 =	vlt.s32 v7, $0x0;
	v5 =	vadd.s32 v5, v6;
	v6 =	vadd.s32 $0x500, v7  }
0x253: {  	v6 =	vsel vm9, v6, v7;
	v7 =	vshrl.u32 v5, $0x3  }
0x254: {  	v7 =	vmul.u32 $0x2800, v7;
	v58 =	vshll.u32 v6, $0x3  }
0x255: {  	v5 =	vshll.u32 v5, $0x7;
	v8 =	vand.u32 $0xFFFFFC00, v58  }
0x256: {  	v5 =	vand.u32 $0x380, v5;
	v7 =	vadd.s32 v8, v7  }
0x257: {  	v6 =	vand.u32 $0x7F, v6;
	v5 =	vor.u32 v5, v7  }
0x258: {  	v7 =	vld [tilespmem:$0x9220];
	v5 =	vor.u32 v6, v5;
	_ =	sdelay $0x4  }
0x259: {  	[tilespmem:v5+s0+$0x0] =	vst.idx.add.f32.msk $0xffff, v7  }
0x25a: {  	v5 =	vld [tilespmem:s31+$0xB0];
	_ =	sdelay $0x4  }
0x25b: {  	(v2sf) =	vpush v5, $0xD;
	_ =	sdelay $0x1  }
0x25c: {  	(v2sf) =	vpush v5, $0xC;
	_ =	sdelay $0x1  }
0x25d: {  	(v2sf) =	vpush v5, $0xE;
	_ =	sdelay $0x1  }
0x25e: {  	(v2sf) =	vpush v5, $0xF;
	_ =	sdelay $0x1  }
0x25f: {  	(v2sf) =	vpush v5, $0x9;
	_ =	sdelay $0x1  }
0x260: {  	(v2sf) =	vpush v5, $0x8;
	_ =	sdelay $0x1  }
0x261: {  	(v2sf) =	vpush v5, $0xA;
	_ =	sdelay $0x1  }
0x262: {  	(v2sf) =	vpush v5, $0xB  }
0x263: {  	s18 =	spop (v2sf)  }
0x264: {  	(v2sf) =	vpush v5, $0x0;
	s2 =	smulhi.u32 $0x66666667, s18;
	s1 =	sshra.s32 s18, $0x1F  }
0x265: {  	(v2sf) =	vpush v5, $0x1;
	s19 =	spop (v2sf);
	s1 =	smul.u32 $0x66666667, s1  }
0x266: {  	s4 =	smulhi.u32 $0x66666667, s19;
	s3 =	sshra.s32 s19, $0x1F  }
0x267: {  	s20 =	spop (v2sf);
	s3 =	smul.u32 $0x66666667, s3  }
0x268: {  	(v2sf) =	vpush v5, $0x2;
	s6 =	smulhi.u32 $0x66666667, s20;
	s5 =	sshra.s32 s20, $0x1F  }
0x269: {  	(v2sf) =	vpush v5, $0x3;
	s21 =	spop (v2sf);
	s5 =	smul.u32 $0x66666667, s5  }
0x26a: {  	s8 =	smulhi.u32 $0x66666667, s21;
	s7 =	sshra.s32 s21, $0x1F  }
0x26b: {  	(v2sf) =	vpush v5, $0x4;
	s22 =	spop (v2sf);
	s7 =	smul.u32 $0x66666667, s7  }
0x26c: {  	(v2sf) =	vpush v5, $0x5;
	s12 =	smulhi.u32 $0x66666667, s22;
	s9 =	sshra.s32 s22, $0x1F  }
0x26d: {  	(v2sf) =	vpush v5, $0x6;
	s23 =	spop (v2sf);
	s14 =	smul.u32 $0x66666667, s9  }
0x26e: {  	(v2sf) =	vpush v5, $0x7;
	s15 =	smulhi.u32 $0x66666667, s23;
	s10 =	sshra.s32 s23, $0x1F  }
0x26f: {  	s24 =	spop (v2sf);
	s10 =	smul.u32 $0x66666667, s10  }
0x270: {  	s18 =	smulhi.u32 $0x66666667, s24;
	s9 =	sshra.s32 s24, $0x1F  }
0x271: {  	s26 =	spop (v2sf);
	s19 =	smul.u32 $0x66666667, s9  }
0x272: {  	s21 =	smulhi.u32 $0x66666667, s26;
	s11 =	sshra.s32 s26, $0x1F  }
0x273: {  	s28 =	spop (v2sf);
	s9 =	sadd.s32 s5, s6;
	s23 =	smul.u32 $0x66666667, s11  }
0x274: {  	s16 =	spop (v2sf);
	s26 =	smulhi.u32 $0x66666667, s28;
	s13 =	sshra.s32 s28, $0x1F  }
0x275: {  	s11 =	sadd.s32 s1, s2;
	s1 =	sadd.s32 s7, s8;
	s28 =	smul.u32 $0x66666667, s13  }
0x276: {  	s13 =	sadd.s32 s3, s4;
	s3 =	smulhi.u32 $0x66666667, s16;
	s16 =	sshra.s32 s16, $0x1F  }
0x277: {  	s17 =	spop (v2sf);
	s4 =	sshrl.u32 s11, $0x1F;
	s5 =	smul.u32 $0x66666667, s16  }
0x278: {  	s20 =	spop (v2sf);
	s6 =	smulhi.u32 $0x66666667, s17;
	s17 =	sshra.s32 s17, $0x1F  }
0x279: {  	s16 =	sadd.s32 s14, s12;
	s8 =	sshrl.u32 s13, $0x1F;
	s14 =	sadd.s32 s19, s18  }
0x27a: {  	s12 =	sadd.s32 s23, s21;
	s21 =	sshrl.u32 s9, $0x1F;
	s22 =	spop (v2sf)  }
0x27b: {  	s7 =	smul.u32 $0x66666667, s17;
	s17 =	sadd.s32 s10, s15;
	s24 =	spop (v2sf)  }
0x27c: {  	s10 =	smulhi.u32 $0x66666667, s20;
	s20 =	sshra.s32 s20, $0x1F;
	s2 =	spop (v2sf)  }
0x27d: {  	s18 =	sadd.s32 s28, s26;
	s15 =	smul.u32 $0x66666667, s20;
	s23 =	spop (v2sf)  }
0x27e: {  	s3 =	sadd.s32 s5, s3;
	s26 =	smulhi.u32 $0x66666667, s23;
	s20 =	sshra.s32 s23, $0x1F  }
0x27f: {  	s5 =	sshrl.u32 s17, $0x1F;
	s6 =	sadd.s32 s7, s6;
	s20 =	smul.u32 $0x66666667, s20  }
0x280: {  	v7 =	vmov s8;
	s7 =	sshrl.u32 s1, $0x1F;
	s28 =	smulhi.u32 $0x66666667, s22;
	s22 =	sshra.s32 s22, $0x1F  }
0x281: {  	v7 =	vsel vm1, s4, v7;
	s10 =	sadd.s32 s15, s10;
	s22 =	smul.u32 $0x66666667, s22;
	s15 =	sadd.s32 s20, s26  }
0x282: {  	v7 =	vsel vm2, s21, v7;
	s4 =	smulhi.u32 $0x66666667, s24;
	s8 =	sshra.s32 s24, $0x1F;
	s20 =	sshra.s32 s15, $0x1F  }
0x283: {  	v7 =	vsel vm0, s7, v7;
	s7 =	sshra.s32 s13, $0x9;
	s8 =	smul.u32 $0x66666667, s8;
	s26 =	sshra.s32 s18, $0x9;
	v6 =	vmov s20  }
0x284: {  	vm9 =	vcmask $0x704;
	s19 =	sadd.s32 s22, s28;
	s22 =	sshrl.u32 s18, $0x1F;
	s28 =	sshra.s32 s18, $0x1F;
	v6 =	vsel vm8, s26, v6  }
0x285: {  	s24 =	sshrl.u32 s6, $0x1F;
	s23 =	sshrl.u32 s16, $0x1F;
	v59 =	vmov s22;
	v6 =	vsel vm9, s28, v6;
	s28 =	sshra.s32 s3, $0x9  }
0x286: {  	s21 =	sadd.s32 s8, s4;
	v8 =	vnsel vm8, $0x0, v59;
	s26 =	sshrl.u32 s3, $0x1F;
	vm8 =	vcmask $0xF0C;
	s3 =	sshra.s32 s3, $0x1F;
	v6 =	vsel vm1, s28, v6  }
0x287: {  	v8 =	vsel vm1, s26, v8;
	s26 =	smulhi.u32 $0x66666667, s2;
	s2 =	sshra.s32 s2, $0x1F;
	s28 =	sshra.s32 s6, $0x9;
	v6 =	vsel vm8, s3, v6  }
0x288: {  	v60 =	vmov s5;
	v61 =	vmov s7;
	s8 =	sshra.s32 s17, $0x9;
	s2 =	smul.u32 $0x66666667, s2;
	s6 =	sshra.s32 s6, $0x1F;
	v6 =	vsel vm2, s28, v6  }
0x289: {  	s16 =	sshra.s32 s16, $0x9;
	v9 =	vsel vm1, s23, v60;
	s23 =	sshra.s32 s10, $0x9;
	v62 =	vmov s8;
	s20 =	sshrl.u32 s14, $0x1F;
	v6 =	vsel vm12, s6, v6  }
0x28a: {  	s18 =	sshrl.u32 s12, $0x1F;
	v10 =	vsel vm1, s16, v62;
	v9 =	vsel vm2, s20, v9;
	s2 =	sadd.s32 s2, s26;
	s26 =	sshra.s32 s10, $0x1F;
	v6 =	vsel vm0, s23, v6  }
0x28b: {  	s13 =	sshra.s32 s11, $0x9;
	v9 =	vsel vm0, s18, v9;
	v8 =	vsel vm2, s24, v8;
	s6 =	sshra.s32 s19, $0x9;
	v6 =	vsel vm5, s26, v6  }
0x28c: {  	s5 =	sshrl.u32 s10, $0x1F;
	s18 =	sshra.s32 s9, $0x9;
	v7 =	vcombine.low v9, v7;
	v9 =	vsel vm1, s13, v61;
	s10 =	sshra.s32 s19, $0x1F;
	v6 =	vsel vm13, s6, v6  }
0x28d: {  	s1 =	sshra.s32 s1, $0x9;
	s22 =	sshrl.u32 s19, $0x1F;
	s17 =	sshra.s32 s21, $0x9;
	v8 =	vsel vm0, s5, v8;
	v9 =	vsel vm2, s18, v9;
	v6 =	vsel vm15, s10, v6  }
0x28e: {  	s24 =	sshrl.u32 s21, $0x1F;
	s3 =	sshra.s32 s21, $0x1F;
	v8 =	vsel vm13, s22, v8;
	v9 =	vsel vm0, s1, v9;
	s19 =	sshra.s32 s14, $0x9;
	v6 =	vsel vm4, s17, v6  }
0x28f: {  	s20 =	sshra.s32 s12, $0x9;
	v8 =	vsel vm4, s24, v8;
	s28 =	sshrl.u32 s2, $0x1F;
	s21 =	sshra.s32 s2, $0x9;
	v10 =	vsel vm2, s19, v10;
	v6 =	vsel vm11, s3, v6  }
0x290: {  	s22 =	sshrl.u32 s15, $0x1F;
	v8 =	vsel vm7, s28, v8;
	s23 =	sshra.s32 s2, $0x1F;
	v10 =	vsel vm0, s20, v10;
	v6 =	vsel vm7, s21, v6  }
0x291: {  	s24 =	sshra.s32 s15, $0x9;
	v8 =	vsel vm6, s22, v8;
	v9 =	vcombine.low v10, v9;
	v6 =	vsel vm14, s23, v6  }
0x292: {  	v7 =	vperm.xlane v7, v2;
	v8 =	vperm.xlane v8, v3;
	v6 =	vsel vm6, s24, v6  }
0x293: {  	v9 =	vperm.xlane v9, v2;
	v6 =	vperm.xlane v6, v3;
	_ =	sdelay $0x1  }
0x294: {  	v7 =	vsel vm3, v8, v7;
	v6 =	vsel vm3, v6, v9  }
0x295: {  	v6 =	vadd.s32 v7, v6  }
0x296: {  	v7 =	vmul.u32 $0xFFFFFB00, v6;
	_ =	sdelay $0x1  }
0x297: {  	v7 =	vadd.s32 v5, v7  }
0x298: {  	vm9 =	vlt.s32 v5, $0x1;
	vm10 =	vne.s32 v7, $0x0  }
0x299: {  	vm9 =	vmand vm9, vm10  }
0x29a: {  	v5 =	vsel vm9, $0xFFFFFFFF, v4  }
0x29b: {  	vm9 =	vlt.s32 v7, $0x0;
	v5 =	vadd.s32 v5, v6;
	v6 =	vadd.s32 $0x500, v7  }
0x29c: {  	v6 =	vsel vm9, v6, v7;
	v7 =	vshrl.u32 v5, $0x3  }
0x29d: {  	v7 =	vmul.u32 $0x2800, v7;
	v63 =	vshll.u32 v6, $0x3  }
0x29e: {  	v5 =	vshll.u32 v5, $0x7;
	v8 =	vand.u32 $0xFFFFFC00, v63  }
0x29f: {  	v5 =	vand.u32 $0x380, v5;
	v7 =	vadd.s32 v8, v7  }
0x2a0: {  	v6 =	vand.u32 $0x7F, v6;
	v5 =	vor.u32 v5, v7  }
0x2a1: {  	v7 =	vld [tilespmem:$0x9230];
	v5 =	vor.u32 v6, v5;
	_ =	sdelay $0x3  }
0x2a2: {  	p0 =	slt.u32 s29, $0x140;
	s28 =	sor.u32 $0x1200, s30  }
0x2a3: {  	s30 =	rddreg [dreg:$0x3];
	s26 =	sor.u32 $0x80, s31;
	s31 =	simm.s32 $0x40;
	[tilespmem:v5+s0+$0x0] =	vst.idx.add.f32.msk $0xffff, v7  }
0x2a4: {  	[spmem:s30] =	stream.indirect.scatter.add.f32 [tilespmem:s28], [sflag:$0x3], $0x80, s26, s31, $0xb8;
	[tilespmem:$0x1FB00] =	vst v63  }
.Ltmp6:
0x2a5: {  	_ = 	snop;
	(pc) =	sbr.rel @p0 .LBB2_6-.Ltmp6, $4  }
.Ltmp7:
0x2a6: {  	_ = 	snop;
	(pc) =	sbr.rel @!p0 .LBB2_14-.Ltmp7, $4  }
0x2a7: {  	_ =	swait.ge [sflag:s25], $0x2000  }
0x2a8: {  	[sflag:s25] =	ssyncset.done $0x0  }
0x2a9: {  	s9 =	smov.u32 s29;
	s6 =	simm.s32 $0x9300;
	[sflag:s25] =	ssyncadd.s32 $0xFFFFE000  }
0x2aa: {  	_ = 	snop  }
.LBB2_8:
0x2ab: {  	p0 =	seq.s32 s9, $0x13F  }
.Ltmp8:
0x2ac: {  	_ = 	snop;
	(pc) =	sbr.rel @p0 .LBB2_11-.Ltmp8, $2  }
0x2ad: {  	_ =	sdelay $0x2  }
0x2ae: {  	s29 =	simm.s32 $0x140  }
.Ltmp9:
0x2af: {  	(pc) =	sbr.rel .LBB2_10-.Ltmp9, $2  }
0x2b0: {  	_ =	sdelay $0x2  }
0x2b1: {  	s29 =	sadd.s32 $0x1, s9  }
.LBB2_15:
0x2b2: {  	_ =	sfence.sel $0x180000  }
0x2b3: {  	[bflag:$0x0] =	sbarrier.arrive $0xFFFF  }
0x2b4: {  	_ =	strace $0x90000047  }
0x2b5: {  	s0 =	stileid.u32;
	[bflag:$0x2] =	sbarrier.arrive $0xFFFF  }
0x2b6: {  	p0 =	sne.s32 s0, $0x0;
	s0 =	rddreg [dreg:$0x4]  }
0x2b7: {  	s0 =	sadd.s32 @!p0 $0x100000, s0  }
0x2b8: {  	[sflag:s0] =	ssyncadd.tile.s32 @!p0 $0x1;
	_ =	shalt  }
.Lfunc_end2:
_tile_overlayer_lowered:
.L_overlay_start_2:
0x2b9: {  	(tag) =	ssettag $0x2  }
0x2ba: {  	s0 =	rddreg [dreg:$0x0];
	s2 =	stileid.u32  }
0x2bb: {  	s1 =	rddreg [dreg:$0x1];
	p0 =	sne.s32 s2, $0x0  }
0x2bc: {  	s3 =	rddreg [dreg:$0x2];
	[bflag:$0x3] =	sbarrier.arrive $0xFFFF;
	s2 =	simm.s32 @!p0 $0x1C03  }
0x2bd: {  	[timem:s3], [sflag:s2] =	dma.local @!p0 [hbm:s0], s1  }
0x2be: {  	s0 =	simm.s32 @!p0 $0x3  }
0x2bf: {  	_ =	swait.ge @!p0 [sflag:s0], s1  }
0x2c0: {  	s1 =	ssub.s32 @!p0 $0x0, s1;
	[sflag:s0] =	ssyncset.done @!p0 $0x0  }
0x2c1: {  	[sflag:s0] =	ssyncadd.s32 @!p0 s1  }
0x2c2: {  	[bflag:$0x3] =	sbarrier.arrive $0xFFFF  }
0x2c3: {  	_ =	shalt  }

</sc_bundles>
